<compile_context>
chip_gen: v7x
topology: tpu7x:2x2x1
jax: 0.10.2.dev20260603
libtpu: 0.0.44.dev20260713+nightly
codegen_flags: <defaults>
</compile_context>

<pallas_src>
import math

import jax
import jax.numpy as jnp
from jax import lax
from jax.experimental import pallas as pl
from jax.experimental.pallas import tpu as pltpu
from jax.experimental.pallas import tpu_sc as plsc

N = 10000
E = 320000
G = 64
D = 128

N_ACC = 10112
BLK = 2000
NUM_BLK = N // BLK
CHUNK = 128
NW = 32
NSEG = 3
SEG = 26
CPW = NSEG * SEG
NTAIL = E // CHUNK - NW * CPW

BN = 1.0 / math.sqrt(1.0 + 1e-5)
HEAD_W = 128


def _sc_msg_body(h_hbm, idx_hbm, out_hbm,
                 idx_v, r0, r1, acc_sh, s0, s1, s2):
  cid = lax.axis_index("c")
  sid = lax.axis_index("s")
  rows_per_sub = N_ACC // 16
  rbase = sid * rows_per_sub
  wid = cid * 16 + sid
  co = CPW * wid + jnp.minimum(wid, NTAIL)

  def idx_load_start(s, sb):
    pltpu.async_copy(idx_hbm.at[pl.ds(co + s * SEG, SEG)],
                     idx_v.at[sb], s2)

  def idx_load_wait(s, sb):
    pltpu.make_async_copy(idx_hbm.at[pl.ds(co + s * SEG, SEG)],
                          idx_v.at[sb], s2).wait()

  idx_load_start(0, 0)

  z16 = jnp.zeros((16,), jnp.float32)

  def zrow(i, c):
    for j in range(D // 16):
      r0[i, pl.ds(j * 16, 16)] = z16
    return c

  lax.fori_loop(0, CHUNK, zrow, 0)
  for k in range(rows_per_sub // CHUNK):
    pltpu.sync_copy(r0, acc_sh.at[pl.ds(rbase + k * CHUNK, CHUNK)])
  rem = rows_per_sub % CHUNK
  pltpu.sync_copy(r0.at[pl.ds(0, rem)],
                  acc_sh.at[pl.ds(rbase + rows_per_sub - rem, rem)])
  idx_load_wait(0, 0)
  plsc.subcore_barrier()

  def start(sb, j, rbuf, sem):
    pltpu.async_copy(h_hbm.at[idx_v.at[sb, j, 0]], rbuf, sem)

  def wait(sb, j, rbuf, sem):
    pltpu.make_async_copy(h_hbm.at[idx_v.at[sb, j, 0]], rbuf, sem).wait()

  def scat(sb, j, rbuf):
    pltpu.sync_copy(rbuf, acc_sh.at[idx_v.at[sb, j, 1]], add=True)

  for s in range(NSEG):
    sb = s % 2
    if s == 0:
      start(sb, 0, r0, s0)
    if s + 1 < NSEG:
      idx_load_start(s + 1, (s + 1) % 2)

    def body(jj, c, sb=sb):
      j0 = 2 * jj
      start(sb, j0 + 1, r1, s1)
      wait(sb, j0, r0, s0)
      scat(sb, j0, r0)
      start(sb, j0 + 2, r0, s0)
      wait(sb, j0 + 1, r1, s1)
      scat(sb, j0 + 1, r1)
      return c

    lax.fori_loop(0, SEG // 2 - 1, body, 0)
    start(sb, SEG - 1, r1, s1)
    wait(sb, SEG - 2, r0, s0)
    scat(sb, SEG - 2, r0)
    if s + 1 < NSEG:
      idx_load_wait(s + 1, (s + 1) % 2)
      start((s + 1) % 2, 0, r0, s0)
    wait(sb, SEG - 1, r1, s1)
    scat(sb, SEG - 1, r1)

  @pl.when(wid < NTAIL)
  def _():
    pltpu.sync_copy(idx_hbm.at[pl.ds(co + CPW, 1)], idx_v.at[0, pl.ds(0, 1)])
    pltpu.async_copy(h_hbm.at[idx_v.at[0, 0, 0]], r0, s0).wait()
    scat(0, 0, r0)

  plsc.subcore_barrier()
  pltpu.sync_copy(acc_sh.at[pl.ds(rbase, rows_per_sub)],
                  out_hbm.at[cid, pl.ds(rbase, rows_per_sub)])


def _sc_messages(h_pad, idx):
  mesh = plsc.VectorSubcoreMesh(core_axis_name="c", subcore_axis_name="s")
  f = pl.kernel(
      _sc_msg_body,
      out_type=jax.ShapeDtypeStruct((2, N_ACC, D), jnp.float32),
      mesh=mesh,
      scratch_types=[
          pltpu.VMEM((2, SEG, 2, CHUNK), jnp.int32),
          pltpu.VMEM((CHUNK, D), jnp.float32),
          pltpu.VMEM((CHUNK, D), jnp.float32),
          pltpu.VMEM_SHARED((N_ACC, D), jnp.float32),
          pltpu.SemaphoreType.DMA,
          pltpu.SemaphoreType.DMA,
          pltpu.SemaphoreType.DMA,
      ],
      name="sc_edge_messages",
  )
  return f(h_pad, idx)


def _tc_layer1_body(x_ref, msg_ref, wa_ref, wb_ref, b_ref, o_ref):
  xs = x_ref[...] * BN
  ms = (msg_ref[0] + msg_ref[1]) * BN
  out = jnp.dot(xs, wa_ref[...], preferred_element_type=jnp.float32)
  out += jnp.dot(ms, wb_ref[...], preferred_element_type=jnp.float32)
  out += b_ref[...]
  o_ref[...] = jnp.where(out == 0.0, 1e-18, out)


def _tc_layer1(x, msg, wa, wb, b):
  return pl.pallas_call(
      _tc_layer1_body,
      grid=(NUM_BLK,),
      in_specs=[
          pl.BlockSpec((BLK, D), lambda i: (i, 0)),
          pl.BlockSpec((2, BLK, D), lambda i: (0, i, 0)),
          pl.BlockSpec((D, D), lambda i: (0, 0)),
          pl.BlockSpec((D, D), lambda i: (0, 0)),
          pl.BlockSpec((1, D), lambda i: (0, 0)),
      ],
      out_specs=pl.BlockSpec((BLK, D), lambda i: (i, 0)),
      out_shape=jax.ShapeDtypeStruct((N, D), jnp.float32),
  )(x, msg, wa, wb, b)


def _tc_layer2_body(h_ref, msg_ref, wa_ref, wb_ref, b_ref, gid_ref,
                    wg1_ref, bg1_ref, wg2_ref, bg2_ref, glab_ref,
                    h_out, ge_out, corr_out):
  i = pl.program_id(0)
  hs = h_ref[...] * BN
  ms = (msg_ref[0] + msg_ref[1]) * BN
  out = jnp.dot(hs, wa_ref[...], preferred_element_type=jnp.float32)
  out += jnp.dot(ms, wb_ref[...], preferred_element_type=jnp.float32)
  out += b_ref[...]
  out = jnp.where(out == 0.0, 1e-18, out)
  h_out[...] = out

  ids = gid_ref[0]
  gi = lax.broadcasted_iota(jnp.int32, (G, BLK), 0)
  onehot = (gi == ids).astype(jnp.float32)
  part = jnp.dot(onehot, out, preferred_element_type=jnp.float32)

  @pl.when(i == 0)
  def _():
    ge_out[...] = jnp.zeros_like(ge_out)

  ge_out[...] += part

  @pl.when(i == pl.num_programs(0) - 1)
  def _():
    ge = ge_out[...]
    z = jnp.dot(ge * BN, wg1_ref[...], preferred_element_type=jnp.float32)
    z += bg1_ref[...]
    z = jnp.maximum(z * BN, 0.0)
    gs = jnp.dot(z, wg2_ref[...], preferred_element_type=jnp.float32)
    gs += bg2_ref[...]
    m = jnp.max(gs, axis=1, keepdims=True)
    col = lax.broadcasted_iota(jnp.int32, (G, HEAD_W), 1)
    pred = jnp.min(jnp.where(gs == m, col, HEAD_W), axis=1, keepdims=True)
    corr_out[0, 0] = jnp.sum((pred == glab_ref[...]).astype(jnp.int32))


def _tc_layer2(h1_pad, msg, wa, wb, b, gid_pad, wg1, bg1, wg2p, bg2p, glab):
  return pl.pallas_call(
      _tc_layer2_body,
      grid=(NUM_BLK,),
      in_specs=[
          pl.BlockSpec((BLK, D), lambda i: (i, 0)),
          pl.BlockSpec((2, BLK, D), lambda i: (0, i, 0)),
          pl.BlockSpec((D, D), lambda i: (0, 0)),
          pl.BlockSpec((D, D), lambda i: (0, 0)),
          pl.BlockSpec((1, D), lambda i: (0, 0)),
          pl.BlockSpec((1, 1, BLK), lambda i: (i, 0, 0)),
          pl.BlockSpec((D, G), lambda i: (0, 0)),
          pl.BlockSpec((1, G), lambda i: (0, 0)),
          pl.BlockSpec((G, HEAD_W), lambda i: (0, 0)),
          pl.BlockSpec((1, HEAD_W), lambda i: (0, 0)),
          pl.BlockSpec((G, 1), lambda i: (0, 0)),
      ],
      out_specs=[
          pl.BlockSpec((BLK, D), lambda i: (i, 0)),
          pl.BlockSpec((G, D), lambda i: (0, 0)),
          pl.BlockSpec(memory_space=pltpu.SMEM),
      ],
      out_shape=[
          jax.ShapeDtypeStruct((N, D), jnp.float32),
          jax.ShapeDtypeStruct((G, D), jnp.float32),
          jax.ShapeDtypeStruct((1, 1), jnp.int32),
      ],
  )(h1_pad, msg, wa, wb, b, gid_pad, wg1, bg1, wg2p, bg2p, glab)


def kernel(x, edge_index, graph_ids, g_label, W0, b0, W1, b1,
           Wg1, bg1, Wg2, bg2):
  idx = edge_index.reshape(2, E // CHUNK, CHUNK).transpose(1, 0, 2)
  gid = graph_ids.reshape(NUM_BLK, 1, BLK)
  w0a, w0b = W0[:D], W0[D:]
  w1a, w1b = W1[:D], W1[D:]
  b0r = b0.reshape(1, D)
  b1r = b1.reshape(1, D)
  bg1r = bg1.reshape(1, G)
  wg2p = jnp.zeros((G, HEAD_W), jnp.float32).at[:, :10].set(Wg2)
  bg2p = jnp.full((1, HEAD_W), -1e9, jnp.float32).at[0, :10].set(bg2)
  glab = g_label.reshape(G, 1).astype(jnp.int32)

  msg1 = _sc_messages(x, idx)
  h1 = _tc_layer1(x, msg1, w0a, w0b, b0r)

  msg2 = _sc_messages(h1, idx)
  h2, ge, corr = _tc_layer2(h1, msg2, w1a, w1b, b1r, gid,
                            Wg1, bg1r, wg2p, bg2p, glab)

  return (corr[0, 0], G, ge, h2)

# --- scband reference (transcript-rebuilt; emitter-appended) ---
"""Pipeline reference for scband-exp-graph-nn-mtl-22660247454029 (READ-ONLY COPY).

The authoritative reference and input builder live on the scoring server;
editing this copy changes nothing except your own understanding.
"""

import jax, jax.numpy as jnp
import numpy as np

N = 10000
E = 320000
G = 64
D = 128

def bn_eval(x):
    # BatchNorm1d in eval mode with fresh running stats (mean=0, var=1), affine gamma=1, beta=0
    return x / jnp.sqrt(1.0 + 1e-5)

def setup_inputs(seed: int = 0):
    key = jax.random.key(seed)
    ks = jax.random.split(key, 12)
    x = jax.random.normal(ks[0], (N, D), dtype=jnp.float32)
    edge_index = jax.random.randint(ks[1], (2, E), 0, N)
    graph_ids = jnp.sort(jax.random.randint(ks[2], (N,), 0, G))
    g_label = jax.random.randint(ks[3], (G,), 0, 10)
    s = 0.05
    W0 = jax.random.normal(ks[4], (2 * D, D), dtype=jnp.float32) * s
    b0 = jnp.zeros((D,), dtype=jnp.float32)
    W1 = jax.random.normal(ks[5], (2 * D, D), dtype=jnp.float32) * s
    b1 = jnp.zeros((D,), dtype=jnp.float32)
    Wg1 = jax.random.normal(ks[6], (D, 64), dtype=jnp.float32) * s
    bg1 = jnp.zeros((64,), dtype=jnp.float32)
    Wg2 = jax.random.normal(ks[7], (64, 10), dtype=jnp.float32) * s
    bg2 = jnp.zeros((10,), dtype=jnp.float32)
    return {"x": x, "edge_index": edge_index, "graph_ids": graph_ids, "g_label": g_label,
            "W0": W0, "b0": b0, "W1": W1, "b1": b1,
            "Wg1": Wg1, "bg1": bg1, "Wg2": Wg2, "bg2": bg2}

def reference(x, edge_index, graph_ids, g_label, W0, b0, W1, b1, Wg1, bg1, Wg2, bg2):
    src = edge_index[0]
    dst = edge_index[1]

    def dgnn_layer(h, W, b):
        # phi = identity; spmm(adj, phi(h)) == scatter-add of gathered source features
        msg = jax.ops.segment_sum(h[src], dst, num_segments=N)
        # agg == 'cat'
        cat = jnp.concatenate([h, msg], axis=1)
        # encoder MLP with out_dims=(128,): [BatchNorm1d(2D), Linear(2D, D)]
        out = bn_eval(cat) @ W + b
        # x[x == 0] += 1e-18
        out = jnp.where(out == 0.0, 1e-18, out)
        return out

    h = dgnn_layer(x, W0, b0)
    h = dgnn_layer(h, W1, b1)

    # graph_embedding = per-graph sum pooling over node embeddings
    graph_embedding = jax.ops.segment_sum(h, graph_ids, num_segments=G)

    # graph_classifier MLP(128, (64, 10)): BN, Linear, BN, ReLU, Dropout(eval=id), Linear
    z = bn_eval(graph_embedding) @ Wg1 + bg1
    z = jax.nn.relu(bn_eval(z))
    graph_support = z @ Wg2 + bg2

    # eval branch: pred / correct count
    pred = jnp.argmax(graph_support, axis=1)
    correct = jnp.sum(pred == g_label)
    return (correct, G, graph_embedding, h)

if __name__ == "__main__":
    import jax
    _d = setup_inputs()
    print(jax.jit(kernel)(*tuple(_d.values())))

</pallas_src>

<mosaic_0001>
#map = affine_map<(d0, d1) -> (0, 0)>
#map1 = affine_map<(d0, d1) -> (0, 0, 0)>
module attributes {stable_mosaic.version = 14 : i64} {
  func.func @sc_edge_messages(%arg0: i32, %arg1: i32, %arg2: memref<10000x128xf32, #tpu.memory_space<hbm>>, %arg3: memref<2500x2x128xi32, #tpu.memory_space<hbm>>, %arg4: memref<2x10112x128xf32, #tpu.memory_space<hbm>>, %arg5: memref<2x26x2x128xi32, #tpu.memory_space<vmem>>, %arg6: memref<128x128xf32, #tpu.memory_space<vmem>>, %arg7: memref<128x128xf32, #tpu.memory_space<vmem>>, %arg8: memref<10112x128xf32, #tpu.memory_space<vmem_shared>>, %arg9: memref<!tpu.dma_semaphore, #tpu.memory_space<semaphore_mem>>, %arg10: memref<!tpu.dma_semaphore, #tpu.memory_space<semaphore_mem>>, %arg11: memref<!tpu.dma_semaphore, #tpu.memory_space<semaphore_mem>>) attributes {dimension_semantics = [#tpu.dimension_semantics<core_parallel>, #tpu.dimension_semantics<subcore_parallel>], iteration_bounds = array<i64: 2, 16>, scalar_prefetch = 0 : i64, scratch_operands = 7 : i64, tpu.core_type = #tpu.core_type<sc_vector_subcore>, window_params = [{transform_indices = #map}, {transform_indices = #map1}, {transform_indices = #map1}]} {
    %mul3A = arith.constant 632 : i32
    %mul3A_0 = arith.muli %arg1, %mul3A : i32
    %mul3A_1 = arith.constant 16 : i32
    %mul3A_2 = arith.muli %arg0, %mul3A_1 : i32
    %add3A = arith.addi %mul3A_2, %arg1 : i32
    %mul3A_3 = arith.constant 78 : i32
    %mul3A_4 = arith.muli %mul3A_3, %add3A : i32
    %min3A = arith.constant 4 : i32
    %min3A_5 = arith.minsi %add3A, %min3A : i32
    %add3A_6 = arith.addi %mul3A_4, %min3A_5 : i32
    %add3A_7 = arith.constant 0 : i32
    %add3A_8 = arith.addi %add3A_6, %add3A_7 : i32
    %dma_start3A = arith.constant 0 : i32
    %dma_start3A_9 = arith.constant 0 : i32
    %dma_start3A_10 = arith.constant 0 : i32
    %dma_start3A_11 = arith.constant 0 : i32
    %dma_start3A_12 = tpu.memref_slice %arg5[%dma_start3A, %dma_start3A_9, %dma_start3A_10, %dma_start3A_11] : memref<2x26x2x128xi32, #tpu.memory_space<vmem>> -> memref<1x26x2x128xi32, #tpu.memory_space<vmem>>
    %dma_start3A_13 = tpu.memref_squeeze %dma_start3A_12 : memref<1x26x2x128xi32, #tpu.memory_space<vmem>> -> memref<26x2x128xi32, #tpu.memory_space<vmem>>
    %dma_start3A_14 = arith.constant 0 : i32
    %dma_start3A_15 = arith.constant 0 : i32
    %dma_start3A_16 = tpu.memref_slice %arg3[%add3A_8, %dma_start3A_14, %dma_start3A_15] : memref<2500x2x128xi32, #tpu.memory_space<hbm>> -> memref<26x2x128xi32, #tpu.memory_space<hbm>>
    %dma_start3A_17 = arith.constant 0 : i32
    %dma_start3A_18 = arith.constant 0 : i32
    %dma_start3A_19 = arith.constant 0 : i32
    %dma_start3A_20 = tpu.memref_slice %arg5[%dma_start3A, %dma_start3A_17, %dma_start3A_18, %dma_start3A_19] : memref<2x26x2x128xi32, #tpu.memory_space<vmem>> -> memref<1x26x2x128xi32, #tpu.memory_space<vmem>>
    %dma_start3A_21 = tpu.memref_squeeze %dma_start3A_20 : memref<1x26x2x128xi32, #tpu.memory_space<vmem>> -> memref<26x2x128xi32, #tpu.memory_space<vmem>>
    %dma_start3A_22 = arith.constant 0 : i32
    %dma_start3A_23 = arith.constant 0 : i32
    %dma_start3A_24 = tpu.memref_slice %arg3[%add3A_8, %dma_start3A_22, %dma_start3A_23] : memref<2500x2x128xi32, #tpu.memory_space<hbm>> -> memref<26x2x128xi32, #tpu.memory_space<hbm>>
    tpu.enqueue_dma source(%dma_start3A_24 : memref<26x2x128xi32, #tpu.memory_space<hbm>>) target(%dma_start3A_21 : memref<26x2x128xi32, #tpu.memory_space<vmem>>) target_semaphore(%arg11 : memref<!tpu.dma_semaphore, #tpu.memory_space<semaphore_mem>>)
    %broadcast_in_dim3A = arith.constant 0.000000e+00 : f32
    %broadcast_in_dim3A_25 = vector.broadcast %broadcast_in_dim3A : f32 to vector<16xf32>
    %scan3A = arith.constant 0 : i32
    %scan3A_26 = arith.constant 0 : i32
    %scan3A_27 = arith.constant 128 : i32
    %scan3A_28 = arith.addi %scan3A_26, %scan3A_27 : i32
    %scan3A_29 = arith.constant 1 : i32
    scf.for %scan3A_282 = %scan3A_26 to %scan3A_28 step %scan3A_29  : i32 {
      %swap3A = arith.index_cast %scan3A_282 : i32 to index
      %swap3A_283 = arith.constant 0 : index
      %swap3A_284 = tpu.vector_load %arg6[%swap3A, %swap3A_283] {strides = array<i32>} : memref<128x128xf32, #tpu.memory_space<vmem>>, vector<1x16xf32>,
      %swap3A_285 = vector.shape_cast %swap3A_284 : vector<1x16xf32> to vector<16xf32>
      %swap3A_286 = vector.shape_cast %broadcast_in_dim3A_25 : vector<16xf32> to vector<1x16xf32>
      tpu.vector_store %arg6[%swap3A, %swap3A_283], %swap3A_286 {strides = array<i32>} : memref<128x128xf32, #tpu.memory_space<vmem>>, vector<1x16xf32>,
      %swap3A_287 = arith.index_cast %scan3A_282 : i32 to index
      %swap3A_288 = arith.constant 16 : index
      %swap3A_289 = tpu.vector_load %arg6[%swap3A_287, %swap3A_288] {strides = array<i32>} : memref<128x128xf32, #tpu.memory_space<vmem>>, vector<1x16xf32>,
      %swap3A_290 = vector.shape_cast %swap3A_289 : vector<1x16xf32> to vector<16xf32>
      %swap3A_291 = vector.shape_cast %broadcast_in_dim3A_25 : vector<16xf32> to vector<1x16xf32>
      tpu.vector_store %arg6[%swap3A_287, %swap3A_288], %swap3A_291 {strides = array<i32>} : memref<128x128xf32, #tpu.memory_space<vmem>>, vector<1x16xf32>,
      %swap3A_292 = arith.index_cast %scan3A_282 : i32 to index
      %swap3A_293 = arith.constant 32 : index
      %swap3A_294 = tpu.vector_load %arg6[%swap3A_292, %swap3A_293] {strides = array<i32>} : memref<128x128xf32, #tpu.memory_space<vmem>>, vector<1x16xf32>,
      %swap3A_295 = vector.shape_cast %swap3A_294 : vector<1x16xf32> to vector<16xf32>
      %swap3A_296 = vector.shape_cast %broadcast_in_dim3A_25 : vector<16xf32> to vector<1x16xf32>
      tpu.vector_store %arg6[%swap3A_292, %swap3A_293], %swap3A_296 {strides = array<i32>} : memref<128x128xf32, #tpu.memory_space<vmem>>, vector<1x16xf32>,
      %swap3A_297 = arith.index_cast %scan3A_282 : i32 to index
      %swap3A_298 = arith.constant 48 : index
      %swap3A_299 = tpu.vector_load %arg6[%swap3A_297, %swap3A_298] {strides = array<i32>} : memref<128x128xf32, #tpu.memory_space<vmem>>, vector<1x16xf32>,
      %swap3A_300 = vector.shape_cast %swap3A_299 : vector<1x16xf32> to vector<16xf32>
      %swap3A_301 = vector.shape_cast %broadcast_in_dim3A_25 : vector<16xf32> to vector<1x16xf32>
      tpu.vector_store %arg6[%swap3A_297, %swap3A_298], %swap3A_301 {strides = array<i32>} : memref<128x128xf32, #tpu.memory_space<vmem>>, vector<1x16xf32>,
      %swap3A_302 = arith.index_cast %scan3A_282 : i32 to index
      %swap3A_303 = arith.constant 64 : index
      %swap3A_304 = tpu.vector_load %arg6[%swap3A_302, %swap3A_303] {strides = array<i32>} : memref<128x128xf32, #tpu.memory_space<vmem>>, vector<1x16xf32>,
      %swap3A_305 = vector.shape_cast %swap3A_304 : vector<1x16xf32> to vector<16xf32>
      %swap3A_306 = vector.shape_cast %broadcast_in_dim3A_25 : vector<16xf32> to vector<1x16xf32>
      tpu.vector_store %arg6[%swap3A_302, %swap3A_303], %swap3A_306 {strides = array<i32>} : memref<128x128xf32, #tpu.memory_space<vmem>>, vector<1x16xf32>,
      %swap3A_307 = arith.index_cast %scan3A_282 : i32 to index
      %swap3A_308 = arith.constant 80 : index
      %swap3A_309 = tpu.vector_load %arg6[%swap3A_307, %swap3A_308] {strides = array<i32>} : memref<128x128xf32, #tpu.memory_space<vmem>>, vector<1x16xf32>,
      %swap3A_310 = vector.shape_cast %swap3A_309 : vector<1x16xf32> to vector<16xf32>
      %swap3A_311 = vector.shape_cast %broadcast_in_dim3A_25 : vector<16xf32> to vector<1x16xf32>
      tpu.vector_store %arg6[%swap3A_307, %swap3A_308], %swap3A_311 {strides = array<i32>} : memref<128x128xf32, #tpu.memory_space<vmem>>, vector<1x16xf32>,
      %swap3A_312 = arith.index_cast %scan3A_282 : i32 to index
      %swap3A_313 = arith.constant 96 : index
      %swap3A_314 = tpu.vector_load %arg6[%swap3A_312, %swap3A_313] {strides = array<i32>} : memref<128x128xf32, #tpu.memory_space<vmem>>, vector<1x16xf32>,
      %swap3A_315 = vector.shape_cast %swap3A_314 : vector<1x16xf32> to vector<16xf32>
      %swap3A_316 = vector.shape_cast %broadcast_in_dim3A_25 : vector<16xf32> to vector<1x16xf32>
      tpu.vector_store %arg6[%swap3A_312, %swap3A_313], %swap3A_316 {strides = array<i32>} : memref<128x128xf32, #tpu.memory_space<vmem>>, vector<1x16xf32>,
      %swap3A_317 = arith.index_cast %scan3A_282 : i32 to index
      %swap3A_318 = arith.constant 112 : index
      %swap3A_319 = tpu.vector_load %arg6[%swap3A_317, %swap3A_318] {strides = array<i32>} : memref<128x128xf32, #tpu.memory_space<vmem>>, vector<1x16xf32>,
      %swap3A_320 = vector.shape_cast %swap3A_319 : vector<1x16xf32> to vector<16xf32>
      %swap3A_321 = vector.shape_cast %broadcast_in_dim3A_25 : vector<16xf32> to vector<1x16xf32>
      tpu.vector_store %arg6[%swap3A_317, %swap3A_318], %swap3A_321 {strides = array<i32>} : memref<128x128xf32, #tpu.memory_space<vmem>>, vector<1x16xf32>,
    }
    %scan3A_30 = arith.constant 128 : i32
    %add3A_31 = arith.constant 0 : i32
    %add3A_32 = arith.addi %mul3A_0, %add3A_31 : i32
    "tpu.region"() ({
      %run_scoped3A_282 = tpu.sem_alloc : memref<!tpu.dma_semaphore, #tpu.memory_space<semaphore_mem>>
      %dma_start3A_283 = arith.constant 0 : i32
      %dma_start3A_284 = tpu.memref_slice %arg8[%add3A_32, %dma_start3A_283] : memref<10112x128xf32, #tpu.memory_space<vmem_shared>> -> memref<128x128xf32, #tpu.memory_space<vmem_shared>>
      %dma_start3A_285 = arith.constant 0 : i32
      %dma_start3A_286 = tpu.memref_slice %arg8[%add3A_32, %dma_start3A_285] : memref<10112x128xf32, #tpu.memory_space<vmem_shared>> -> memref<128x128xf32, #tpu.memory_space<vmem_shared>>
      tpu.enqueue_dma source(%arg6 : memref<128x128xf32, #tpu.memory_space<vmem>>) target(%dma_start3A_286 : memref<128x128xf32, #tpu.memory_space<vmem_shared>>) target_semaphore(%run_scoped3A_282 : memref<!tpu.dma_semaphore, #tpu.memory_space<semaphore_mem>>)
      %dma_wait3A_287 = arith.constant 0 : i32
      %dma_wait3A_288 = tpu.memref_slice %arg8[%add3A_32, %dma_wait3A_287] : memref<10112x128xf32, #tpu.memory_space<vmem_shared>> -> memref<128x128xf32, #tpu.memory_space<vmem_shared>>
      %dma_wait3A_289 = arith.constant 0 : i32
      %dma_wait3A_290 = tpu.memref_slice %arg8[%add3A_32, %dma_wait3A_289] : memref<10112x128xf32, #tpu.memory_space<vmem_shared>> -> memref<128x128xf32, #tpu.memory_space<vmem_shared>>
      tpu.wait_dma2 semaphore(%run_scoped3A_282 : memref<!tpu.dma_semaphore, #tpu.memory_space<semaphore_mem>>) src(%arg6 : memref<128x128xf32, #tpu.memory_space<vmem>>) dst(%dma_wait3A_290 : memref<128x128xf32, #tpu.memory_space<vmem_shared>>)
      tpu.yield
    }) : () -> ()
    %add3A_33 = arith.constant 128 : i32
    %add3A_34 = arith.addi %mul3A_0, %add3A_33 : i32
    "tpu.region"() ({
      %run_scoped3A_282 = tpu.sem_alloc : memref<!tpu.dma_semaphore, #tpu.memory_space<semaphore_mem>>
      %dma_start3A_283 = arith.constant 0 : i32
      %dma_start3A_284 = tpu.memref_slice %arg8[%add3A_34, %dma_start3A_283] : memref<10112x128xf32, #tpu.memory_space<vmem_shared>> -> memref<128x128xf32, #tpu.memory_space<vmem_shared>>
      %dma_start3A_285 = arith.constant 0 : i32
      %dma_start3A_286 = tpu.memref_slice %arg8[%add3A_34, %dma_start3A_285] : memref<10112x128xf32, #tpu.memory_space<vmem_shared>> -> memref<128x128xf32, #tpu.memory_space<vmem_shared>>
      tpu.enqueue_dma source(%arg6 : memref<128x128xf32, #tpu.memory_space<vmem>>) target(%dma_start3A_286 : memref<128x128xf32, #tpu.memory_space<vmem_shared>>) target_semaphore(%run_scoped3A_282 : memref<!tpu.dma_semaphore, #tpu.memory_space<semaphore_mem>>)
      %dma_wait3A_287 = arith.constant 0 : i32
      %dma_wait3A_288 = tpu.memref_slice %arg8[%add3A_34, %dma_wait3A_287] : memref<10112x128xf32, #tpu.memory_space<vmem_shared>> -> memref<128x128xf32, #tpu.memory_space<vmem_shared>>
      %dma_wait3A_289 = arith.constant 0 : i32
      %dma_wait3A_290 = tpu.memref_slice %arg8[%add3A_34, %dma_wait3A_289] : memref<10112x128xf32, #tpu.memory_space<vmem_shared>> -> memref<128x128xf32, #tpu.memory_space<vmem_shared>>
      tpu.wait_dma2 semaphore(%run_scoped3A_282 : memref<!tpu.dma_semaphore, #tpu.memory_space<semaphore_mem>>) src(%arg6 : memref<128x128xf32, #tpu.memory_space<vmem>>) dst(%dma_wait3A_290 : memref<128x128xf32, #tpu.memory_space<vmem_shared>>)
      tpu.yield
    }) : () -> ()
    %add3A_35 = arith.constant 256 : i32
    %add3A_36 = arith.addi %mul3A_0, %add3A_35 : i32
    "tpu.region"() ({
      %run_scoped3A_282 = tpu.sem_alloc : memref<!tpu.dma_semaphore, #tpu.memory_space<semaphore_mem>>
      %dma_start3A_283 = arith.constant 0 : i32
      %dma_start3A_284 = tpu.memref_slice %arg8[%add3A_36, %dma_start3A_283] : memref<10112x128xf32, #tpu.memory_space<vmem_shared>> -> memref<128x128xf32, #tpu.memory_space<vmem_shared>>
      %dma_start3A_285 = arith.constant 0 : i32
      %dma_start3A_286 = tpu.memref_slice %arg8[%add3A_36, %dma_start3A_285] : memref<10112x128xf32, #tpu.memory_space<vmem_shared>> -> memref<128x128xf32, #tpu.memory_space<vmem_shared>>
      tpu.enqueue_dma source(%arg6 : memref<128x128xf32, #tpu.memory_space<vmem>>) target(%dma_start3A_286 : memref<128x128xf32, #tpu.memory_space<vmem_shared>>) target_semaphore(%run_scoped3A_282 : memref<!tpu.dma_semaphore, #tpu.memory_space<semaphore_mem>>)
      %dma_wait3A_287 = arith.constant 0 : i32
      %dma_wait3A_288 = tpu.memref_slice %arg8[%add3A_36, %dma_wait3A_287] : memref<10112x128xf32, #tpu.memory_space<vmem_shared>> -> memref<128x128xf32, #tpu.memory_space<vmem_shared>>
      %dma_wait3A_289 = arith.constant 0 : i32
      %dma_wait3A_290 = tpu.memref_slice %arg8[%add3A_36, %dma_wait3A_289] : memref<10112x128xf32, #tpu.memory_space<vmem_shared>> -> memref<128x128xf32, #tpu.memory_space<vmem_shared>>
      tpu.wait_dma2 semaphore(%run_scoped3A_282 : memref<!tpu.dma_semaphore, #tpu.memory_space<semaphore_mem>>) src(%arg6 : memref<128x128xf32, #tpu.memory_space<vmem>>) dst(%dma_wait3A_290 : memref<128x128xf32, #tpu.memory_space<vmem_shared>>)
      tpu.yield
    }) : () -> ()
    %add3A_37 = arith.constant 384 : i32
    %add3A_38 = arith.addi %mul3A_0, %add3A_37 : i32
    "tpu.region"() ({
      %run_scoped3A_282 = tpu.sem_alloc : memref<!tpu.dma_semaphore, #tpu.memory_space<semaphore_mem>>
      %dma_start3A_283 = arith.constant 0 : i32
      %dma_start3A_284 = tpu.memref_slice %arg8[%add3A_38, %dma_start3A_283] : memref<10112x128xf32, #tpu.memory_space<vmem_shared>> -> memref<128x128xf32, #tpu.memory_space<vmem_shared>>
      %dma_start3A_285 = arith.constant 0 : i32
      %dma_start3A_286 = tpu.memref_slice %arg8[%add3A_38, %dma_start3A_285] : memref<10112x128xf32, #tpu.memory_space<vmem_shared>> -> memref<128x128xf32, #tpu.memory_space<vmem_shared>>
      tpu.enqueue_dma source(%arg6 : memref<128x128xf32, #tpu.memory_space<vmem>>) target(%dma_start3A_286 : memref<128x128xf32, #tpu.memory_space<vmem_shared>>) target_semaphore(%run_scoped3A_282 : memref<!tpu.dma_semaphore, #tpu.memory_space<semaphore_mem>>)
      %dma_wait3A_287 = arith.constant 0 : i32
      %dma_wait3A_288 = tpu.memref_slice %arg8[%add3A_38, %dma_wait3A_287] : memref<10112x128xf32, #tpu.memory_space<vmem_shared>> -> memref<128x128xf32, #tpu.memory_space<vmem_shared>>
      %dma_wait3A_289 = arith.constant 0 : i32
      %dma_wait3A_290 = tpu.memref_slice %arg8[%add3A_38, %dma_wait3A_289] : memref<10112x128xf32, #tpu.memory_space<vmem_shared>> -> memref<128x128xf32, #tpu.memory_space<vmem_shared>>
      tpu.wait_dma2 semaphore(%run_scoped3A_282 : memref<!tpu.dma_semaphore, #tpu.memory_space<semaphore_mem>>) src(%arg6 : memref<128x128xf32, #tpu.memory_space<vmem>>) dst(%dma_wait3A_290 : memref<128x128xf32, #tpu.memory_space<vmem_shared>>)
      tpu.yield
    }) : () -> ()
    %add3A_39 = arith.constant 632 : i32
    %add3A_40 = arith.addi %mul3A_0, %add3A_39 : i32
    %sub3A = arith.constant 120 : i32
    %sub3A_41 = arith.subi %add3A_40, %sub3A : i32
    "tpu.region"() ({
      %run_scoped3A_282 = tpu.sem_alloc : memref<!tpu.dma_semaphore, #tpu.memory_space<semaphore_mem>>
      %dma_start3A_283 = arith.constant 0 : i32
      %dma_start3A_284 = arith.constant 0 : i32
      %dma_start3A_285 = tpu.memref_slice %arg6[%dma_start3A_283, %dma_start3A_284] : memref<128x128xf32, #tpu.memory_space<vmem>> -> memref<120x128xf32, #tpu.memory_space<vmem>>
      %dma_start3A_286 = arith.constant 0 : i32
      %dma_start3A_287 = tpu.memref_slice %arg8[%sub3A_41, %dma_start3A_286] : memref<10112x128xf32, #tpu.memory_space<vmem_shared>> -> memref<120x128xf32, #tpu.memory_space<vmem_shared>>
      %dma_start3A_288 = arith.constant 0 : i32
      %dma_start3A_289 = tpu.memref_slice %arg8[%sub3A_41, %dma_start3A_288] : memref<10112x128xf32, #tpu.memory_space<vmem_shared>> -> memref<120x128xf32, #tpu.memory_space<vmem_shared>>
      %dma_start3A_290 = arith.constant 0 : i32
      %dma_start3A_291 = arith.constant 0 : i32
      %dma_start3A_292 = tpu.memref_slice %arg6[%dma_start3A_290, %dma_start3A_291] : memref<128x128xf32, #tpu.memory_space<vmem>> -> memref<120x128xf32, #tpu.memory_space<vmem>>
      tpu.enqueue_dma source(%dma_start3A_292 : memref<120x128xf32, #tpu.memory_space<vmem>>) target(%dma_start3A_289 : memref<120x128xf32, #tpu.memory_space<vmem_shared>>) target_semaphore(%run_scoped3A_282 : memref<!tpu.dma_semaphore, #tpu.memory_space<semaphore_mem>>)
      %dma_wait3A_293 = arith.constant 0 : i32
      %dma_wait3A_294 = arith.constant 0 : i32
      %dma_wait3A_295 = tpu.memref_slice %arg6[%dma_wait3A_293, %dma_wait3A_294] : memref<128x128xf32, #tpu.memory_space<vmem>> -> memref<120x128xf32, #tpu.memory_space<vmem>>
      %dma_wait3A_296 = arith.constant 0 : i32
      %dma_wait3A_297 = tpu.memref_slice %arg8[%sub3A_41, %dma_wait3A_296] : memref<10112x128xf32, #tpu.memory_space<vmem_shared>> -> memref<120x128xf32, #tpu.memory_space<vmem_shared>>
      %dma_wait3A_298 = arith.constant 0 : i32
      %dma_wait3A_299 = tpu.memref_slice %arg8[%sub3A_41, %dma_wait3A_298] : memref<10112x128xf32, #tpu.memory_space<vmem_shared>> -> memref<120x128xf32, #tpu.memory_space<vmem_shared>>
      %dma_wait3A_300 = arith.constant 0 : i32
      %dma_wait3A_301 = arith.constant 0 : i32
      %dma_wait3A_302 = tpu.memref_slice %arg6[%dma_wait3A_300, %dma_wait3A_301] : memref<128x128xf32, #tpu.memory_space<vmem>> -> memref<120x128xf32, #tpu.memory_space<vmem>>
      tpu.wait_dma2 semaphore(%run_scoped3A_282 : memref<!tpu.dma_semaphore, #tpu.memory_space<semaphore_mem>>) src(%dma_wait3A_302 : memref<120x128xf32, #tpu.memory_space<vmem>>) dst(%dma_wait3A_299 : memref<120x128xf32, #tpu.memory_space<vmem_shared>>)
      tpu.yield
    }) : () -> ()
    %add3A_42 = arith.constant 0 : i32
    %add3A_43 = arith.addi %add3A_6, %add3A_42 : i32
    %dma_wait3A = arith.constant 0 : i32
    %dma_wait3A_44 = arith.constant 0 : i32
    %dma_wait3A_45 = arith.constant 0 : i32
    %dma_wait3A_46 = arith.constant 0 : i32
    %dma_wait3A_47 = tpu.memref_slice %arg5[%dma_wait3A, %dma_wait3A_44, %dma_wait3A_45, %dma_wait3A_46] : memref<2x26x2x128xi32, #tpu.memory_space<vmem>> -> memref<1x26x2x128xi32, #tpu.memory_space<vmem>>
    %dma_wait3A_48 = tpu.memref_squeeze %dma_wait3A_47 : memref<1x26x2x128xi32, #tpu.memory_space<vmem>> -> memref<26x2x128xi32, #tpu.memory_space<vmem>>
    %dma_wait3A_49 = arith.constant 0 : i32
    %dma_wait3A_50 = arith.constant 0 : i32
    %dma_wait3A_51 = tpu.memref_slice %arg3[%add3A_43, %dma_wait3A_49, %dma_wait3A_50] : memref<2500x2x128xi32, #tpu.memory_space<hbm>> -> memref<26x2x128xi32, #tpu.memory_space<hbm>>
    %dma_wait3A_52 = arith.constant 0 : i32
    %dma_wait3A_53 = arith.constant 0 : i32
    %dma_wait3A_54 = arith.constant 0 : i32
    %dma_wait3A_55 = tpu.memref_slice %arg5[%dma_wait3A, %dma_wait3A_52, %dma_wait3A_53, %dma_wait3A_54] : memref<2x26x2x128xi32, #tpu.memory_space<vmem>> -> memref<1x26x2x128xi32, #tpu.memory_space<vmem>>
    %dma_wait3A_56 = tpu.memref_squeeze %dma_wait3A_55 : memref<1x26x2x128xi32, #tpu.memory_space<vmem>> -> memref<26x2x128xi32, #tpu.memory_space<vmem>>
    %dma_wait3A_57 = arith.constant 0 : i32
    %dma_wait3A_58 = arith.constant 0 : i32
    %dma_wait3A_59 = tpu.memref_slice %arg3[%add3A_43, %dma_wait3A_57, %dma_wait3A_58] : memref<2500x2x128xi32, #tpu.memory_space<hbm>> -> memref<26x2x128xi32, #tpu.memory_space<hbm>>
    tpu.wait_dma2 semaphore(%arg11 : memref<!tpu.dma_semaphore, #tpu.memory_space<semaphore_mem>>) src(%dma_wait3A_59 : memref<26x2x128xi32, #tpu.memory_space<hbm>>) dst(%dma_wait3A_56 : memref<26x2x128xi32, #tpu.memory_space<vmem>>)
    %barrier3A = arith.constant 0 : index
    tpu.barrier barrier_id(%barrier3A)
    %dma_start3A_60 = arith.constant 0 : i32
    %dma_start3A_61 = arith.constant 0 : i32
    %dma_start3A_62 = arith.constant 0 : i32
    %dma_start3A_63 = arith.constant 0 : i32
    %dma_start3A_64 = tpu.memref_slice %arg5[%dma_start3A_60, %dma_start3A_61, %dma_start3A_62, %dma_start3A_63] : memref<2x26x2x128xi32, #tpu.memory_space<vmem>> -> memref<1x1x1x128xi32, #tpu.memory_space<vmem>>
    %dma_start3A_65 = tpu.memref_squeeze %dma_start3A_64 : memref<1x1x1x128xi32, #tpu.memory_space<vmem>> -> memref<128xi32, #tpu.memory_space<vmem>>
    %dma_start3A_66 = arith.constant 0 : i32
    %dma_start3A_67 = arith.constant 0 : i32
    %dma_start3A_68 = tpu.memref_slice %arg2[%dma_start3A_66, %dma_start3A_67] : memref<10000x128xf32, #tpu.memory_space<hbm>> -> memref<10000x128xf32, #tpu.memory_space<hbm>>
    tpu.enqueue_indirect_dma source(%dma_start3A_68 : memref<10000x128xf32, #tpu.memory_space<hbm>>) target(%arg6 : memref<128x128xf32, #tpu.memory_space<vmem>>) offsets(%dma_start3A_65 : memref<128xi32, #tpu.memory_space<vmem>>) semaphore(%arg9 : memref<!tpu.dma_semaphore, #tpu.memory_space<semaphore_mem>>)
    %add3A_69 = arith.constant 26 : i32
    %add3A_70 = arith.addi %add3A_6, %add3A_69 : i32
    %dma_start3A_71 = arith.constant 1 : i32
    %dma_start3A_72 = arith.constant 0 : i32
    %dma_start3A_73 = arith.constant 0 : i32
    %dma_start3A_74 = arith.constant 0 : i32
    %dma_start3A_75 = tpu.memref_slice %arg5[%dma_start3A_71, %dma_start3A_72, %dma_start3A_73, %dma_start3A_74] : memref<2x26x2x128xi32, #tpu.memory_space<vmem>> -> memref<1x26x2x128xi32, #tpu.memory_space<vmem>>
    %dma_start3A_76 = tpu.memref_squeeze %dma_start3A_75 : memref<1x26x2x128xi32, #tpu.memory_space<vmem>> -> memref<26x2x128xi32, #tpu.memory_space<vmem>>
    %dma_start3A_77 = arith.constant 0 : i32
    %dma_start3A_78 = arith.constant 0 : i32
    %dma_start3A_79 = tpu.memref_slice %arg3[%add3A_70, %dma_start3A_77, %dma_start3A_78] : memref<2500x2x128xi32, #tpu.memory_space<hbm>> -> memref<26x2x128xi32, #tpu.memory_space<hbm>>
    %dma_start3A_80 = arith.constant 0 : i32
    %dma_start3A_81 = arith.constant 0 : i32
    %dma_start3A_82 = arith.constant 0 : i32
    %dma_start3A_83 = tpu.memref_slice %arg5[%dma_start3A_71, %dma_start3A_80, %dma_start3A_81, %dma_start3A_82] : memref<2x26x2x128xi32, #tpu.memory_space<vmem>> -> memref<1x26x2x128xi32, #tpu.memory_space<vmem>>
    %dma_start3A_84 = tpu.memref_squeeze %dma_start3A_83 : memref<1x26x2x128xi32, #tpu.memory_space<vmem>> -> memref<26x2x128xi32, #tpu.memory_space<vmem>>
    %dma_start3A_85 = arith.constant 0 : i32
    %dma_start3A_86 = arith.constant 0 : i32
    %dma_start3A_87 = tpu.memref_slice %arg3[%add3A_70, %dma_start3A_85, %dma_start3A_86] : memref<2500x2x128xi32, #tpu.memory_space<hbm>> -> memref<26x2x128xi32, #tpu.memory_space<hbm>>
    tpu.enqueue_dma source(%dma_start3A_87 : memref<26x2x128xi32, #tpu.memory_space<hbm>>) target(%dma_start3A_84 : memref<26x2x128xi32, #tpu.memory_space<vmem>>) target_semaphore(%arg11 : memref<!tpu.dma_semaphore, #tpu.memory_space<semaphore_mem>>)
    %scan3A_88 = arith.constant 0 : i32
    %scan3A_89 = arith.constant 0 : i32
    %scan3A_90 = arith.constant 12 : i32
    %scan3A_91 = arith.addi %scan3A_89, %scan3A_90 : i32
    %scan3A_92 = arith.constant 1 : i32
    scf.for %scan3A_282 = %scan3A_89 to %scan3A_91 step %scan3A_92  : i32 {
      %mul3A_283 = arith.constant 2 : i32
      %mul3A_284 = arith.muli %mul3A_283, %scan3A_282 : i32
      %add3A_285 = arith.constant 1 : i32
      %add3A_286 = arith.addi %mul3A_284, %add3A_285 : i32
      %dma_start3A_287 = arith.constant 0 : i32
      %dma_start3A_288 = arith.constant 0 : i32
      %dma_start3A_289 = arith.constant 0 : i32
      %dma_start3A_290 = tpu.memref_slice %arg5[%dma_start3A_287, %add3A_286, %dma_start3A_288, %dma_start3A_289] : memref<2x26x2x128xi32, #tpu.memory_space<vmem>> -> memref<1x1x1x128xi32, #tpu.memory_space<vmem>>
      %dma_start3A_291 = tpu.memref_squeeze %dma_start3A_290 : memref<1x1x1x128xi32, #tpu.memory_space<vmem>> -> memref<128xi32, #tpu.memory_space<vmem>>
      %dma_start3A_292 = arith.constant 0 : i32
      %dma_start3A_293 = arith.constant 0 : i32
      %dma_start3A_294 = tpu.memref_slice %arg2[%dma_start3A_292, %dma_start3A_293] : memref<10000x128xf32, #tpu.memory_space<hbm>> -> memref<10000x128xf32, #tpu.memory_space<hbm>>
      tpu.enqueue_indirect_dma source(%dma_start3A_294 : memref<10000x128xf32, #tpu.memory_space<hbm>>) target(%arg7 : memref<128x128xf32, #tpu.memory_space<vmem>>) offsets(%dma_start3A_291 : memref<128xi32, #tpu.memory_space<vmem>>) semaphore(%arg10 : memref<!tpu.dma_semaphore, #tpu.memory_space<semaphore_mem>>)
      %dma_wait3A_295 = arith.constant 0 : i32
      %dma_wait3A_296 = arith.constant 0 : i32
      %dma_wait3A_297 = arith.constant 0 : i32
      %dma_wait3A_298 = tpu.memref_slice %arg5[%dma_wait3A_295, %mul3A_284, %dma_wait3A_296, %dma_wait3A_297] : memref<2x26x2x128xi32, #tpu.memory_space<vmem>> -> memref<1x1x1x128xi32, #tpu.memory_space<vmem>>
      %dma_wait3A_299 = tpu.memref_squeeze %dma_wait3A_298 : memref<1x1x1x128xi32, #tpu.memory_space<vmem>> -> memref<128xi32, #tpu.memory_space<vmem>>
      %dma_wait3A_300 = arith.constant 0 : i32
      %dma_wait3A_301 = arith.constant 0 : i32
      %dma_wait3A_302 = tpu.memref_slice %arg2[%dma_wait3A_300, %dma_wait3A_301] : memref<10000x128xf32, #tpu.memory_space<hbm>> -> memref<10000x128xf32, #tpu.memory_space<hbm>>
      tpu.wait_indirect_dma semaphore(%arg9 : memref<!tpu.dma_semaphore, #tpu.memory_space<semaphore_mem>>) src(%dma_wait3A_302 : memref<10000x128xf32, #tpu.memory_space<hbm>>) dst(%arg6 : memref<128x128xf32, #tpu.memory_space<vmem>>)
      %run_scoped3A_303 = arith.constant 0 : i32
      %run_scoped3A_304 = arith.constant 1 : i32
      "tpu.region"() ({
        %run_scoped3A_329 = tpu.sem_alloc : memref<!tpu.dma_semaphore, #tpu.memory_space<semaphore_mem>>
        %dma_start3A_330 = arith.constant 0 : i32
        %dma_start3A_331 = tpu.memref_slice %arg5[%run_scoped3A_303, %mul3A_284, %run_scoped3A_304, %dma_start3A_330] : memref<2x26x2x128xi32, #tpu.memory_space<vmem>> -> memref<1x1x1x128xi32, #tpu.memory_space<vmem>>
        %dma_start3A_332 = tpu.memref_squeeze %dma_start3A_331 : memref<1x1x1x128xi32, #tpu.memory_space<vmem>> -> memref<128xi32, #tpu.memory_space<vmem>>
        %dma_start3A_333 = arith.constant 0 : i32
        %dma_start3A_334 = arith.constant 0 : i32
        %dma_start3A_335 = tpu.memref_slice %arg8[%dma_start3A_333, %dma_start3A_334] : memref<10112x128xf32, #tpu.memory_space<vmem_shared>> -> memref<10112x128xf32, #tpu.memory_space<vmem_shared>>
        tpu.enqueue_indirect_dma source(%arg6 : memref<128x128xf32, #tpu.memory_space<vmem>>) target(%dma_start3A_335 : memref<10112x128xf32, #tpu.memory_space<vmem_shared>>) offsets(%dma_start3A_332 : memref<128xi32, #tpu.memory_space<vmem>>) semaphore(%run_scoped3A_329 : memref<!tpu.dma_semaphore, #tpu.memory_space<semaphore_mem>>) {add = true}
        %dma_wait3A_336 = arith.constant 0 : i32
        %dma_wait3A_337 = tpu.memref_slice %arg5[%run_scoped3A_303, %mul3A_284, %run_scoped3A_304, %dma_wait3A_336] : memref<2x26x2x128xi32, #tpu.memory_space<vmem>> -> memref<1x1x1x128xi32, #tpu.memory_space<vmem>>
        %dma_wait3A_338 = tpu.memref_squeeze %dma_wait3A_337 : memref<1x1x1x128xi32, #tpu.memory_space<vmem>> -> memref<128xi32, #tpu.memory_space<vmem>>
        %dma_wait3A_339 = arith.constant 0 : i32
        %dma_wait3A_340 = arith.constant 0 : i32
        %dma_wait3A_341 = tpu.memref_slice %arg8[%dma_wait3A_339, %dma_wait3A_340] : memref<10112x128xf32, #tpu.memory_space<vmem_shared>> -> memref<10112x128xf32, #tpu.memory_space<vmem_shared>>
        tpu.wait_indirect_dma semaphore(%run_scoped3A_329 : memref<!tpu.dma_semaphore, #tpu.memory_space<semaphore_mem>>) src(%arg6 : memref<128x128xf32, #tpu.memory_space<vmem>>) dst(%dma_wait3A_341 : memref<10112x128xf32, #tpu.memory_space<vmem_shared>>)
        tpu.yield
      }) : () -> ()
      %add3A_305 = arith.constant 2 : i32
      %add3A_306 = arith.addi %mul3A_284, %add3A_305 : i32
      %dma_start3A_307 = arith.constant 0 : i32
      %dma_start3A_308 = arith.constant 0 : i32
      %dma_start3A_309 = arith.constant 0 : i32
      %dma_start3A_310 = tpu.memref_slice %arg5[%dma_start3A_307, %add3A_306, %dma_start3A_308, %dma_start3A_309] : memref<2x26x2x128xi32, #tpu.memory_space<vmem>> -> memref<1x1x1x128xi32, #tpu.memory_space<vmem>>
      %dma_start3A_311 = tpu.memref_squeeze %dma_start3A_310 : memref<1x1x1x128xi32, #tpu.memory_space<vmem>> -> memref<128xi32, #tpu.memory_space<vmem>>
      %dma_start3A_312 = arith.constant 0 : i32
      %dma_start3A_313 = arith.constant 0 : i32
      %dma_start3A_314 = tpu.memref_slice %arg2[%dma_start3A_312, %dma_start3A_313] : memref<10000x128xf32, #tpu.memory_space<hbm>> -> memref<10000x128xf32, #tpu.memory_space<hbm>>
      tpu.enqueue_indirect_dma source(%dma_start3A_314 : memref<10000x128xf32, #tpu.memory_space<hbm>>) target(%arg6 : memref<128x128xf32, #tpu.memory_space<vmem>>) offsets(%dma_start3A_311 : memref<128xi32, #tpu.memory_space<vmem>>) semaphore(%arg9 : memref<!tpu.dma_semaphore, #tpu.memory_space<semaphore_mem>>)
      %add3A_315 = arith.constant 1 : i32
      %add3A_316 = arith.addi %mul3A_284, %add3A_315 : i32
      %dma_wait3A_317 = arith.constant 0 : i32
      %dma_wait3A_318 = arith.constant 0 : i32
      %dma_wait3A_319 = arith.constant 0 : i32
      %dma_wait3A_320 = tpu.memref_slice %arg5[%dma_wait3A_317, %add3A_316, %dma_wait3A_318, %dma_wait3A_319] : memref<2x26x2x128xi32, #tpu.memory_space<vmem>> -> memref<1x1x1x128xi32, #tpu.memory_space<vmem>>
      %dma_wait3A_321 = tpu.memref_squeeze %dma_wait3A_320 : memref<1x1x1x128xi32, #tpu.memory_space<vmem>> -> memref<128xi32, #tpu.memory_space<vmem>>
      %dma_wait3A_322 = arith.constant 0 : i32
      %dma_wait3A_323 = arith.constant 0 : i32
      %dma_wait3A_324 = tpu.memref_slice %arg2[%dma_wait3A_322, %dma_wait3A_323] : memref<10000x128xf32, #tpu.memory_space<hbm>> -> memref<10000x128xf32, #tpu.memory_space<hbm>>
      tpu.wait_indirect_dma semaphore(%arg10 : memref<!tpu.dma_semaphore, #tpu.memory_space<semaphore_mem>>) src(%dma_wait3A_324 : memref<10000x128xf32, #tpu.memory_space<hbm>>) dst(%arg7 : memref<128x128xf32, #tpu.memory_space<vmem>>)
      %add3A_325 = arith.constant 1 : i32
      %add3A_326 = arith.addi %mul3A_284, %add3A_325 : i32
      %run_scoped3A_327 = arith.constant 0 : i32
      %run_scoped3A_328 = arith.constant 1 : i32
      "tpu.region"() ({
        %run_scoped3A_329 = tpu.sem_alloc : memref<!tpu.dma_semaphore, #tpu.memory_space<semaphore_mem>>
        %dma_start3A_330 = arith.constant 0 : i32
        %dma_start3A_331 = tpu.memref_slice %arg5[%run_scoped3A_327, %add3A_326, %run_scoped3A_328, %dma_start3A_330] : memref<2x26x2x128xi32, #tpu.memory_space<vmem>> -> memref<1x1x1x128xi32, #tpu.memory_space<vmem>>
        %dma_start3A_332 = tpu.memref_squeeze %dma_start3A_331 : memref<1x1x1x128xi32, #tpu.memory_space<vmem>> -> memref<128xi32, #tpu.memory_space<vmem>>
        %dma_start3A_333 = arith.constant 0 : i32
        %dma_start3A_334 = arith.constant 0 : i32
        %dma_start3A_335 = tpu.memref_slice %arg8[%dma_start3A_333, %dma_start3A_334] : memref<10112x128xf32, #tpu.memory_space<vmem_shared>> -> memref<10112x128xf32, #tpu.memory_space<vmem_shared>>
        tpu.enqueue_indirect_dma source(%arg7 : memref<128x128xf32, #tpu.memory_space<vmem>>) target(%dma_start3A_335 : memref<10112x128xf32, #tpu.memory_space<vmem_shared>>) offsets(%dma_start3A_332 : memref<128xi32, #tpu.memory_space<vmem>>) semaphore(%run_scoped3A_329 : memref<!tpu.dma_semaphore, #tpu.memory_space<semaphore_mem>>) {add = true}
        %dma_wait3A_336 = arith.constant 0 : i32
        %dma_wait3A_337 = tpu.memref_slice %arg5[%run_scoped3A_327, %add3A_326, %run_scoped3A_328, %dma_wait3A_336] : memref<2x26x2x128xi32, #tpu.memory_space<vmem>> -> memref<1x1x1x128xi32, #tpu.memory_space<vmem>>
        %dma_wait3A_338 = tpu.memref_squeeze %dma_wait3A_337 : memref<1x1x1x128xi32, #tpu.memory_space<vmem>> -> memref<128xi32, #tpu.memory_space<vmem>>
        %dma_wait3A_339 = arith.constant 0 : i32
        %dma_wait3A_340 = arith.constant 0 : i32
        %dma_wait3A_341 = tpu.memref_slice %arg8[%dma_wait3A_339, %dma_wait3A_340] : memref<10112x128xf32, #tpu.memory_space<vmem_shared>> -> memref<10112x128xf32, #tpu.memory_space<vmem_shared>>
        tpu.wait_indirect_dma semaphore(%run_scoped3A_329 : memref<!tpu.dma_semaphore, #tpu.memory_space<semaphore_mem>>) src(%arg7 : memref<128x128xf32, #tpu.memory_space<vmem>>) dst(%dma_wait3A_341 : memref<10112x128xf32, #tpu.memory_space<vmem_shared>>)
        tpu.yield
      }) : () -> ()
    }
    %scan3A_93 = arith.constant 12 : i32
    %dma_start3A_94 = arith.constant 0 : i32
    %dma_start3A_95 = arith.constant 25 : i32
    %dma_start3A_96 = arith.constant 0 : i32
    %dma_start3A_97 = arith.constant 0 : i32
    %dma_start3A_98 = tpu.memref_slice %arg5[%dma_start3A_94, %dma_start3A_95, %dma_start3A_96, %dma_start3A_97] : memref<2x26x2x128xi32, #tpu.memory_space<vmem>> -> memref<1x1x1x128xi32, #tpu.memory_space<vmem>>
    %dma_start3A_99 = tpu.memref_squeeze %dma_start3A_98 : memref<1x1x1x128xi32, #tpu.memory_space<vmem>> -> memref<128xi32, #tpu.memory_space<vmem>>
    %dma_start3A_100 = arith.constant 0 : i32
    %dma_start3A_101 = arith.constant 0 : i32
    %dma_start3A_102 = tpu.memref_slice %arg2[%dma_start3A_100, %dma_start3A_101] : memref<10000x128xf32, #tpu.memory_space<hbm>> -> memref<10000x128xf32, #tpu.memory_space<hbm>>
    tpu.enqueue_indirect_dma source(%dma_start3A_102 : memref<10000x128xf32, #tpu.memory_space<hbm>>) target(%arg7 : memref<128x128xf32, #tpu.memory_space<vmem>>) offsets(%dma_start3A_99 : memref<128xi32, #tpu.memory_space<vmem>>) semaphore(%arg10 : memref<!tpu.dma_semaphore, #tpu.memory_space<semaphore_mem>>)
    %dma_wait3A_103 = arith.constant 0 : i32
    %dma_wait3A_104 = arith.constant 24 : i32
    %dma_wait3A_105 = arith.constant 0 : i32
    %dma_wait3A_106 = arith.constant 0 : i32
    %dma_wait3A_107 = tpu.memref_slice %arg5[%dma_wait3A_103, %dma_wait3A_104, %dma_wait3A_105, %dma_wait3A_106] : memref<2x26x2x128xi32, #tpu.memory_space<vmem>> -> memref<1x1x1x128xi32, #tpu.memory_space<vmem>>
    %dma_wait3A_108 = tpu.memref_squeeze %dma_wait3A_107 : memref<1x1x1x128xi32, #tpu.memory_space<vmem>> -> memref<128xi32, #tpu.memory_space<vmem>>
    %dma_wait3A_109 = arith.constant 0 : i32
    %dma_wait3A_110 = arith.constant 0 : i32
    %dma_wait3A_111 = tpu.memref_slice %arg2[%dma_wait3A_109, %dma_wait3A_110] : memref<10000x128xf32, #tpu.memory_space<hbm>> -> memref<10000x128xf32, #tpu.memory_space<hbm>>
    tpu.wait_indirect_dma semaphore(%arg9 : memref<!tpu.dma_semaphore, #tpu.memory_space<semaphore_mem>>) src(%dma_wait3A_111 : memref<10000x128xf32, #tpu.memory_space<hbm>>) dst(%arg6 : memref<128x128xf32, #tpu.memory_space<vmem>>)
    %run_scoped3A = arith.constant 0 : i32
    %run_scoped3A_112 = arith.constant 24 : i32
    %run_scoped3A_113 = arith.constant 1 : i32
    "tpu.region"() ({
      %run_scoped3A_282 = tpu.sem_alloc : memref<!tpu.dma_semaphore, #tpu.memory_space<semaphore_mem>>
      %dma_start3A_283 = arith.constant 0 : i32
      %dma_start3A_284 = tpu.memref_slice %arg5[%run_scoped3A, %run_scoped3A_112, %run_scoped3A_113, %dma_start3A_283] : memref<2x26x2x128xi32, #tpu.memory_space<vmem>> -> memref<1x1x1x128xi32, #tpu.memory_space<vmem>>
      %dma_start3A_285 = tpu.memref_squeeze %dma_start3A_284 : memref<1x1x1x128xi32, #tpu.memory_space<vmem>> -> memref<128xi32, #tpu.memory_space<vmem>>
      %dma_start3A_286 = arith.constant 0 : i32
      %dma_start3A_287 = arith.constant 0 : i32
      %dma_start3A_288 = tpu.memref_slice %arg8[%dma_start3A_286, %dma_start3A_287] : memref<10112x128xf32, #tpu.memory_space<vmem_shared>> -> memref<10112x128xf32, #tpu.memory_space<vmem_shared>>
      tpu.enqueue_indirect_dma source(%arg6 : memref<128x128xf32, #tpu.memory_space<vmem>>) target(%dma_start3A_288 : memref<10112x128xf32, #tpu.memory_space<vmem_shared>>) offsets(%dma_start3A_285 : memref<128xi32, #tpu.memory_space<vmem>>) semaphore(%run_scoped3A_282 : memref<!tpu.dma_semaphore, #tpu.memory_space<semaphore_mem>>) {add = true}
      %dma_wait3A_289 = arith.constant 0 : i32
      %dma_wait3A_290 = tpu.memref_slice %arg5[%run_scoped3A, %run_scoped3A_112, %run_scoped3A_113, %dma_wait3A_289] : memref<2x26x2x128xi32, #tpu.memory_space<vmem>> -> memref<1x1x1x128xi32, #tpu.memory_space<vmem>>
      %dma_wait3A_291 = tpu.memref_squeeze %dma_wait3A_290 : memref<1x1x1x128xi32, #tpu.memory_space<vmem>> -> memref<128xi32, #tpu.memory_space<vmem>>
      %dma_wait3A_292 = arith.constant 0 : i32
      %dma_wait3A_293 = arith.constant 0 : i32
      %dma_wait3A_294 = tpu.memref_slice %arg8[%dma_wait3A_292, %dma_wait3A_293] : memref<10112x128xf32, #tpu.memory_space<vmem_shared>> -> memref<10112x128xf32, #tpu.memory_space<vmem_shared>>
      tpu.wait_indirect_dma semaphore(%run_scoped3A_282 : memref<!tpu.dma_semaphore, #tpu.memory_space<semaphore_mem>>) src(%arg6 : memref<128x128xf32, #tpu.memory_space<vmem>>) dst(%dma_wait3A_294 : memref<10112x128xf32, #tpu.memory_space<vmem_shared>>)
      tpu.yield
    }) : () -> ()
    %add3A_114 = arith.constant 26 : i32
    %add3A_115 = arith.addi %add3A_6, %add3A_114 : i32
    %dma_wait3A_116 = arith.constant 1 : i32
    %dma_wait3A_117 = arith.constant 0 : i32
    %dma_wait3A_118 = arith.constant 0 : i32
    %dma_wait3A_119 = arith.constant 0 : i32
    %dma_wait3A_120 = tpu.memref_slice %arg5[%dma_wait3A_116, %dma_wait3A_117, %dma_wait3A_118, %dma_wait3A_119] : memref<2x26x2x128xi32, #tpu.memory_space<vmem>> -> memref<1x26x2x128xi32, #tpu.memory_space<vmem>>
    %dma_wait3A_121 = tpu.memref_squeeze %dma_wait3A_120 : memref<1x26x2x128xi32, #tpu.memory_space<vmem>> -> memref<26x2x128xi32, #tpu.memory_space<vmem>>
    %dma_wait3A_122 = arith.constant 0 : i32
    %dma_wait3A_123 = arith.constant 0 : i32
    %dma_wait3A_124 = tpu.memref_slice %arg3[%add3A_115, %dma_wait3A_122, %dma_wait3A_123] : memref<2500x2x128xi32, #tpu.memory_space<hbm>> -> memref<26x2x128xi32, #tpu.memory_space<hbm>>
    %dma_wait3A_125 = arith.constant 0 : i32
    %dma_wait3A_126 = arith.constant 0 : i32
    %dma_wait3A_127 = arith.constant 0 : i32
    %dma_wait3A_128 = tpu.memref_slice %arg5[%dma_wait3A_116, %dma_wait3A_125, %dma_wait3A_126, %dma_wait3A_127] : memref<2x26x2x128xi32, #tpu.memory_space<vmem>> -> memref<1x26x2x128xi32, #tpu.memory_space<vmem>>
    %dma_wait3A_129 = tpu.memref_squeeze %dma_wait3A_128 : memref<1x26x2x128xi32, #tpu.memory_space<vmem>> -> memref<26x2x128xi32, #tpu.memory_space<vmem>>
    %dma_wait3A_130 = arith.constant 0 : i32
    %dma_wait3A_131 = arith.constant 0 : i32
    %dma_wait3A_132 = tpu.memref_slice %arg3[%add3A_115, %dma_wait3A_130, %dma_wait3A_131] : memref<2500x2x128xi32, #tpu.memory_space<hbm>> -> memref<26x2x128xi32, #tpu.memory_space<hbm>>
    tpu.wait_dma2 semaphore(%arg11 : memref<!tpu.dma_semaphore, #tpu.memory_space<semaphore_mem>>) src(%dma_wait3A_132 : memref<26x2x128xi32, #tpu.memory_space<hbm>>) dst(%dma_wait3A_129 : memref<26x2x128xi32, #tpu.memory_space<vmem>>)
    %dma_start3A_133 = arith.constant 1 : i32
    %dma_start3A_134 = arith.constant 0 : i32
    %dma_start3A_135 = arith.constant 0 : i32
    %dma_start3A_136 = arith.constant 0 : i32
    %dma_start3A_137 = tpu.memref_slice %arg5[%dma_start3A_133, %dma_start3A_134, %dma_start3A_135, %dma_start3A_136] : memref<2x26x2x128xi32, #tpu.memory_space<vmem>> -> memref<1x1x1x128xi32, #tpu.memory_space<vmem>>
    %dma_start3A_138 = tpu.memref_squeeze %dma_start3A_137 : memref<1x1x1x128xi32, #tpu.memory_space<vmem>> -> memref<128xi32, #tpu.memory_space<vmem>>
    %dma_start3A_139 = arith.constant 0 : i32
    %dma_start3A_140 = arith.constant 0 : i32
    %dma_start3A_141 = tpu.memref_slice %arg2[%dma_start3A_139, %dma_start3A_140] : memref<10000x128xf32, #tpu.memory_space<hbm>> -> memref<10000x128xf32, #tpu.memory_space<hbm>>
    tpu.enqueue_indirect_dma source(%dma_start3A_141 : memref<10000x128xf32, #tpu.memory_space<hbm>>) target(%arg6 : memref<128x128xf32, #tpu.memory_space<vmem>>) offsets(%dma_start3A_138 : memref<128xi32, #tpu.memory_space<vmem>>) semaphore(%arg9 : memref<!tpu.dma_semaphore, #tpu.memory_space<semaphore_mem>>)
    %dma_wait3A_142 = arith.constant 0 : i32
    %dma_wait3A_143 = arith.constant 25 : i32
    %dma_wait3A_144 = arith.constant 0 : i32
    %dma_wait3A_145 = arith.constant 0 : i32
    %dma_wait3A_146 = tpu.memref_slice %arg5[%dma_wait3A_142, %dma_wait3A_143, %dma_wait3A_144, %dma_wait3A_145] : memref<2x26x2x128xi32, #tpu.memory_space<vmem>> -> memref<1x1x1x128xi32, #tpu.memory_space<vmem>>
    %dma_wait3A_147 = tpu.memref_squeeze %dma_wait3A_146 : memref<1x1x1x128xi32, #tpu.memory_space<vmem>> -> memref<128xi32, #tpu.memory_space<vmem>>
    %dma_wait3A_148 = arith.constant 0 : i32
    %dma_wait3A_149 = arith.constant 0 : i32
    %dma_wait3A_150 = tpu.memref_slice %arg2[%dma_wait3A_148, %dma_wait3A_149] : memref<10000x128xf32, #tpu.memory_space<hbm>> -> memref<10000x128xf32, #tpu.memory_space<hbm>>
    tpu.wait_indirect_dma semaphore(%arg10 : memref<!tpu.dma_semaphore, #tpu.memory_space<semaphore_mem>>) src(%dma_wait3A_150 : memref<10000x128xf32, #tpu.memory_space<hbm>>) dst(%arg7 : memref<128x128xf32, #tpu.memory_space<vmem>>)
    %run_scoped3A_151 = arith.constant 0 : i32
    %run_scoped3A_152 = arith.constant 25 : i32
    %run_scoped3A_153 = arith.constant 1 : i32
    "tpu.region"() ({
      %run_scoped3A_282 = tpu.sem_alloc : memref<!tpu.dma_semaphore, #tpu.memory_space<semaphore_mem>>
      %dma_start3A_283 = arith.constant 0 : i32
      %dma_start3A_284 = tpu.memref_slice %arg5[%run_scoped3A_151, %run_scoped3A_152, %run_scoped3A_153, %dma_start3A_283] : memref<2x26x2x128xi32, #tpu.memory_space<vmem>> -> memref<1x1x1x128xi32, #tpu.memory_space<vmem>>
      %dma_start3A_285 = tpu.memref_squeeze %dma_start3A_284 : memref<1x1x1x128xi32, #tpu.memory_space<vmem>> -> memref<128xi32, #tpu.memory_space<vmem>>
      %dma_start3A_286 = arith.constant 0 : i32
      %dma_start3A_287 = arith.constant 0 : i32
      %dma_start3A_288 = tpu.memref_slice %arg8[%dma_start3A_286, %dma_start3A_287] : memref<10112x128xf32, #tpu.memory_space<vmem_shared>> -> memref<10112x128xf32, #tpu.memory_space<vmem_shared>>
      tpu.enqueue_indirect_dma source(%arg7 : memref<128x128xf32, #tpu.memory_space<vmem>>) target(%dma_start3A_288 : memref<10112x128xf32, #tpu.memory_space<vmem_shared>>) offsets(%dma_start3A_285 : memref<128xi32, #tpu.memory_space<vmem>>) semaphore(%run_scoped3A_282 : memref<!tpu.dma_semaphore, #tpu.memory_space<semaphore_mem>>) {add = true}
      %dma_wait3A_289 = arith.constant 0 : i32
      %dma_wait3A_290 = tpu.memref_slice %arg5[%run_scoped3A_151, %run_scoped3A_152, %run_scoped3A_153, %dma_wait3A_289] : memref<2x26x2x128xi32, #tpu.memory_space<vmem>> -> memref<1x1x1x128xi32, #tpu.memory_space<vmem>>
      %dma_wait3A_291 = tpu.memref_squeeze %dma_wait3A_290 : memref<1x1x1x128xi32, #tpu.memory_space<vmem>> -> memref<128xi32, #tpu.memory_space<vmem>>
      %dma_wait3A_292 = arith.constant 0 : i32
      %dma_wait3A_293 = arith.constant 0 : i32
      %dma_wait3A_294 = tpu.memref_slice %arg8[%dma_wait3A_292, %dma_wait3A_293] : memref<10112x128xf32, #tpu.memory_space<vmem_shared>> -> memref<10112x128xf32, #tpu.memory_space<vmem_shared>>
      tpu.wait_indirect_dma semaphore(%run_scoped3A_282 : memref<!tpu.dma_semaphore, #tpu.memory_space<semaphore_mem>>) src(%arg7 : memref<128x128xf32, #tpu.memory_space<vmem>>) dst(%dma_wait3A_294 : memref<10112x128xf32, #tpu.memory_space<vmem_shared>>)
      tpu.yield
    }) : () -> ()
    %add3A_154 = arith.constant 52 : i32
    %add3A_155 = arith.addi %add3A_6, %add3A_154 : i32
    %dma_start3A_156 = arith.constant 0 : i32
    %dma_start3A_157 = arith.constant 0 : i32
    %dma_start3A_158 = arith.constant 0 : i32
    %dma_start3A_159 = arith.constant 0 : i32
    %dma_start3A_160 = tpu.memref_slice %arg5[%dma_start3A_156, %dma_start3A_157, %dma_start3A_158, %dma_start3A_159] : memref<2x26x2x128xi32, #tpu.memory_space<vmem>> -> memref<1x26x2x128xi32, #tpu.memory_space<vmem>>
    %dma_start3A_161 = tpu.memref_squeeze %dma_start3A_160 : memref<1x26x2x128xi32, #tpu.memory_space<vmem>> -> memref<26x2x128xi32, #tpu.memory_space<vmem>>
    %dma_start3A_162 = arith.constant 0 : i32
    %dma_start3A_163 = arith.constant 0 : i32
    %dma_start3A_164 = tpu.memref_slice %arg3[%add3A_155, %dma_start3A_162, %dma_start3A_163] : memref<2500x2x128xi32, #tpu.memory_space<hbm>> -> memref<26x2x128xi32, #tpu.memory_space<hbm>>
    %dma_start3A_165 = arith.constant 0 : i32
    %dma_start3A_166 = arith.constant 0 : i32
    %dma_start3A_167 = arith.constant 0 : i32
    %dma_start3A_168 = tpu.memref_slice %arg5[%dma_start3A_156, %dma_start3A_165, %dma_start3A_166, %dma_start3A_167] : memref<2x26x2x128xi32, #tpu.memory_space<vmem>> -> memref<1x26x2x128xi32, #tpu.memory_space<vmem>>
    %dma_start3A_169 = tpu.memref_squeeze %dma_start3A_168 : memref<1x26x2x128xi32, #tpu.memory_space<vmem>> -> memref<26x2x128xi32, #tpu.memory_space<vmem>>
    %dma_start3A_170 = arith.constant 0 : i32
    %dma_start3A_171 = arith.constant 0 : i32
    %dma_start3A_172 = tpu.memref_slice %arg3[%add3A_155, %dma_start3A_170, %dma_start3A_171] : memref<2500x2x128xi32, #tpu.memory_space<hbm>> -> memref<26x2x128xi32, #tpu.memory_space<hbm>>
    tpu.enqueue_dma source(%dma_start3A_172 : memref<26x2x128xi32, #tpu.memory_space<hbm>>) target(%dma_start3A_169 : memref<26x2x128xi32, #tpu.memory_space<vmem>>) target_semaphore(%arg11 : memref<!tpu.dma_semaphore, #tpu.memory_space<semaphore_mem>>)
    %scan3A_173 = arith.constant 0 : i32
    %scan3A_174 = arith.constant 0 : i32
    %scan3A_175 = arith.constant 12 : i32
    %scan3A_176 = arith.addi %scan3A_174, %scan3A_175 : i32
    %scan3A_177 = arith.constant 1 : i32
    scf.for %scan3A_282 = %scan3A_174 to %scan3A_176 step %scan3A_177  : i32 {
      %mul3A_283 = arith.constant 2 : i32
      %mul3A_284 = arith.muli %mul3A_283, %scan3A_282 : i32
      %add3A_285 = arith.constant 1 : i32
      %add3A_286 = arith.addi %mul3A_284, %add3A_285 : i32
      %dma_start3A_287 = arith.constant 1 : i32
      %dma_start3A_288 = arith.constant 0 : i32
      %dma_start3A_289 = arith.constant 0 : i32
      %dma_start3A_290 = tpu.memref_slice %arg5[%dma_start3A_287, %add3A_286, %dma_start3A_288, %dma_start3A_289] : memref<2x26x2x128xi32, #tpu.memory_space<vmem>> -> memref<1x1x1x128xi32, #tpu.memory_space<vmem>>
      %dma_start3A_291 = tpu.memref_squeeze %dma_start3A_290 : memref<1x1x1x128xi32, #tpu.memory_space<vmem>> -> memref<128xi32, #tpu.memory_space<vmem>>
      %dma_start3A_292 = arith.constant 0 : i32
      %dma_start3A_293 = arith.constant 0 : i32
      %dma_start3A_294 = tpu.memref_slice %arg2[%dma_start3A_292, %dma_start3A_293] : memref<10000x128xf32, #tpu.memory_space<hbm>> -> memref<10000x128xf32, #tpu.memory_space<hbm>>
      tpu.enqueue_indirect_dma source(%dma_start3A_294 : memref<10000x128xf32, #tpu.memory_space<hbm>>) target(%arg7 : memref<128x128xf32, #tpu.memory_space<vmem>>) offsets(%dma_start3A_291 : memref<128xi32, #tpu.memory_space<vmem>>) semaphore(%arg10 : memref<!tpu.dma_semaphore, #tpu.memory_space<semaphore_mem>>)
      %dma_wait3A_295 = arith.constant 1 : i32
      %dma_wait3A_296 = arith.constant 0 : i32
      %dma_wait3A_297 = arith.constant 0 : i32
      %dma_wait3A_298 = tpu.memref_slice %arg5[%dma_wait3A_295, %mul3A_284, %dma_wait3A_296, %dma_wait3A_297] : memref<2x26x2x128xi32, #tpu.memory_space<vmem>> -> memref<1x1x1x128xi32, #tpu.memory_space<vmem>>
      %dma_wait3A_299 = tpu.memref_squeeze %dma_wait3A_298 : memref<1x1x1x128xi32, #tpu.memory_space<vmem>> -> memref<128xi32, #tpu.memory_space<vmem>>
      %dma_wait3A_300 = arith.constant 0 : i32
      %dma_wait3A_301 = arith.constant 0 : i32
      %dma_wait3A_302 = tpu.memref_slice %arg2[%dma_wait3A_300, %dma_wait3A_301] : memref<10000x128xf32, #tpu.memory_space<hbm>> -> memref<10000x128xf32, #tpu.memory_space<hbm>>
      tpu.wait_indirect_dma semaphore(%arg9 : memref<!tpu.dma_semaphore, #tpu.memory_space<semaphore_mem>>) src(%dma_wait3A_302 : memref<10000x128xf32, #tpu.memory_space<hbm>>) dst(%arg6 : memref<128x128xf32, #tpu.memory_space<vmem>>)
      %run_scoped3A_303 = arith.constant 1 : i32
      %run_scoped3A_304 = arith.constant 1 : i32
      "tpu.region"() ({
        %run_scoped3A_329 = tpu.sem_alloc : memref<!tpu.dma_semaphore, #tpu.memory_space<semaphore_mem>>
        %dma_start3A_330 = arith.constant 0 : i32
        %dma_start3A_331 = tpu.memref_slice %arg5[%run_scoped3A_303, %mul3A_284, %run_scoped3A_304, %dma_start3A_330] : memref<2x26x2x128xi32, #tpu.memory_space<vmem>> -> memref<1x1x1x128xi32, #tpu.memory_space<vmem>>
        %dma_start3A_332 = tpu.memref_squeeze %dma_start3A_331 : memref<1x1x1x128xi32, #tpu.memory_space<vmem>> -> memref<128xi32, #tpu.memory_space<vmem>>
        %dma_start3A_333 = arith.constant 0 : i32
        %dma_start3A_334 = arith.constant 0 : i32
        %dma_start3A_335 = tpu.memref_slice %arg8[%dma_start3A_333, %dma_start3A_334] : memref<10112x128xf32, #tpu.memory_space<vmem_shared>> -> memref<10112x128xf32, #tpu.memory_space<vmem_shared>>
        tpu.enqueue_indirect_dma source(%arg6 : memref<128x128xf32, #tpu.memory_space<vmem>>) target(%dma_start3A_335 : memref<10112x128xf32, #tpu.memory_space<vmem_shared>>) offsets(%dma_start3A_332 : memref<128xi32, #tpu.memory_space<vmem>>) semaphore(%run_scoped3A_329 : memref<!tpu.dma_semaphore, #tpu.memory_space<semaphore_mem>>) {add = true}
        %dma_wait3A_336 = arith.constant 0 : i32
        %dma_wait3A_337 = tpu.memref_slice %arg5[%run_scoped3A_303, %mul3A_284, %run_scoped3A_304, %dma_wait3A_336] : memref<2x26x2x128xi32, #tpu.memory_space<vmem>> -> memref<1x1x1x128xi32, #tpu.memory_space<vmem>>
        %dma_wait3A_338 = tpu.memref_squeeze %dma_wait3A_337 : memref<1x1x1x128xi32, #tpu.memory_space<vmem>> -> memref<128xi32, #tpu.memory_space<vmem>>
        %dma_wait3A_339 = arith.constant 0 : i32
        %dma_wait3A_340 = arith.constant 0 : i32
        %dma_wait3A_341 = tpu.memref_slice %arg8[%dma_wait3A_339, %dma_wait3A_340] : memref<10112x128xf32, #tpu.memory_space<vmem_shared>> -> memref<10112x128xf32, #tpu.memory_space<vmem_shared>>
        tpu.wait_indirect_dma semaphore(%run_scoped3A_329 : memref<!tpu.dma_semaphore, #tpu.memory_space<semaphore_mem>>) src(%arg6 : memref<128x128xf32, #tpu.memory_space<vmem>>) dst(%dma_wait3A_341 : memref<10112x128xf32, #tpu.memory_space<vmem_shared>>)
        tpu.yield
      }) : () -> ()
      %add3A_305 = arith.constant 2 : i32
      %add3A_306 = arith.addi %mul3A_284, %add3A_305 : i32
      %dma_start3A_307 = arith.constant 1 : i32
      %dma_start3A_308 = arith.constant 0 : i32
      %dma_start3A_309 = arith.constant 0 : i32
      %dma_start3A_310 = tpu.memref_slice %arg5[%dma_start3A_307, %add3A_306, %dma_start3A_308, %dma_start3A_309] : memref<2x26x2x128xi32, #tpu.memory_space<vmem>> -> memref<1x1x1x128xi32, #tpu.memory_space<vmem>>
      %dma_start3A_311 = tpu.memref_squeeze %dma_start3A_310 : memref<1x1x1x128xi32, #tpu.memory_space<vmem>> -> memref<128xi32, #tpu.memory_space<vmem>>
      %dma_start3A_312 = arith.constant 0 : i32
      %dma_start3A_313 = arith.constant 0 : i32
      %dma_start3A_314 = tpu.memref_slice %arg2[%dma_start3A_312, %dma_start3A_313] : memref<10000x128xf32, #tpu.memory_space<hbm>> -> memref<10000x128xf32, #tpu.memory_space<hbm>>
      tpu.enqueue_indirect_dma source(%dma_start3A_314 : memref<10000x128xf32, #tpu.memory_space<hbm>>) target(%arg6 : memref<128x128xf32, #tpu.memory_space<vmem>>) offsets(%dma_start3A_311 : memref<128xi32, #tpu.memory_space<vmem>>) semaphore(%arg9 : memref<!tpu.dma_semaphore, #tpu.memory_space<semaphore_mem>>)
      %add3A_315 = arith.constant 1 : i32
      %add3A_316 = arith.addi %mul3A_284, %add3A_315 : i32
      %dma_wait3A_317 = arith.constant 1 : i32
      %dma_wait3A_318 = arith.constant 0 : i32
      %dma_wait3A_319 = arith.constant 0 : i32
      %dma_wait3A_320 = tpu.memref_slice %arg5[%dma_wait3A_317, %add3A_316, %dma_wait3A_318, %dma_wait3A_319] : memref<2x26x2x128xi32, #tpu.memory_space<vmem>> -> memref<1x1x1x128xi32, #tpu.memory_space<vmem>>
      %dma_wait3A_321 = tpu.memref_squeeze %dma_wait3A_320 : memref<1x1x1x128xi32, #tpu.memory_space<vmem>> -> memref<128xi32, #tpu.memory_space<vmem>>
      %dma_wait3A_322 = arith.constant 0 : i32
      %dma_wait3A_323 = arith.constant 0 : i32
      %dma_wait3A_324 = tpu.memref_slice %arg2[%dma_wait3A_322, %dma_wait3A_323] : memref<10000x128xf32, #tpu.memory_space<hbm>> -> memref<10000x128xf32, #tpu.memory_space<hbm>>
      tpu.wait_indirect_dma semaphore(%arg10 : memref<!tpu.dma_semaphore, #tpu.memory_space<semaphore_mem>>) src(%dma_wait3A_324 : memref<10000x128xf32, #tpu.memory_space<hbm>>) dst(%arg7 : memref<128x128xf32, #tpu.memory_space<vmem>>)
      %add3A_325 = arith.constant 1 : i32
      %add3A_326 = arith.addi %mul3A_284, %add3A_325 : i32
      %run_scoped3A_327 = arith.constant 1 : i32
      %run_scoped3A_328 = arith.constant 1 : i32
      "tpu.region"() ({
        %run_scoped3A_329 = tpu.sem_alloc : memref<!tpu.dma_semaphore, #tpu.memory_space<semaphore_mem>>
        %dma_start3A_330 = arith.constant 0 : i32
        %dma_start3A_331 = tpu.memref_slice %arg5[%run_scoped3A_327, %add3A_326, %run_scoped3A_328, %dma_start3A_330] : memref<2x26x2x128xi32, #tpu.memory_space<vmem>> -> memref<1x1x1x128xi32, #tpu.memory_space<vmem>>
        %dma_start3A_332 = tpu.memref_squeeze %dma_start3A_331 : memref<1x1x1x128xi32, #tpu.memory_space<vmem>> -> memref<128xi32, #tpu.memory_space<vmem>>
        %dma_start3A_333 = arith.constant 0 : i32
        %dma_start3A_334 = arith.constant 0 : i32
        %dma_start3A_335 = tpu.memref_slice %arg8[%dma_start3A_333, %dma_start3A_334] : memref<10112x128xf32, #tpu.memory_space<vmem_shared>> -> memref<10112x128xf32, #tpu.memory_space<vmem_shared>>
        tpu.enqueue_indirect_dma source(%arg7 : memref<128x128xf32, #tpu.memory_space<vmem>>) target(%dma_start3A_335 : memref<10112x128xf32, #tpu.memory_space<vmem_shared>>) offsets(%dma_start3A_332 : memref<128xi32, #tpu.memory_space<vmem>>) semaphore(%run_scoped3A_329 : memref<!tpu.dma_semaphore, #tpu.memory_space<semaphore_mem>>) {add = true}
        %dma_wait3A_336 = arith.constant 0 : i32
        %dma_wait3A_337 = tpu.memref_slice %arg5[%run_scoped3A_327, %add3A_326, %run_scoped3A_328, %dma_wait3A_336] : memref<2x26x2x128xi32, #tpu.memory_space<vmem>> -> memref<1x1x1x128xi32, #tpu.memory_space<vmem>>
        %dma_wait3A_338 = tpu.memref_squeeze %dma_wait3A_337 : memref<1x1x1x128xi32, #tpu.memory_space<vmem>> -> memref<128xi32, #tpu.memory_space<vmem>>
        %dma_wait3A_339 = arith.constant 0 : i32
        %dma_wait3A_340 = arith.constant 0 : i32
        %dma_wait3A_341 = tpu.memref_slice %arg8[%dma_wait3A_339, %dma_wait3A_340] : memref<10112x128xf32, #tpu.memory_space<vmem_shared>> -> memref<10112x128xf32, #tpu.memory_space<vmem_shared>>
        tpu.wait_indirect_dma semaphore(%run_scoped3A_329 : memref<!tpu.dma_semaphore, #tpu.memory_space<semaphore_mem>>) src(%arg7 : memref<128x128xf32, #tpu.memory_space<vmem>>) dst(%dma_wait3A_341 : memref<10112x128xf32, #tpu.memory_space<vmem_shared>>)
        tpu.yield
      }) : () -> ()
    }
    %scan3A_178 = arith.constant 12 : i32
    %dma_start3A_179 = arith.constant 1 : i32
    %dma_start3A_180 = arith.constant 25 : i32
    %dma_start3A_181 = arith.constant 0 : i32
    %dma_start3A_182 = arith.constant 0 : i32
    %dma_start3A_183 = tpu.memref_slice %arg5[%dma_start3A_179, %dma_start3A_180, %dma_start3A_181, %dma_start3A_182] : memref<2x26x2x128xi32, #tpu.memory_space<vmem>> -> memref<1x1x1x128xi32, #tpu.memory_space<vmem>>
    %dma_start3A_184 = tpu.memref_squeeze %dma_start3A_183 : memref<1x1x1x128xi32, #tpu.memory_space<vmem>> -> memref<128xi32, #tpu.memory_space<vmem>>
    %dma_start3A_185 = arith.constant 0 : i32
    %dma_start3A_186 = arith.constant 0 : i32
    %dma_start3A_187 = tpu.memref_slice %arg2[%dma_start3A_185, %dma_start3A_186] : memref<10000x128xf32, #tpu.memory_space<hbm>> -> memref<10000x128xf32, #tpu.memory_space<hbm>>
    tpu.enqueue_indirect_dma source(%dma_start3A_187 : memref<10000x128xf32, #tpu.memory_space<hbm>>) target(%arg7 : memref<128x128xf32, #tpu.memory_space<vmem>>) offsets(%dma_start3A_184 : memref<128xi32, #tpu.memory_space<vmem>>) semaphore(%arg10 : memref<!tpu.dma_semaphore, #tpu.memory_space<semaphore_mem>>)
    %dma_wait3A_188 = arith.constant 1 : i32
    %dma_wait3A_189 = arith.constant 24 : i32
    %dma_wait3A_190 = arith.constant 0 : i32
    %dma_wait3A_191 = arith.constant 0 : i32
    %dma_wait3A_192 = tpu.memref_slice %arg5[%dma_wait3A_188, %dma_wait3A_189, %dma_wait3A_190, %dma_wait3A_191] : memref<2x26x2x128xi32, #tpu.memory_space<vmem>> -> memref<1x1x1x128xi32, #tpu.memory_space<vmem>>
    %dma_wait3A_193 = tpu.memref_squeeze %dma_wait3A_192 : memref<1x1x1x128xi32, #tpu.memory_space<vmem>> -> memref<128xi32, #tpu.memory_space<vmem>>
    %dma_wait3A_194 = arith.constant 0 : i32
    %dma_wait3A_195 = arith.constant 0 : i32
    %dma_wait3A_196 = tpu.memref_slice %arg2[%dma_wait3A_194, %dma_wait3A_195] : memref<10000x128xf32, #tpu.memory_space<hbm>> -> memref<10000x128xf32, #tpu.memory_space<hbm>>
    tpu.wait_indirect_dma semaphore(%arg9 : memref<!tpu.dma_semaphore, #tpu.memory_space<semaphore_mem>>) src(%dma_wait3A_196 : memref<10000x128xf32, #tpu.memory_space<hbm>>) dst(%arg6 : memref<128x128xf32, #tpu.memory_space<vmem>>)
    %run_scoped3A_197 = arith.constant 1 : i32
    %run_scoped3A_198 = arith.constant 24 : i32
    %run_scoped3A_199 = arith.constant 1 : i32
    "tpu.region"() ({
      %run_scoped3A_282 = tpu.sem_alloc : memref<!tpu.dma_semaphore, #tpu.memory_space<semaphore_mem>>
      %dma_start3A_283 = arith.constant 0 : i32
      %dma_start3A_284 = tpu.memref_slice %arg5[%run_scoped3A_197, %run_scoped3A_198, %run_scoped3A_199, %dma_start3A_283] : memref<2x26x2x128xi32, #tpu.memory_space<vmem>> -> memref<1x1x1x128xi32, #tpu.memory_space<vmem>>
      %dma_start3A_285 = tpu.memref_squeeze %dma_start3A_284 : memref<1x1x1x128xi32, #tpu.memory_space<vmem>> -> memref<128xi32, #tpu.memory_space<vmem>>
      %dma_start3A_286 = arith.constant 0 : i32
      %dma_start3A_287 = arith.constant 0 : i32
      %dma_start3A_288 = tpu.memref_slice %arg8[%dma_start3A_286, %dma_start3A_287] : memref<10112x128xf32, #tpu.memory_space<vmem_shared>> -> memref<10112x128xf32, #tpu.memory_space<vmem_shared>>
      tpu.enqueue_indirect_dma source(%arg6 : memref<128x128xf32, #tpu.memory_space<vmem>>) target(%dma_start3A_288 : memref<10112x128xf32, #tpu.memory_space<vmem_shared>>) offsets(%dma_start3A_285 : memref<128xi32, #tpu.memory_space<vmem>>) semaphore(%run_scoped3A_282 : memref<!tpu.dma_semaphore, #tpu.memory_space<semaphore_mem>>) {add = true}
      %dma_wait3A_289 = arith.constant 0 : i32
      %dma_wait3A_290 = tpu.memref_slice %arg5[%run_scoped3A_197, %run_scoped3A_198, %run_scoped3A_199, %dma_wait3A_289] : memref<2x26x2x128xi32, #tpu.memory_space<vmem>> -> memref<1x1x1x128xi32, #tpu.memory_space<vmem>>
      %dma_wait3A_291 = tpu.memref_squeeze %dma_wait3A_290 : memref<1x1x1x128xi32, #tpu.memory_space<vmem>> -> memref<128xi32, #tpu.memory_space<vmem>>
      %dma_wait3A_292 = arith.constant 0 : i32
      %dma_wait3A_293 = arith.constant 0 : i32
      %dma_wait3A_294 = tpu.memref_slice %arg8[%dma_wait3A_292, %dma_wait3A_293] : memref<10112x128xf32, #tpu.memory_space<vmem_shared>> -> memref<10112x128xf32, #tpu.memory_space<vmem_shared>>
      tpu.wait_indirect_dma semaphore(%run_scoped3A_282 : memref<!tpu.dma_semaphore, #tpu.memory_space<semaphore_mem>>) src(%arg6 : memref<128x128xf32, #tpu.memory_space<vmem>>) dst(%dma_wait3A_294 : memref<10112x128xf32, #tpu.memory_space<vmem_shared>>)
      tpu.yield
    }) : () -> ()
    %add3A_200 = arith.constant 52 : i32
    %add3A_201 = arith.addi %add3A_6, %add3A_200 : i32
    %dma_wait3A_202 = arith.constant 0 : i32
    %dma_wait3A_203 = arith.constant 0 : i32
    %dma_wait3A_204 = arith.constant 0 : i32
    %dma_wait3A_205 = arith.constant 0 : i32
    %dma_wait3A_206 = tpu.memref_slice %arg5[%dma_wait3A_202, %dma_wait3A_203, %dma_wait3A_204, %dma_wait3A_205] : memref<2x26x2x128xi32, #tpu.memory_space<vmem>> -> memref<1x26x2x128xi32, #tpu.memory_space<vmem>>
    %dma_wait3A_207 = tpu.memref_squeeze %dma_wait3A_206 : memref<1x26x2x128xi32, #tpu.memory_space<vmem>> -> memref<26x2x128xi32, #tpu.memory_space<vmem>>
    %dma_wait3A_208 = arith.constant 0 : i32
    %dma_wait3A_209 = arith.constant 0 : i32
    %dma_wait3A_210 = tpu.memref_slice %arg3[%add3A_201, %dma_wait3A_208, %dma_wait3A_209] : memref<2500x2x128xi32, #tpu.memory_space<hbm>> -> memref<26x2x128xi32, #tpu.memory_space<hbm>>
    %dma_wait3A_211 = arith.constant 0 : i32
    %dma_wait3A_212 = arith.constant 0 : i32
    %dma_wait3A_213 = arith.constant 0 : i32
    %dma_wait3A_214 = tpu.memref_slice %arg5[%dma_wait3A_202, %dma_wait3A_211, %dma_wait3A_212, %dma_wait3A_213] : memref<2x26x2x128xi32, #tpu.memory_space<vmem>> -> memref<1x26x2x128xi32, #tpu.memory_space<vmem>>
    %dma_wait3A_215 = tpu.memref_squeeze %dma_wait3A_214 : memref<1x26x2x128xi32, #tpu.memory_space<vmem>> -> memref<26x2x128xi32, #tpu.memory_space<vmem>>
    %dma_wait3A_216 = arith.constant 0 : i32
    %dma_wait3A_217 = arith.constant 0 : i32
    %dma_wait3A_218 = tpu.memref_slice %arg3[%add3A_201, %dma_wait3A_216, %dma_wait3A_217] : memref<2500x2x128xi32, #tpu.memory_space<hbm>> -> memref<26x2x128xi32, #tpu.memory_space<hbm>>
    tpu.wait_dma2 semaphore(%arg11 : memref<!tpu.dma_semaphore, #tpu.memory_space<semaphore_mem>>) src(%dma_wait3A_218 : memref<26x2x128xi32, #tpu.memory_space<hbm>>) dst(%dma_wait3A_215 : memref<26x2x128xi32, #tpu.memory_space<vmem>>)
    %dma_start3A_219 = arith.constant 0 : i32
    %dma_start3A_220 = arith.constant 0 : i32
    %dma_start3A_221 = arith.constant 0 : i32
    %dma_start3A_222 = arith.constant 0 : i32
    %dma_start3A_223 = tpu.memref_slice %arg5[%dma_start3A_219, %dma_start3A_220, %dma_start3A_221, %dma_start3A_222] : memref<2x26x2x128xi32, #tpu.memory_space<vmem>> -> memref<1x1x1x128xi32, #tpu.memory_space<vmem>>
    %dma_start3A_224 = tpu.memref_squeeze %dma_start3A_223 : memref<1x1x1x128xi32, #tpu.memory_space<vmem>> -> memref<128xi32, #tpu.memory_space<vmem>>
    %dma_start3A_225 = arith.constant 0 : i32
    %dma_start3A_226 = arith.constant 0 : i32
    %dma_start3A_227 = tpu.memref_slice %arg2[%dma_start3A_225, %dma_start3A_226] : memref<10000x128xf32, #tpu.memory_space<hbm>> -> memref<10000x128xf32, #tpu.memory_space<hbm>>
    tpu.enqueue_indirect_dma source(%dma_start3A_227 : memref<10000x128xf32, #tpu.memory_space<hbm>>) target(%arg6 : memref<128x128xf32, #tpu.memory_space<vmem>>) offsets(%dma_start3A_224 : memref<128xi32, #tpu.memory_space<vmem>>) semaphore(%arg9 : memref<!tpu.dma_semaphore, #tpu.memory_space<semaphore_mem>>)
    %dma_wait3A_228 = arith.constant 1 : i32
    %dma_wait3A_229 = arith.constant 25 : i32
    %dma_wait3A_230 = arith.constant 0 : i32
    %dma_wait3A_231 = arith.constant 0 : i32
    %dma_wait3A_232 = tpu.memref_slice %arg5[%dma_wait3A_228, %dma_wait3A_229, %dma_wait3A_230, %dma_wait3A_231] : memref<2x26x2x128xi32, #tpu.memory_space<vmem>> -> memref<1x1x1x128xi32, #tpu.memory_space<vmem>>
    %dma_wait3A_233 = tpu.memref_squeeze %dma_wait3A_232 : memref<1x1x1x128xi32, #tpu.memory_space<vmem>> -> memref<128xi32, #tpu.memory_space<vmem>>
    %dma_wait3A_234 = arith.constant 0 : i32
    %dma_wait3A_235 = arith.constant 0 : i32
    %dma_wait3A_236 = tpu.memref_slice %arg2[%dma_wait3A_234, %dma_wait3A_235] : memref<10000x128xf32, #tpu.memory_space<hbm>> -> memref<10000x128xf32, #tpu.memory_space<hbm>>
    tpu.wait_indirect_dma semaphore(%arg10 : memref<!tpu.dma_semaphore, #tpu.memory_space<semaphore_mem>>) src(%dma_wait3A_236 : memref<10000x128xf32, #tpu.memory_space<hbm>>) dst(%arg7 : memref<128x128xf32, #tpu.memory_space<vmem>>)
    %run_scoped3A_237 = arith.constant 1 : i32
    %run_scoped3A_238 = arith.constant 25 : i32
    %run_scoped3A_239 = arith.constant 1 : i32
    "tpu.region"() ({
      %run_scoped3A_282 = tpu.sem_alloc : memref<!tpu.dma_semaphore, #tpu.memory_space<semaphore_mem>>
      %dma_start3A_283 = arith.constant 0 : i32
      %dma_start3A_284 = tpu.memref_slice %arg5[%run_scoped3A_237, %run_scoped3A_238, %run_scoped3A_239, %dma_start3A_283] : memref<2x26x2x128xi32, #tpu.memory_space<vmem>> -> memref<1x1x1x128xi32, #tpu.memory_space<vmem>>
      %dma_start3A_285 = tpu.memref_squeeze %dma_start3A_284 : memref<1x1x1x128xi32, #tpu.memory_space<vmem>> -> memref<128xi32, #tpu.memory_space<vmem>>
      %dma_start3A_286 = arith.constant 0 : i32
      %dma_start3A_287 = arith.constant 0 : i32
      %dma_start3A_288 = tpu.memref_slice %arg8[%dma_start3A_286, %dma_start3A_287] : memref<10112x128xf32, #tpu.memory_space<vmem_shared>> -> memref<10112x128xf32, #tpu.memory_space<vmem_shared>>
      tpu.enqueue_indirect_dma source(%arg7 : memref<128x128xf32, #tpu.memory_space<vmem>>) target(%dma_start3A_288 : memref<10112x128xf32, #tpu.memory_space<vmem_shared>>) offsets(%dma_start3A_285 : memref<128xi32, #tpu.memory_space<vmem>>) semaphore(%run_scoped3A_282 : memref<!tpu.dma_semaphore, #tpu.memory_space<semaphore_mem>>) {add = true}
      %dma_wait3A_289 = arith.constant 0 : i32
      %dma_wait3A_290 = tpu.memref_slice %arg5[%run_scoped3A_237, %run_scoped3A_238, %run_scoped3A_239, %dma_wait3A_289] : memref<2x26x2x128xi32, #tpu.memory_space<vmem>> -> memref<1x1x1x128xi32, #tpu.memory_space<vmem>>
      %dma_wait3A_291 = tpu.memref_squeeze %dma_wait3A_290 : memref<1x1x1x128xi32, #tpu.memory_space<vmem>> -> memref<128xi32, #tpu.memory_space<vmem>>
      %dma_wait3A_292 = arith.constant 0 : i32
      %dma_wait3A_293 = arith.constant 0 : i32
      %dma_wait3A_294 = tpu.memref_slice %arg8[%dma_wait3A_292, %dma_wait3A_293] : memref<10112x128xf32, #tpu.memory_space<vmem_shared>> -> memref<10112x128xf32, #tpu.memory_space<vmem_shared>>
      tpu.wait_indirect_dma semaphore(%run_scoped3A_282 : memref<!tpu.dma_semaphore, #tpu.memory_space<semaphore_mem>>) src(%arg7 : memref<128x128xf32, #tpu.memory_space<vmem>>) dst(%dma_wait3A_294 : memref<10112x128xf32, #tpu.memory_space<vmem_shared>>)
      tpu.yield
    }) : () -> ()
    %scan3A_240 = arith.constant 0 : i32
    %scan3A_241 = arith.constant 0 : i32
    %scan3A_242 = arith.constant 12 : i32
    %scan3A_243 = arith.addi %scan3A_241, %scan3A_242 : i32
    %scan3A_244 = arith.constant 1 : i32
    scf.for %scan3A_282 = %scan3A_241 to %scan3A_243 step %scan3A_244  : i32 {
      %mul3A_283 = arith.constant 2 : i32
      %mul3A_284 = arith.muli %mul3A_283, %scan3A_282 : i32
      %add3A_285 = arith.constant 1 : i32
      %add3A_286 = arith.addi %mul3A_284, %add3A_285 : i32
      %dma_start3A_287 = arith.constant 0 : i32
      %dma_start3A_288 = arith.constant 0 : i32
      %dma_start3A_289 = arith.constant 0 : i32
      %dma_start3A_290 = tpu.memref_slice %arg5[%dma_start3A_287, %add3A_286, %dma_start3A_288, %dma_start3A_289] : memref<2x26x2x128xi32, #tpu.memory_space<vmem>> -> memref<1x1x1x128xi32, #tpu.memory_space<vmem>>
      %dma_start3A_291 = tpu.memref_squeeze %dma_start3A_290 : memref<1x1x1x128xi32, #tpu.memory_space<vmem>> -> memref<128xi32, #tpu.memory_space<vmem>>
      %dma_start3A_292 = arith.constant 0 : i32
      %dma_start3A_293 = arith.constant 0 : i32
      %dma_start3A_294 = tpu.memref_slice %arg2[%dma_start3A_292, %dma_start3A_293] : memref<10000x128xf32, #tpu.memory_space<hbm>> -> memref<10000x128xf32, #tpu.memory_space<hbm>>
      tpu.enqueue_indirect_dma source(%dma_start3A_294 : memref<10000x128xf32, #tpu.memory_space<hbm>>) target(%arg7 : memref<128x128xf32, #tpu.memory_space<vmem>>) offsets(%dma_start3A_291 : memref<128xi32, #tpu.memory_space<vmem>>) semaphore(%arg10 : memref<!tpu.dma_semaphore, #tpu.memory_space<semaphore_mem>>)
      %dma_wait3A_295 = arith.constant 0 : i32
      %dma_wait3A_296 = arith.constant 0 : i32
      %dma_wait3A_297 = arith.constant 0 : i32
      %dma_wait3A_298 = tpu.memref_slice %arg5[%dma_wait3A_295, %mul3A_284, %dma_wait3A_296, %dma_wait3A_297] : memref<2x26x2x128xi32, #tpu.memory_space<vmem>> -> memref<1x1x1x128xi32, #tpu.memory_space<vmem>>
      %dma_wait3A_299 = tpu.memref_squeeze %dma_wait3A_298 : memref<1x1x1x128xi32, #tpu.memory_space<vmem>> -> memref<128xi32, #tpu.memory_space<vmem>>
      %dma_wait3A_300 = arith.constant 0 : i32
      %dma_wait3A_301 = arith.constant 0 : i32
      %dma_wait3A_302 = tpu.memref_slice %arg2[%dma_wait3A_300, %dma_wait3A_301] : memref<10000x128xf32, #tpu.memory_space<hbm>> -> memref<10000x128xf32, #tpu.memory_space<hbm>>
      tpu.wait_indirect_dma semaphore(%arg9 : memref<!tpu.dma_semaphore, #tpu.memory_space<semaphore_mem>>) src(%dma_wait3A_302 : memref<10000x128xf32, #tpu.memory_space<hbm>>) dst(%arg6 : memref<128x128xf32, #tpu.memory_space<vmem>>)
      %run_scoped3A_303 = arith.constant 0 : i32
      %run_scoped3A_304 = arith.constant 1 : i32
      "tpu.region"() ({
        %run_scoped3A_329 = tpu.sem_alloc : memref<!tpu.dma_semaphore, #tpu.memory_space<semaphore_mem>>
        %dma_start3A_330 = arith.constant 0 : i32
        %dma_start3A_331 = tpu.memref_slice %arg5[%run_scoped3A_303, %mul3A_284, %run_scoped3A_304, %dma_start3A_330] : memref<2x26x2x128xi32, #tpu.memory_space<vmem>> -> memref<1x1x1x128xi32, #tpu.memory_space<vmem>>
        %dma_start3A_332 = tpu.memref_squeeze %dma_start3A_331 : memref<1x1x1x128xi32, #tpu.memory_space<vmem>> -> memref<128xi32, #tpu.memory_space<vmem>>
        %dma_start3A_333 = arith.constant 0 : i32
        %dma_start3A_334 = arith.constant 0 : i32
        %dma_start3A_335 = tpu.memref_slice %arg8[%dma_start3A_333, %dma_start3A_334] : memref<10112x128xf32, #tpu.memory_space<vmem_shared>> -> memref<10112x128xf32, #tpu.memory_space<vmem_shared>>
        tpu.enqueue_indirect_dma source(%arg6 : memref<128x128xf32, #tpu.memory_space<vmem>>) target(%dma_start3A_335 : memref<10112x128xf32, #tpu.memory_space<vmem_shared>>) offsets(%dma_start3A_332 : memref<128xi32, #tpu.memory_space<vmem>>) semaphore(%run_scoped3A_329 : memref<!tpu.dma_semaphore, #tpu.memory_space<semaphore_mem>>) {add = true}
        %dma_wait3A_336 = arith.constant 0 : i32
        %dma_wait3A_337 = tpu.memref_slice %arg5[%run_scoped3A_303, %mul3A_284, %run_scoped3A_304, %dma_wait3A_336] : memref<2x26x2x128xi32, #tpu.memory_space<vmem>> -> memref<1x1x1x128xi32, #tpu.memory_space<vmem>>
        %dma_wait3A_338 = tpu.memref_squeeze %dma_wait3A_337 : memref<1x1x1x128xi32, #tpu.memory_space<vmem>> -> memref<128xi32, #tpu.memory_space<vmem>>
        %dma_wait3A_339 = arith.constant 0 : i32
        %dma_wait3A_340 = arith.constant 0 : i32
        %dma_wait3A_341 = tpu.memref_slice %arg8[%dma_wait3A_339, %dma_wait3A_340] : memref<10112x128xf32, #tpu.memory_space<vmem_shared>> -> memref<10112x128xf32, #tpu.memory_space<vmem_shared>>
        tpu.wait_indirect_dma semaphore(%run_scoped3A_329 : memref<!tpu.dma_semaphore, #tpu.memory_space<semaphore_mem>>) src(%arg6 : memref<128x128xf32, #tpu.memory_space<vmem>>) dst(%dma_wait3A_341 : memref<10112x128xf32, #tpu.memory_space<vmem_shared>>)
        tpu.yield
      }) : () -> ()
      %add3A_305 = arith.constant 2 : i32
      %add3A_306 = arith.addi %mul3A_284, %add3A_305 : i32
      %dma_start3A_307 = arith.constant 0 : i32
      %dma_start3A_308 = arith.constant 0 : i32
      %dma_start3A_309 = arith.constant 0 : i32
      %dma_start3A_310 = tpu.memref_slice %arg5[%dma_start3A_307, %add3A_306, %dma_start3A_308, %dma_start3A_309] : memref<2x26x2x128xi32, #tpu.memory_space<vmem>> -> memref<1x1x1x128xi32, #tpu.memory_space<vmem>>
      %dma_start3A_311 = tpu.memref_squeeze %dma_start3A_310 : memref<1x1x1x128xi32, #tpu.memory_space<vmem>> -> memref<128xi32, #tpu.memory_space<vmem>>
      %dma_start3A_312 = arith.constant 0 : i32
      %dma_start3A_313 = arith.constant 0 : i32
      %dma_start3A_314 = tpu.memref_slice %arg2[%dma_start3A_312, %dma_start3A_313] : memref<10000x128xf32, #tpu.memory_space<hbm>> -> memref<10000x128xf32, #tpu.memory_space<hbm>>
      tpu.enqueue_indirect_dma source(%dma_start3A_314 : memref<10000x128xf32, #tpu.memory_space<hbm>>) target(%arg6 : memref<128x128xf32, #tpu.memory_space<vmem>>) offsets(%dma_start3A_311 : memref<128xi32, #tpu.memory_space<vmem>>) semaphore(%arg9 : memref<!tpu.dma_semaphore, #tpu.memory_space<semaphore_mem>>)
      %add3A_315 = arith.constant 1 : i32
      %add3A_316 = arith.addi %mul3A_284, %add3A_315 : i32
      %dma_wait3A_317 = arith.constant 0 : i32
      %dma_wait3A_318 = arith.constant 0 : i32
      %dma_wait3A_319 = arith.constant 0 : i32
      %dma_wait3A_320 = tpu.memref_slice %arg5[%dma_wait3A_317, %add3A_316, %dma_wait3A_318, %dma_wait3A_319] : memref<2x26x2x128xi32, #tpu.memory_space<vmem>> -> memref<1x1x1x128xi32, #tpu.memory_space<vmem>>
      %dma_wait3A_321 = tpu.memref_squeeze %dma_wait3A_320 : memref<1x1x1x128xi32, #tpu.memory_space<vmem>> -> memref<128xi32, #tpu.memory_space<vmem>>
      %dma_wait3A_322 = arith.constant 0 : i32
      %dma_wait3A_323 = arith.constant 0 : i32
      %dma_wait3A_324 = tpu.memref_slice %arg2[%dma_wait3A_322, %dma_wait3A_323] : memref<10000x128xf32, #tpu.memory_space<hbm>> -> memref<10000x128xf32, #tpu.memory_space<hbm>>
      tpu.wait_indirect_dma semaphore(%arg10 : memref<!tpu.dma_semaphore, #tpu.memory_space<semaphore_mem>>) src(%dma_wait3A_324 : memref<10000x128xf32, #tpu.memory_space<hbm>>) dst(%arg7 : memref<128x128xf32, #tpu.memory_space<vmem>>)
      %add3A_325 = arith.constant 1 : i32
      %add3A_326 = arith.addi %mul3A_284, %add3A_325 : i32
      %run_scoped3A_327 = arith.constant 0 : i32
      %run_scoped3A_328 = arith.constant 1 : i32
      "tpu.region"() ({
        %run_scoped3A_329 = tpu.sem_alloc : memref<!tpu.dma_semaphore, #tpu.memory_space<semaphore_mem>>
        %dma_start3A_330 = arith.constant 0 : i32
        %dma_start3A_331 = tpu.memref_slice %arg5[%run_scoped3A_327, %add3A_326, %run_scoped3A_328, %dma_start3A_330] : memref<2x26x2x128xi32, #tpu.memory_space<vmem>> -> memref<1x1x1x128xi32, #tpu.memory_space<vmem>>
        %dma_start3A_332 = tpu.memref_squeeze %dma_start3A_331 : memref<1x1x1x128xi32, #tpu.memory_space<vmem>> -> memref<128xi32, #tpu.memory_space<vmem>>
        %dma_start3A_333 = arith.constant 0 : i32
        %dma_start3A_334 = arith.constant 0 : i32
        %dma_start3A_335 = tpu.memref_slice %arg8[%dma_start3A_333, %dma_start3A_334] : memref<10112x128xf32, #tpu.memory_space<vmem_shared>> -> memref<10112x128xf32, #tpu.memory_space<vmem_shared>>
        tpu.enqueue_indirect_dma source(%arg7 : memref<128x128xf32, #tpu.memory_space<vmem>>) target(%dma_start3A_335 : memref<10112x128xf32, #tpu.memory_space<vmem_shared>>) offsets(%dma_start3A_332 : memref<128xi32, #tpu.memory_space<vmem>>) semaphore(%run_scoped3A_329 : memref<!tpu.dma_semaphore, #tpu.memory_space<semaphore_mem>>) {add = true}
        %dma_wait3A_336 = arith.constant 0 : i32
        %dma_wait3A_337 = tpu.memref_slice %arg5[%run_scoped3A_327, %add3A_326, %run_scoped3A_328, %dma_wait3A_336] : memref<2x26x2x128xi32, #tpu.memory_space<vmem>> -> memref<1x1x1x128xi32, #tpu.memory_space<vmem>>
        %dma_wait3A_338 = tpu.memref_squeeze %dma_wait3A_337 : memref<1x1x1x128xi32, #tpu.memory_space<vmem>> -> memref<128xi32, #tpu.memory_space<vmem>>
        %dma_wait3A_339 = arith.constant 0 : i32
        %dma_wait3A_340 = arith.constant 0 : i32
        %dma_wait3A_341 = tpu.memref_slice %arg8[%dma_wait3A_339, %dma_wait3A_340] : memref<10112x128xf32, #tpu.memory_space<vmem_shared>> -> memref<10112x128xf32, #tpu.memory_space<vmem_shared>>
        tpu.wait_indirect_dma semaphore(%run_scoped3A_329 : memref<!tpu.dma_semaphore, #tpu.memory_space<semaphore_mem>>) src(%arg7 : memref<128x128xf32, #tpu.memory_space<vmem>>) dst(%dma_wait3A_341 : memref<10112x128xf32, #tpu.memory_space<vmem_shared>>)
        tpu.yield
      }) : () -> ()
    }
    %scan3A_245 = arith.constant 12 : i32
    %dma_start3A_246 = arith.constant 0 : i32
    %dma_start3A_247 = arith.constant 25 : i32
    %dma_start3A_248 = arith.constant 0 : i32
    %dma_start3A_249 = arith.constant 0 : i32
    %dma_start3A_250 = tpu.memref_slice %arg5[%dma_start3A_246, %dma_start3A_247, %dma_start3A_248, %dma_start3A_249] : memref<2x26x2x128xi32, #tpu.memory_space<vmem>> -> memref<1x1x1x128xi32, #tpu.memory_space<vmem>>
    %dma_start3A_251 = tpu.memref_squeeze %dma_start3A_250 : memref<1x1x1x128xi32, #tpu.memory_space<vmem>> -> memref<128xi32, #tpu.memory_space<vmem>>
    %dma_start3A_252 = arith.constant 0 : i32
    %dma_start3A_253 = arith.constant 0 : i32
    %dma_start3A_254 = tpu.memref_slice %arg2[%dma_start3A_252, %dma_start3A_253] : memref<10000x128xf32, #tpu.memory_space<hbm>> -> memref<10000x128xf32, #tpu.memory_space<hbm>>
    tpu.enqueue_indirect_dma source(%dma_start3A_254 : memref<10000x128xf32, #tpu.memory_space<hbm>>) target(%arg7 : memref<128x128xf32, #tpu.memory_space<vmem>>) offsets(%dma_start3A_251 : memref<128xi32, #tpu.memory_space<vmem>>) semaphore(%arg10 : memref<!tpu.dma_semaphore, #tpu.memory_space<semaphore_mem>>)
    %dma_wait3A_255 = arith.constant 0 : i32
    %dma_wait3A_256 = arith.constant 24 : i32
    %dma_wait3A_257 = arith.constant 0 : i32
    %dma_wait3A_258 = arith.constant 0 : i32
    %dma_wait3A_259 = tpu.memref_slice %arg5[%dma_wait3A_255, %dma_wait3A_256, %dma_wait3A_257, %dma_wait3A_258] : memref<2x26x2x128xi32, #tpu.memory_space<vmem>> -> memref<1x1x1x128xi32, #tpu.memory_space<vmem>>
    %dma_wait3A_260 = tpu.memref_squeeze %dma_wait3A_259 : memref<1x1x1x128xi32, #tpu.memory_space<vmem>> -> memref<128xi32, #tpu.memory_space<vmem>>
    %dma_wait3A_261 = arith.constant 0 : i32
    %dma_wait3A_262 = arith.constant 0 : i32
    %dma_wait3A_263 = tpu.memref_slice %arg2[%dma_wait3A_261, %dma_wait3A_262] : memref<10000x128xf32, #tpu.memory_space<hbm>> -> memref<10000x128xf32, #tpu.memory_space<hbm>>
    tpu.wait_indirect_dma semaphore(%arg9 : memref<!tpu.dma_semaphore, #tpu.memory_space<semaphore_mem>>) src(%dma_wait3A_263 : memref<10000x128xf32, #tpu.memory_space<hbm>>) dst(%arg6 : memref<128x128xf32, #tpu.memory_space<vmem>>)
    %run_scoped3A_264 = arith.constant 0 : i32
    %run_scoped3A_265 = arith.constant 24 : i32
    %run_scoped3A_266 = arith.constant 1 : i32
    "tpu.region"() ({
      %run_scoped3A_282 = tpu.sem_alloc : memref<!tpu.dma_semaphore, #tpu.memory_space<semaphore_mem>>
      %dma_start3A_283 = arith.constant 0 : i32
      %dma_start3A_284 = tpu.memref_slice %arg5[%run_scoped3A_264, %run_scoped3A_265, %run_scoped3A_266, %dma_start3A_283] : memref<2x26x2x128xi32, #tpu.memory_space<vmem>> -> memref<1x1x1x128xi32, #tpu.memory_space<vmem>>
      %dma_start3A_285 = tpu.memref_squeeze %dma_start3A_284 : memref<1x1x1x128xi32, #tpu.memory_space<vmem>> -> memref<128xi32, #tpu.memory_space<vmem>>
      %dma_start3A_286 = arith.constant 0 : i32
      %dma_start3A_287 = arith.constant 0 : i32
      %dma_start3A_288 = tpu.memref_slice %arg8[%dma_start3A_286, %dma_start3A_287] : memref<10112x128xf32, #tpu.memory_space<vmem_shared>> -> memref<10112x128xf32, #tpu.memory_space<vmem_shared>>
      tpu.enqueue_indirect_dma source(%arg6 : memref<128x128xf32, #tpu.memory_space<vmem>>) target(%dma_start3A_288 : memref<10112x128xf32, #tpu.memory_space<vmem_shared>>) offsets(%dma_start3A_285 : memref<128xi32, #tpu.memory_space<vmem>>) semaphore(%run_scoped3A_282 : memref<!tpu.dma_semaphore, #tpu.memory_space<semaphore_mem>>) {add = true}
      %dma_wait3A_289 = arith.constant 0 : i32
      %dma_wait3A_290 = tpu.memref_slice %arg5[%run_scoped3A_264, %run_scoped3A_265, %run_scoped3A_266, %dma_wait3A_289] : memref<2x26x2x128xi32, #tpu.memory_space<vmem>> -> memref<1x1x1x128xi32, #tpu.memory_space<vmem>>
      %dma_wait3A_291 = tpu.memref_squeeze %dma_wait3A_290 : memref<1x1x1x128xi32, #tpu.memory_space<vmem>> -> memref<128xi32, #tpu.memory_space<vmem>>
      %dma_wait3A_292 = arith.constant 0 : i32
      %dma_wait3A_293 = arith.constant 0 : i32
      %dma_wait3A_294 = tpu.memref_slice %arg8[%dma_wait3A_292, %dma_wait3A_293] : memref<10112x128xf32, #tpu.memory_space<vmem_shared>> -> memref<10112x128xf32, #tpu.memory_space<vmem_shared>>
      tpu.wait_indirect_dma semaphore(%run_scoped3A_282 : memref<!tpu.dma_semaphore, #tpu.memory_space<semaphore_mem>>) src(%arg6 : memref<128x128xf32, #tpu.memory_space<vmem>>) dst(%dma_wait3A_294 : memref<10112x128xf32, #tpu.memory_space<vmem_shared>>)
      tpu.yield
    }) : () -> ()
    %dma_wait3A_267 = arith.constant 0 : i32
    %dma_wait3A_268 = arith.constant 25 : i32
    %dma_wait3A_269 = arith.constant 0 : i32
    %dma_wait3A_270 = arith.constant 0 : i32
    %dma_wait3A_271 = tpu.memref_slice %arg5[%dma_wait3A_267, %dma_wait3A_268, %dma_wait3A_269, %dma_wait3A_270] : memref<2x26x2x128xi32, #tpu.memory_space<vmem>> -> memref<1x1x1x128xi32, #tpu.memory_space<vmem>>
    %dma_wait3A_272 = tpu.memref_squeeze %dma_wait3A_271 : memref<1x1x1x128xi32, #tpu.memory_space<vmem>> -> memref<128xi32, #tpu.memory_space<vmem>>
    %dma_wait3A_273 = arith.constant 0 : i32
    %dma_wait3A_274 = arith.constant 0 : i32
    %dma_wait3A_275 = tpu.memref_slice %arg2[%dma_wait3A_273, %dma_wait3A_274] : memref<10000x128xf32, #tpu.memory_space<hbm>> -> memref<10000x128xf32, #tpu.memory_space<hbm>>
    tpu.wait_indirect_dma semaphore(%arg10 : memref<!tpu.dma_semaphore, #tpu.memory_space<semaphore_mem>>) src(%dma_wait3A_275 : memref<10000x128xf32, #tpu.memory_space<hbm>>) dst(%arg7 : memref<128x128xf32, #tpu.memory_space<vmem>>)
    %run_scoped3A_276 = arith.constant 0 : i32
    %run_scoped3A_277 = arith.constant 25 : i32
    %run_scoped3A_278 = arith.constant 1 : i32
    "tpu.region"() ({
      %run_scoped3A_282 = tpu.sem_alloc : memref<!tpu.dma_semaphore, #tpu.memory_space<semaphore_mem>>
      %dma_start3A_283 = arith.constant 0 : i32
      %dma_start3A_284 = tpu.memref_slice %arg5[%run_scoped3A_276, %run_scoped3A_277, %run_scoped3A_278, %dma_start3A_283] : memref<2x26x2x128xi32, #tpu.memory_space<vmem>> -> memref<1x1x1x128xi32, #tpu.memory_space<vmem>>
      %dma_start3A_285 = tpu.memref_squeeze %dma_start3A_284 : memref<1x1x1x128xi32, #tpu.memory_space<vmem>> -> memref<128xi32, #tpu.memory_space<vmem>>
      %dma_start3A_286 = arith.constant 0 : i32
      %dma_start3A_287 = arith.constant 0 : i32
      %dma_start3A_288 = tpu.memref_slice %arg8[%dma_start3A_286, %dma_start3A_287] : memref<10112x128xf32, #tpu.memory_space<vmem_shared>> -> memref<10112x128xf32, #tpu.memory_space<vmem_shared>>
      tpu.enqueue_indirect_dma source(%arg7 : memref<128x128xf32, #tpu.memory_space<vmem>>) target(%dma_start3A_288 : memref<10112x128xf32, #tpu.memory_space<vmem_shared>>) offsets(%dma_start3A_285 : memref<128xi32, #tpu.memory_space<vmem>>) semaphore(%run_scoped3A_282 : memref<!tpu.dma_semaphore, #tpu.memory_space<semaphore_mem>>) {add = true}
      %dma_wait3A_289 = arith.constant 0 : i32
      %dma_wait3A_290 = tpu.memref_slice %arg5[%run_scoped3A_276, %run_scoped3A_277, %run_scoped3A_278, %dma_wait3A_289] : memref<2x26x2x128xi32, #tpu.memory_space<vmem>> -> memref<1x1x1x128xi32, #tpu.memory_space<vmem>>
      %dma_wait3A_291 = tpu.memref_squeeze %dma_wait3A_290 : memref<1x1x1x128xi32, #tpu.memory_space<vmem>> -> memref<128xi32, #tpu.memory_space<vmem>>
      %dma_wait3A_292 = arith.constant 0 : i32
      %dma_wait3A_293 = arith.constant 0 : i32
      %dma_wait3A_294 = tpu.memref_slice %arg8[%dma_wait3A_292, %dma_wait3A_293] : memref<10112x128xf32, #tpu.memory_space<vmem_shared>> -> memref<10112x128xf32, #tpu.memory_space<vmem_shared>>
      tpu.wait_indirect_dma semaphore(%run_scoped3A_282 : memref<!tpu.dma_semaphore, #tpu.memory_space<semaphore_mem>>) src(%arg7 : memref<128x128xf32, #tpu.memory_space<vmem>>) dst(%dma_wait3A_294 : memref<10112x128xf32, #tpu.memory_space<vmem_shared>>)
      tpu.yield
    }) : () -> ()
    %lt3A = arith.constant 4 : i32
    %lt3A_279 = arith.cmpi slt, %add3A, %lt3A : i32
    %convert_element_type3A = arith.extui %lt3A_279 : i1 to i32
    %cond3A = arith.constant 0 : i32
    %cond3A_280 = arith.cmpi ne, %convert_element_type3A, %cond3A : i32
    scf.if %cond3A_280 {
      %add3A_282 = arith.constant 78 : i32
      %add3A_283 = arith.addi %add3A_6, %add3A_282 : i32
      %run_scoped3A_284 = arith.constant 0 : i32
      "tpu.region"() ({
        %run_scoped3A_306 = tpu.sem_alloc : memref<!tpu.dma_semaphore, #tpu.memory_space<semaphore_mem>>
        %dma_start3A_307 = arith.constant 0 : i32
        %dma_start3A_308 = arith.constant 0 : i32
        %dma_start3A_309 = arith.constant 0 : i32
        %dma_start3A_310 = tpu.memref_slice %arg5[%run_scoped3A_284, %dma_start3A_307, %dma_start3A_308, %dma_start3A_309] : memref<2x26x2x128xi32, #tpu.memory_space<vmem>> -> memref<1x1x2x128xi32, #tpu.memory_space<vmem>>
        %dma_start3A_311 = tpu.memref_squeeze %dma_start3A_310 : memref<1x1x2x128xi32, #tpu.memory_space<vmem>> -> memref<1x2x128xi32, #tpu.memory_space<vmem>>
        %dma_start3A_312 = arith.constant 0 : i32
        %dma_start3A_313 = arith.constant 0 : i32
        %dma_start3A_314 = tpu.memref_slice %arg3[%add3A_283, %dma_start3A_312, %dma_start3A_313] : memref<2500x2x128xi32, #tpu.memory_space<hbm>> -> memref<1x2x128xi32, #tpu.memory_space<hbm>>
        %dma_start3A_315 = arith.constant 0 : i32
        %dma_start3A_316 = arith.constant 0 : i32
        %dma_start3A_317 = arith.constant 0 : i32
        %dma_start3A_318 = tpu.memref_slice %arg5[%run_scoped3A_284, %dma_start3A_315, %dma_start3A_316, %dma_start3A_317] : memref<2x26x2x128xi32, #tpu.memory_space<vmem>> -> memref<1x1x2x128xi32, #tpu.memory_space<vmem>>
        %dma_start3A_319 = tpu.memref_squeeze %dma_start3A_318 : memref<1x1x2x128xi32, #tpu.memory_space<vmem>> -> memref<1x2x128xi32, #tpu.memory_space<vmem>>
        %dma_start3A_320 = arith.constant 0 : i32
        %dma_start3A_321 = arith.constant 0 : i32
        %dma_start3A_322 = tpu.memref_slice %arg3[%add3A_283, %dma_start3A_320, %dma_start3A_321] : memref<2500x2x128xi32, #tpu.memory_space<hbm>> -> memref<1x2x128xi32, #tpu.memory_space<hbm>>
        tpu.enqueue_dma source(%dma_start3A_322 : memref<1x2x128xi32, #tpu.memory_space<hbm>>) target(%dma_start3A_319 : memref<1x2x128xi32, #tpu.memory_space<vmem>>) target_semaphore(%run_scoped3A_306 : memref<!tpu.dma_semaphore, #tpu.memory_space<semaphore_mem>>)
        %dma_wait3A_323 = arith.constant 0 : i32
        %dma_wait3A_324 = arith.constant 0 : i32
        %dma_wait3A_325 = arith.constant 0 : i32
        %dma_wait3A_326 = tpu.memref_slice %arg5[%run_scoped3A_284, %dma_wait3A_323, %dma_wait3A_324, %dma_wait3A_325] : memref<2x26x2x128xi32, #tpu.memory_space<vmem>> -> memref<1x1x2x128xi32, #tpu.memory_space<vmem>>
        %dma_wait3A_327 = tpu.memref_squeeze %dma_wait3A_326 : memref<1x1x2x128xi32, #tpu.memory_space<vmem>> -> memref<1x2x128xi32, #tpu.memory_space<vmem>>
        %dma_wait3A_328 = arith.constant 0 : i32
        %dma_wait3A_329 = arith.constant 0 : i32
        %dma_wait3A_330 = tpu.memref_slice %arg3[%add3A_283, %dma_wait3A_328, %dma_wait3A_329] : memref<2500x2x128xi32, #tpu.memory_space<hbm>> -> memref<1x2x128xi32, #tpu.memory_space<hbm>>
        %dma_wait3A_331 = arith.constant 0 : i32
        %dma_wait3A_332 = arith.constant 0 : i32
        %dma_wait3A_333 = arith.constant 0 : i32
        %dma_wait3A_334 = tpu.memref_slice %arg5[%run_scoped3A_284, %dma_wait3A_331, %dma_wait3A_332, %dma_wait3A_333] : memref<2x26x2x128xi32, #tpu.memory_space<vmem>> -> memref<1x1x2x128xi32, #tpu.memory_space<vmem>>
        %dma_wait3A_335 = tpu.memref_squeeze %dma_wait3A_334 : memref<1x1x2x128xi32, #tpu.memory_space<vmem>> -> memref<1x2x128xi32, #tpu.memory_space<vmem>>
        %dma_wait3A_336 = arith.constant 0 : i32
        %dma_wait3A_337 = arith.constant 0 : i32
        %dma_wait3A_338 = tpu.memref_slice %arg3[%add3A_283, %dma_wait3A_336, %dma_wait3A_337] : memref<2500x2x128xi32, #tpu.memory_space<hbm>> -> memref<1x2x128xi32, #tpu.memory_space<hbm>>
        tpu.wait_dma2 semaphore(%run_scoped3A_306 : memref<!tpu.dma_semaphore, #tpu.memory_space<semaphore_mem>>) src(%dma_wait3A_338 : memref<1x2x128xi32, #tpu.memory_space<hbm>>) dst(%dma_wait3A_335 : memref<1x2x128xi32, #tpu.memory_space<vmem>>)
        tpu.yield
      }) : () -> ()
      %dma_start3A_285 = arith.constant 0 : i32
      %dma_start3A_286 = arith.constant 0 : i32
      %dma_start3A_287 = arith.constant 0 : i32
      %dma_start3A_288 = arith.constant 0 : i32
      %dma_start3A_289 = tpu.memref_slice %arg5[%dma_start3A_285, %dma_start3A_286, %dma_start3A_287, %dma_start3A_288] : memref<2x26x2x128xi32, #tpu.memory_space<vmem>> -> memref<1x1x1x128xi32, #tpu.memory_space<vmem>>
      %dma_start3A_290 = tpu.memref_squeeze %dma_start3A_289 : memref<1x1x1x128xi32, #tpu.memory_space<vmem>> -> memref<128xi32, #tpu.memory_space<vmem>>
      %dma_start3A_291 = arith.constant 0 : i32
      %dma_start3A_292 = arith.constant 0 : i32
      %dma_start3A_293 = tpu.memref_slice %arg2[%dma_start3A_291, %dma_start3A_292] : memref<10000x128xf32, #tpu.memory_space<hbm>> -> memref<10000x128xf32, #tpu.memory_space<hbm>>
      tpu.enqueue_indirect_dma source(%dma_start3A_293 : memref<10000x128xf32, #tpu.memory_space<hbm>>) target(%arg6 : memref<128x128xf32, #tpu.memory_space<vmem>>) offsets(%dma_start3A_290 : memref<128xi32, #tpu.memory_space<vmem>>) semaphore(%arg9 : memref<!tpu.dma_semaphore, #tpu.memory_space<semaphore_mem>>)
      %dma_wait3A_294 = arith.constant 0 : i32
      %dma_wait3A_295 = arith.constant 0 : i32
      %dma_wait3A_296 = arith.constant 0 : i32
      %dma_wait3A_297 = arith.constant 0 : i32
      %dma_wait3A_298 = tpu.memref_slice %arg5[%dma_wait3A_294, %dma_wait3A_295, %dma_wait3A_296, %dma_wait3A_297] : memref<2x26x2x128xi32, #tpu.memory_space<vmem>> -> memref<1x1x1x128xi32, #tpu.memory_space<vmem>>
      %dma_wait3A_299 = tpu.memref_squeeze %dma_wait3A_298 : memref<1x1x1x128xi32, #tpu.memory_space<vmem>> -> memref<128xi32, #tpu.memory_space<vmem>>
      %dma_wait3A_300 = arith.constant 0 : i32
      %dma_wait3A_301 = arith.constant 0 : i32
      %dma_wait3A_302 = tpu.memref_slice %arg2[%dma_wait3A_300, %dma_wait3A_301] : memref<10000x128xf32, #tpu.memory_space<hbm>> -> memref<10000x128xf32, #tpu.memory_space<hbm>>
      tpu.wait_indirect_dma semaphore(%arg9 : memref<!tpu.dma_semaphore, #tpu.memory_space<semaphore_mem>>) src(%dma_wait3A_302 : memref<10000x128xf32, #tpu.memory_space<hbm>>) dst(%arg6 : memref<128x128xf32, #tpu.memory_space<vmem>>)
      %run_scoped3A_303 = arith.constant 0 : i32
      %run_scoped3A_304 = arith.constant 0 : i32
      %run_scoped3A_305 = arith.constant 1 : i32
      "tpu.region"() ({
        %run_scoped3A_306 = tpu.sem_alloc : memref<!tpu.dma_semaphore, #tpu.memory_space<semaphore_mem>>
        %dma_start3A_307 = arith.constant 0 : i32
        %dma_start3A_308 = tpu.memref_slice %arg5[%run_scoped3A_303, %run_scoped3A_304, %run_scoped3A_305, %dma_start3A_307] : memref<2x26x2x128xi32, #tpu.memory_space<vmem>> -> memref<1x1x1x128xi32, #tpu.memory_space<vmem>>
        %dma_start3A_309 = tpu.memref_squeeze %dma_start3A_308 : memref<1x1x1x128xi32, #tpu.memory_space<vmem>> -> memref<128xi32, #tpu.memory_space<vmem>>
        %dma_start3A_310 = arith.constant 0 : i32
        %dma_start3A_311 = arith.constant 0 : i32
        %dma_start3A_312 = tpu.memref_slice %arg8[%dma_start3A_310, %dma_start3A_311] : memref<10112x128xf32, #tpu.memory_space<vmem_shared>> -> memref<10112x128xf32, #tpu.memory_space<vmem_shared>>
        tpu.enqueue_indirect_dma source(%arg6 : memref<128x128xf32, #tpu.memory_space<vmem>>) target(%dma_start3A_312 : memref<10112x128xf32, #tpu.memory_space<vmem_shared>>) offsets(%dma_start3A_309 : memref<128xi32, #tpu.memory_space<vmem>>) semaphore(%run_scoped3A_306 : memref<!tpu.dma_semaphore, #tpu.memory_space<semaphore_mem>>) {add = true}
        %dma_wait3A_313 = arith.constant 0 : i32
        %dma_wait3A_314 = tpu.memref_slice %arg5[%run_scoped3A_303, %run_scoped3A_304, %run_scoped3A_305, %dma_wait3A_313] : memref<2x26x2x128xi32, #tpu.memory_space<vmem>> -> memref<1x1x1x128xi32, #tpu.memory_space<vmem>>
        %dma_wait3A_315 = tpu.memref_squeeze %dma_wait3A_314 : memref<1x1x1x128xi32, #tpu.memory_space<vmem>> -> memref<128xi32, #tpu.memory_space<vmem>>
        %dma_wait3A_316 = arith.constant 0 : i32
        %dma_wait3A_317 = arith.constant 0 : i32
        %dma_wait3A_318 = tpu.memref_slice %arg8[%dma_wait3A_316, %dma_wait3A_317] : memref<10112x128xf32, #tpu.memory_space<vmem_shared>> -> memref<10112x128xf32, #tpu.memory_space<vmem_shared>>
        tpu.wait_indirect_dma semaphore(%run_scoped3A_306 : memref<!tpu.dma_semaphore, #tpu.memory_space<semaphore_mem>>) src(%arg6 : memref<128x128xf32, #tpu.memory_space<vmem>>) dst(%dma_wait3A_318 : memref<10112x128xf32, #tpu.memory_space<vmem_shared>>)
        tpu.yield
      }) : () -> ()
    } else {
    }
    %barrier3A_281 = arith.constant 0 : index
    tpu.barrier barrier_id(%barrier3A_281)
    "tpu.region"() ({
      %run_scoped3A_282 = tpu.sem_alloc : memref<!tpu.dma_semaphore, #tpu.memory_space<semaphore_mem>>
      %dma_start3A_283 = arith.constant 0 : i32
      %dma_start3A_284 = tpu.memref_slice %arg4[%arg0, %mul3A_0, %dma_start3A_283] : memref<2x10112x128xf32, #tpu.memory_space<hbm>> -> memref<1x632x128xf32, #tpu.memory_space<hbm>>
      %dma_start3A_285 = tpu.memref_squeeze %dma_start3A_284 : memref<1x632x128xf32, #tpu.memory_space<hbm>> -> memref<632x128xf32, #tpu.memory_space<hbm>>
      %dma_start3A_286 = arith.constant 0 : i32
      %dma_start3A_287 = tpu.memref_slice %arg8[%mul3A_0, %dma_start3A_286] : memref<10112x128xf32, #tpu.memory_space<vmem_shared>> -> memref<632x128xf32, #tpu.memory_space<vmem_shared>>
      tpu.enqueue_dma source(%dma_start3A_287 : memref<632x128xf32, #tpu.memory_space<vmem_shared>>) target(%dma_start3A_285 : memref<632x128xf32, #tpu.memory_space<hbm>>) target_semaphore(%run_scoped3A_282 : memref<!tpu.dma_semaphore, #tpu.memory_space<semaphore_mem>>)
      %dma_wait3A_288 = arith.constant 0 : i32
      %dma_wait3A_289 = tpu.memref_slice %arg4[%arg0, %mul3A_0, %dma_wait3A_288] : memref<2x10112x128xf32, #tpu.memory_space<hbm>> -> memref<1x632x128xf32, #tpu.memory_space<hbm>>
      %dma_wait3A_290 = tpu.memref_squeeze %dma_wait3A_289 : memref<1x632x128xf32, #tpu.memory_space<hbm>> -> memref<632x128xf32, #tpu.memory_space<hbm>>
      %dma_wait3A_291 = arith.constant 0 : i32
      %dma_wait3A_292 = tpu.memref_slice %arg8[%mul3A_0, %dma_wait3A_291] : memref<10112x128xf32, #tpu.memory_space<vmem_shared>> -> memref<632x128xf32, #tpu.memory_space<vmem_shared>>
      tpu.wait_dma2 semaphore(%run_scoped3A_282 : memref<!tpu.dma_semaphore, #tpu.memory_space<semaphore_mem>>) src(%dma_wait3A_292 : memref<632x128xf32, #tpu.memory_space<vmem_shared>>) dst(%dma_wait3A_290 : memref<632x128xf32, #tpu.memory_space<hbm>>)
      tpu.yield
    }) : () -> ()
    return
  }
}

#map = affine_map<(d0, d1) -> (0, 0)>
#map1 = affine_map<(d0, d1) -> (0, 0, 0)>
module attributes {stable_mosaic.version = 14 : i64} {
  func.func @sc_edge_messages(%arg0: i32, %arg1: i32, %arg2: memref<10000x128xf32, #tpu.memory_space<hbm>>, %arg3: memref<2500x2x128xi32, #tpu.memory_space<hbm>>, %arg4: memref<2x10112x128xf32, #tpu.memory_space<hbm>>, %arg5: memref<2x26x2x128xi32, #tpu.memory_space<vmem>>, %arg6: memref<128x128xf32, #tpu.memory_space<vmem>>, %arg7: memref<128x128xf32, #tpu.memory_space<vmem>>, %arg8: memref<10112x128xf32, #tpu.memory_space<vmem_shared>>, %arg9: memref<!tpu.dma_semaphore, #tpu.memory_space<semaphore_mem>>, %arg10: memref<!tpu.dma_semaphore, #tpu.memory_space<semaphore_mem>>, %arg11: memref<!tpu.dma_semaphore, #tpu.memory_space<semaphore_mem>>) attributes {dimension_semantics = [#tpu.dimension_semantics<core_parallel>, #tpu.dimension_semantics<subcore_parallel>], iteration_bounds = array<i64: 2, 16>, scalar_prefetch = 0 : i64, scratch_operands = 7 : i64, tpu.core_type = #tpu.core_type<sc_vector_subcore>, window_params = [{transform_indices = #map}, {transform_indices = #map1}, {transform_indices = #map1}]} {
    %mul3A = arith.constant 632 : i32
    %mul3A_0 = arith.muli %arg1, %mul3A : i32
    %mul3A_1 = arith.constant 16 : i32
    %mul3A_2 = arith.muli %arg0, %mul3A_1 : i32
    %add3A = arith.addi %mul3A_2, %arg1 : i32
    %mul3A_3 = arith.constant 78 : i32
    %mul3A_4 = arith.muli %mul3A_3, %add3A : i32
    %min3A = arith.constant 4 : i32
    %min3A_5 = arith.minsi %add3A, %min3A : i32
    %add3A_6 = arith.addi %mul3A_4, %min3A_5 : i32
    %add3A_7 = arith.constant 0 : i32
    %add3A_8 = arith.addi %add3A_6, %add3A_7 : i32
    %dma_start3A = arith.constant 0 : i32
    %dma_start3A_9 = arith.constant 0 : i32
    %dma_start3A_10 = arith.constant 0 : i32
    %dma_start3A_11 = arith.constant 0 : i32
    %dma_start3A_12 = tpu.memref_slice %arg5[%dma_start3A, %dma_start3A_9, %dma_start3A_10, %dma_start3A_11] : memref<2x26x2x128xi32, #tpu.memory_space<vmem>> -> memref<1x26x2x128xi32, #tpu.memory_space<vmem>>
    %dma_start3A_13 = tpu.memref_squeeze %dma_start3A_12 : memref<1x26x2x128xi32, #tpu.memory_space<vmem>> -> memref<26x2x128xi32, #tpu.memory_space<vmem>>
    %dma_start3A_14 = arith.constant 0 : i32
    %dma_start3A_15 = arith.constant 0 : i32
    %dma_start3A_16 = tpu.memref_slice %arg3[%add3A_8, %dma_start3A_14, %dma_start3A_15] : memref<2500x2x128xi32, #tpu.memory_space<hbm>> -> memref<26x2x128xi32, #tpu.memory_space<hbm>>
    %dma_start3A_17 = arith.constant 0 : i32
    %dma_start3A_18 = arith.constant 0 : i32
    %dma_start3A_19 = arith.constant 0 : i32
    %dma_start3A_20 = tpu.memref_slice %arg5[%dma_start3A, %dma_start3A_17, %dma_start3A_18, %dma_start3A_19] : memref<2x26x2x128xi32, #tpu.memory_space<vmem>> -> memref<1x26x2x128xi32, #tpu.memory_space<vmem>>
    %dma_start3A_21 = tpu.memref_squeeze %dma_start3A_20 : memref<1x26x2x128xi32, #tpu.memory_space<vmem>> -> memref<26x2x128xi32, #tpu.memory_space<vmem>>
    %dma_start3A_22 = arith.constant 0 : i32
    %dma_start3A_23 = arith.constant 0 : i32
    %dma_start3A_24 = tpu.memref_slice %arg3[%add3A_8, %dma_start3A_22, %dma_start3A_23] : memref<2500x2x128xi32, #tpu.memory_space<hbm>> -> memref<26x2x128xi32, #tpu.memory_space<hbm>>
    tpu.enqueue_dma source(%dma_start3A_24 : memref<26x2x128xi32, #tpu.memory_space<hbm>>) target(%dma_start3A_21 : memref<26x2x128xi32, #tpu.memory_space<vmem>>) target_semaphore(%arg11 : memref<!tpu.dma_semaphore, #tpu.memory_space<semaphore_mem>>)
    %broadcast_in_dim3A = arith.constant 0.000000e+00 : f32
    %broadcast_in_dim3A_25 = vector.broadcast %broadcast_in_dim3A : f32 to vector<16xf32>
    %scan3A = arith.constant 0 : i32
    %scan3A_26 = arith.constant 0 : i32
    %scan3A_27 = arith.constant 128 : i32
    %scan3A_28 = arith.addi %scan3A_26, %scan3A_27 : i32
    %scan3A_29 = arith.constant 1 : i32
    scf.for %scan3A_282 = %scan3A_26 to %scan3A_28 step %scan3A_29  : i32 {
      %swap3A = arith.index_cast %scan3A_282 : i32 to index
      %swap3A_283 = arith.constant 0 : index
      %swap3A_284 = tpu.vector_load %arg6[%swap3A, %swap3A_283] {strides = array<i32>} : memref<128x128xf32, #tpu.memory_space<vmem>>, vector<1x16xf32>,
      %swap3A_285 = vector.shape_cast %swap3A_284 : vector<1x16xf32> to vector<16xf32>
      %swap3A_286 = vector.shape_cast %broadcast_in_dim3A_25 : vector<16xf32> to vector<1x16xf32>
      tpu.vector_store %arg6[%swap3A, %swap3A_283], %swap3A_286 {strides = array<i32>} : memref<128x128xf32, #tpu.memory_space<vmem>>, vector<1x16xf32>,
      %swap3A_287 = arith.index_cast %scan3A_282 : i32 to index
      %swap3A_288 = arith.constant 16 : index
      %swap3A_289 = tpu.vector_load %arg6[%swap3A_287, %swap3A_288] {strides = array<i32>} : memref<128x128xf32, #tpu.memory_space<vmem>>, vector<1x16xf32>,
      %swap3A_290 = vector.shape_cast %swap3A_289 : vector<1x16xf32> to vector<16xf32>
      %swap3A_291 = vector.shape_cast %broadcast_in_dim3A_25 : vector<16xf32> to vector<1x16xf32>
      tpu.vector_store %arg6[%swap3A_287, %swap3A_288], %swap3A_291 {strides = array<i32>} : memref<128x128xf32, #tpu.memory_space<vmem>>, vector<1x16xf32>,
      %swap3A_292 = arith.index_cast %scan3A_282 : i32 to index
      %swap3A_293 = arith.constant 32 : index
      %swap3A_294 = tpu.vector_load %arg6[%swap3A_292, %swap3A_293] {strides = array<i32>} : memref<128x128xf32, #tpu.memory_space<vmem>>, vector<1x16xf32>,
      %swap3A_295 = vector.shape_cast %swap3A_294 : vector<1x16xf32> to vector<16xf32>
      %swap3A_296 = vector.shape_cast %broadcast_in_dim3A_25 : vector<16xf32> to vector<1x16xf32>
      tpu.vector_store %arg6[%swap3A_292, %swap3A_293], %swap3A_296 {strides = array<i32>} : memref<128x128xf32, #tpu.memory_space<vmem>>, vector<1x16xf32>,
      %swap3A_297 = arith.index_cast %scan3A_282 : i32 to index
      %swap3A_298 = arith.constant 48 : index
      %swap3A_299 = tpu.vector_load %arg6[%swap3A_297, %swap3A_298] {strides = array<i32>} : memref<128x128xf32, #tpu.memory_space<vmem>>, vector<1x16xf32>,
      %swap3A_300 = vector.shape_cast %swap3A_299 : vector<1x16xf32> to vector<16xf32>
      %swap3A_301 = vector.shape_cast %broadcast_in_dim3A_25 : vector<16xf32> to vector<1x16xf32>
      tpu.vector_store %arg6[%swap3A_297, %swap3A_298], %swap3A_301 {strides = array<i32>} : memref<128x128xf32, #tpu.memory_space<vmem>>, vector<1x16xf32>,
      %swap3A_302 = arith.index_cast %scan3A_282 : i32 to index
      %swap3A_303 = arith.constant 64 : index
      %swap3A_304 = tpu.vector_load %arg6[%swap3A_302, %swap3A_303] {strides = array<i32>} : memref<128x128xf32, #tpu.memory_space<vmem>>, vector<1x16xf32>,
      %swap3A_305 = vector.shape_cast %swap3A_304 : vector<1x16xf32> to vector<16xf32>
      %swap3A_306 = vector.shape_cast %broadcast_in_dim3A_25 : vector<16xf32> to vector<1x16xf32>
      tpu.vector_store %arg6[%swap3A_302, %swap3A_303], %swap3A_306 {strides = array<i32>} : memref<128x128xf32, #tpu.memory_space<vmem>>, vector<1x16xf32>,
      %swap3A_307 = arith.index_cast %scan3A_282 : i32 to index
      %swap3A_308 = arith.constant 80 : index
      %swap3A_309 = tpu.vector_load %arg6[%swap3A_307, %swap3A_308] {strides = array<i32>} : memref<128x128xf32, #tpu.memory_space<vmem>>, vector<1x16xf32>,
      %swap3A_310 = vector.shape_cast %swap3A_309 : vector<1x16xf32> to vector<16xf32>
      %swap3A_311 = vector.shape_cast %broadcast_in_dim3A_25 : vector<16xf32> to vector<1x16xf32>
      tpu.vector_store %arg6[%swap3A_307, %swap3A_308], %swap3A_311 {strides = array<i32>} : memref<128x128xf32, #tpu.memory_space<vmem>>, vector<1x16xf32>,
      %swap3A_312 = arith.index_cast %scan3A_282 : i32 to index
      %swap3A_313 = arith.constant 96 : index
      %swap3A_314 = tpu.vector_load %arg6[%swap3A_312, %swap3A_313] {strides = array<i32>} : memref<128x128xf32, #tpu.memory_space<vmem>>, vector<1x16xf32>,
      %swap3A_315 = vector.shape_cast %swap3A_314 : vector<1x16xf32> to vector<16xf32>
      %swap3A_316 = vector.shape_cast %broadcast_in_dim3A_25 : vector<16xf32> to vector<1x16xf32>
      tpu.vector_store %arg6[%swap3A_312, %swap3A_313], %swap3A_316 {strides = array<i32>} : memref<128x128xf32, #tpu.memory_space<vmem>>, vector<1x16xf32>,
      %swap3A_317 = arith.index_cast %scan3A_282 : i32 to index
      %swap3A_318 = arith.constant 112 : index
      %swap3A_319 = tpu.vector_load %arg6[%swap3A_317, %swap3A_318] {strides = array<i32>} : memref<128x128xf32, #tpu.memory_space<vmem>>, vector<1x16xf32>,
      %swap3A_320 = vector.shape_cast %swap3A_319 : vector<1x16xf32> to vector<16xf32>
      %swap3A_321 = vector.shape_cast %broadcast_in_dim3A_25 : vector<16xf32> to vector<1x16xf32>
      tpu.vector_store %arg6[%swap3A_317, %swap3A_318], %swap3A_321 {strides = array<i32>} : memref<128x128xf32, #tpu.memory_space<vmem>>, vector<1x16xf32>,
    }
    %scan3A_30 = arith.constant 128 : i32
    %add3A_31 = arith.constant 0 : i32
    %add3A_32 = arith.addi %mul3A_0, %add3A_31 : i32
    "tpu.region"() ({
      %run_scoped3A_282 = tpu.sem_alloc : memref<!tpu.dma_semaphore, #tpu.memory_space<semaphore_mem>>
      %dma_start3A_283 = arith.constant 0 : i32
      %dma_start3A_284 = tpu.memref_slice %arg8[%add3A_32, %dma_start3A_283] : memref<10112x128xf32, #tpu.memory_space<vmem_shared>> -> memref<128x128xf32, #tpu.memory_space<vmem_shared>>
      %dma_start3A_285 = arith.constant 0 : i32
      %dma_start3A_286 = tpu.memref_slice %arg8[%add3A_32, %dma_start3A_285] : memref<10112x128xf32, #tpu.memory_space<vmem_shared>> -> memref<128x128xf32, #tpu.memory_space<vmem_shared>>
      tpu.enqueue_dma source(%arg6 : memref<128x128xf32, #tpu.memory_space<vmem>>) target(%dma_start3A_286 : memref<128x128xf32, #tpu.memory_space<vmem_shared>>) target_semaphore(%run_scoped3A_282 : memref<!tpu.dma_semaphore, #tpu.memory_space<semaphore_mem>>)
      %dma_wait3A_287 = arith.constant 0 : i32
      %dma_wait3A_288 = tpu.memref_slice %arg8[%add3A_32, %dma_wait3A_287] : memref<10112x128xf32, #tpu.memory_space<vmem_shared>> -> memref<128x128xf32, #tpu.memory_space<vmem_shared>>
      %dma_wait3A_289 = arith.constant 0 : i32
      %dma_wait3A_290 = tpu.memref_slice %arg8[%add3A_32, %dma_wait3A_289] : memref<10112x128xf32, #tpu.memory_space<vmem_shared>> -> memref<128x128xf32, #tpu.memory_space<vmem_shared>>
      tpu.wait_dma2 semaphore(%run_scoped3A_282 : memref<!tpu.dma_semaphore, #tpu.memory_space<semaphore_mem>>) src(%arg6 : memref<128x128xf32, #tpu.memory_space<vmem>>) dst(%dma_wait3A_290 : memref<128x128xf32, #tpu.memory_space<vmem_shared>>)
      tpu.yield
    }) : () -> ()
    %add3A_33 = arith.constant 128 : i32
    %add3A_34 = arith.addi %mul3A_0, %add3A_33 : i32
    "tpu.region"() ({
      %run_scoped3A_282 = tpu.sem_alloc : memref<!tpu.dma_semaphore, #tpu.memory_space<semaphore_mem>>
      %dma_start3A_283 = arith.constant 0 : i32
      %dma_start3A_284 = tpu.memref_slice %arg8[%add3A_34, %dma_start3A_283] : memref<10112x128xf32, #tpu.memory_space<vmem_shared>> -> memref<128x128xf32, #tpu.memory_space<vmem_shared>>
      %dma_start3A_285 = arith.constant 0 : i32
      %dma_start3A_286 = tpu.memref_slice %arg8[%add3A_34, %dma_start3A_285] : memref<10112x128xf32, #tpu.memory_space<vmem_shared>> -> memref<128x128xf32, #tpu.memory_space<vmem_shared>>
      tpu.enqueue_dma source(%arg6 : memref<128x128xf32, #tpu.memory_space<vmem>>) target(%dma_start3A_286 : memref<128x128xf32, #tpu.memory_space<vmem_shared>>) target_semaphore(%run_scoped3A_282 : memref<!tpu.dma_semaphore, #tpu.memory_space<semaphore_mem>>)
      %dma_wait3A_287 = arith.constant 0 : i32
      %dma_wait3A_288 = tpu.memref_slice %arg8[%add3A_34, %dma_wait3A_287] : memref<10112x128xf32, #tpu.memory_space<vmem_shared>> -> memref<128x128xf32, #tpu.memory_space<vmem_shared>>
      %dma_wait3A_289 = arith.constant 0 : i32
      %dma_wait3A_290 = tpu.memref_slice %arg8[%add3A_34, %dma_wait3A_289] : memref<10112x128xf32, #tpu.memory_space<vmem_shared>> -> memref<128x128xf32, #tpu.memory_space<vmem_shared>>
      tpu.wait_dma2 semaphore(%run_scoped3A_282 : memref<!tpu.dma_semaphore, #tpu.memory_space<semaphore_mem>>) src(%arg6 : memref<128x128xf32, #tpu.memory_space<vmem>>) dst(%dma_wait3A_290 : memref<128x128xf32, #tpu.memory_space<vmem_shared>>)
      tpu.yield
    }) : () -> ()
    %add3A_35 = arith.constant 256 : i32
    %add3A_36 = arith.addi %mul3A_0, %add3A_35 : i32
    "tpu.region"() ({
      %run_scoped3A_282 = tpu.sem_alloc : memref<!tpu.dma_semaphore, #tpu.memory_space<semaphore_mem>>
      %dma_start3A_283 = arith.constant 0 : i32
      %dma_start3A_284 = tpu.memref_slice %arg8[%add3A_36, %dma_start3A_283] : memref<10112x128xf32, #tpu.memory_space<vmem_shared>> -> memref<128x128xf32, #tpu.memory_space<vmem_shared>>
      %dma_start3A_285 = arith.constant 0 : i32
      %dma_start3A_286 = tpu.memref_slice %arg8[%add3A_36, %dma_start3A_285] : memref<10112x128xf32, #tpu.memory_space<vmem_shared>> -> memref<128x128xf32, #tpu.memory_space<vmem_shared>>
      tpu.enqueue_dma source(%arg6 : memref<128x128xf32, #tpu.memory_space<vmem>>) target(%dma_start3A_286 : memref<128x128xf32, #tpu.memory_space<vmem_shared>>) target_semaphore(%run_scoped3A_282 : memref<!tpu.dma_semaphore, #tpu.memory_space<semaphore_mem>>)
      %dma_wait3A_287 = arith.constant 0 : i32
      %dma_wait3A_288 = tpu.memref_slice %arg8[%add3A_36, %dma_wait3A_287] : memref<10112x128xf32, #tpu.memory_space<vmem_shared>> -> memref<128x128xf32, #tpu.memory_space<vmem_shared>>
      %dma_wait3A_289 = arith.constant 0 : i32
      %dma_wait3A_290 = tpu.memref_slice %arg8[%add3A_36, %dma_wait3A_289] : memref<10112x128xf32, #tpu.memory_space<vmem_shared>> -> memref<128x128xf32, #tpu.memory_space<vmem_shared>>
      tpu.wait_dma2 semaphore(%run_scoped3A_282 : memref<!tpu.dma_semaphore, #tpu.memory_space<semaphore_mem>>) src(%arg6 : memref<128x128xf32, #tpu.memory_space<vmem>>) dst(%dma_wait3A_290 : memref<128x128xf32, #tpu.memory_space<vmem_shared>>)
      tpu.yield
    }) : () -> ()
    %add3A_37 = arith.constant 384 : i32
    %add3A_38 = arith.addi %mul3A_0, %add3A_37 : i32
    "tpu.region"() ({
      %run_scoped3A_282 = tpu.sem_alloc : memref<!tpu.dma_semaphore, #tpu.memory_space<semaphore_mem>>
      %dma_start3A_283 = arith.constant 0 : i32
      %dma_start3A_284 = tpu.memref_slice %arg8[%add3A_38, %dma_start3A_283] : memref<10112x128xf32, #tpu.memory_space<vmem_shared>> -> memref<128x128xf32, #tpu.memory_space<vmem_shared>>
      %dma_start3A_285 = arith.constant 0 : i32
      %dma_start3A_286 = tpu.memref_slice %arg8[%add3A_38, %dma_start3A_285] : memref<10112x128xf32, #tpu.memory_space<vmem_shared>> -> memref<128x128xf32, #tpu.memory_space<vmem_shared>>
      tpu.enqueue_dma source(%arg6 : memref<128x128xf32, #tpu.memory_space<vmem>>) target(%dma_start3A_286 : memref<128x128xf32, #tpu.memory_space<vmem_shared>>) target_semaphore(%run_scoped3A_282 : memref<!tpu.dma_semaphore, #tpu.memory_space<semaphore_mem>>)
      %dma_wait3A_287 = arith.constant 0 : i32
      %dma_wait3A_288 = tpu.memref_slice %arg8[%add3A_38, %dma_wait3A_287] : memref<10112x128xf32, #tpu.memory_space<vmem_shared>> -> memref<128x128xf32, #tpu.memory_space<vmem_shared>>
      %dma_wait3A_289 = arith.constant 0 : i32
      %dma_wait3A_290 = tpu.memref_slice %arg8[%add3A_38, %dma_wait3A_289] : memref<10112x128xf32, #tpu.memory_space<vmem_shared>> -> memref<128x128xf32, #tpu.memory_space<vmem_shared>>
      tpu.wait_dma2 semaphore(%run_scoped3A_282 : memref<!tpu.dma_semaphore, #tpu.memory_space<semaphore_mem>>) src(%arg6 : memref<128x128xf32, #tpu.memory_space<vmem>>) dst(%dma_wait3A_290 : memref<128x128xf32, #tpu.memory_space<vmem_shared>>)
      tpu.yield
    }) : () -> ()
    %add3A_39 = arith.constant 632 : i32
    %add3A_40 = arith.addi %mul3A_0, %add3A_39 : i32
    %sub3A = arith.constant 120 : i32
    %sub3A_41 = arith.subi %add3A_40, %sub3A : i32
    "tpu.region"() ({
      %run_scoped3A_282 = tpu.sem_alloc : memref<!tpu.dma_semaphore, #tpu.memory_space<semaphore_mem>>
      %dma_start3A_283 = arith.constant 0 : i32
      %dma_start3A_284 = arith.constant 0 : i32
      %dma_start3A_285 = tpu.memref_slice %arg6[%dma_start3A_283, %dma_start3A_284] : memref<128x128xf32, #tpu.memory_space<vmem>> -> memref<120x128xf32, #tpu.memory_space<vmem>>
      %dma_start3A_286 = arith.constant 0 : i32
      %dma_start3A_287 = tpu.memref_slice %arg8[%sub3A_41, %dma_start3A_286] : memref<10112x128xf32, #tpu.memory_space<vmem_shared>> -> memref<120x128xf32, #tpu.memory_space<vmem_shared>>
      %dma_start3A_288 = arith.constant 0 : i32
      %dma_start3A_289 = tpu.memref_slice %arg8[%sub3A_41, %dma_start3A_288] : memref<10112x128xf32, #tpu.memory_space<vmem_shared>> -> memref<120x128xf32, #tpu.memory_space<vmem_shared>>
      %dma_start3A_290 = arith.constant 0 : i32
      %dma_start3A_291 = arith.constant 0 : i32
      %dma_start3A_292 = tpu.memref_slice %arg6[%dma_start3A_290, %dma_start3A_291] : memref<128x128xf32, #tpu.memory_space<vmem>> -> memref<120x128xf32, #tpu.memory_space<vmem>>
      tpu.enqueue_dma source(%dma_start3A_292 : memref<120x128xf32, #tpu.memory_space<vmem>>) target(%dma_start3A_289 : memref<120x128xf32, #tpu.memory_space<vmem_shared>>) target_semaphore(%run_scoped3A_282 : memref<!tpu.dma_semaphore, #tpu.memory_space<semaphore_mem>>)
      %dma_wait3A_293 = arith.constant 0 : i32
      %dma_wait3A_294 = arith.constant 0 : i32
      %dma_wait3A_295 = tpu.memref_slice %arg6[%dma_wait3A_293, %dma_wait3A_294] : memref<128x128xf32, #tpu.memory_space<vmem>> -> memref<120x128xf32, #tpu.memory_space<vmem>>
      %dma_wait3A_296 = arith.constant 0 : i32
      %dma_wait3A_297 = tpu.memref_slice %arg8[%sub3A_41, %dma_wait3A_296] : memref<10112x128xf32, #tpu.memory_space<vmem_shared>> -> memref<120x128xf32, #tpu.memory_space<vmem_shared>>
      %dma_wait3A_298 = arith.constant 0 : i32
      %dma_wait3A_299 = tpu.memref_slice %arg8[%sub3A_41, %dma_wait3A_298] : memref<10112x128xf32, #tpu.memory_space<vmem_shared>> -> memref<120x128xf32, #tpu.memory_space<vmem_shared>>
      %dma_wait3A_300 = arith.constant 0 : i32
      %dma_wait3A_301 = arith.constant 0 : i32
      %dma_wait3A_302 = tpu.memref_slice %arg6[%dma_wait3A_300, %dma_wait3A_301] : memref<128x128xf32, #tpu.memory_space<vmem>> -> memref<120x128xf32, #tpu.memory_space<vmem>>
      tpu.wait_dma2 semaphore(%run_scoped3A_282 : memref<!tpu.dma_semaphore, #tpu.memory_space<semaphore_mem>>) src(%dma_wait3A_302 : memref<120x128xf32, #tpu.memory_space<vmem>>) dst(%dma_wait3A_299 : memref<120x128xf32, #tpu.memory_space<vmem_shared>>)
      tpu.yield
    }) : () -> ()
    %add3A_42 = arith.constant 0 : i32
    %add3A_43 = arith.addi %add3A_6, %add3A_42 : i32
    %dma_wait3A = arith.constant 0 : i32
    %dma_wait3A_44 = arith.constant 0 : i32
    %dma_wait3A_45 = arith.constant 0 : i32
    %dma_wait3A_46 = arith.constant 0 : i32
    %dma_wait3A_47 = tpu.memref_slice %arg5[%dma_wait3A, %dma_wait3A_44, %dma_wait3A_45, %dma_wait3A_46] : memref<2x26x2x128xi32, #tpu.memory_space<vmem>> -> memref<1x26x2x128xi32, #tpu.memory_space<vmem>>
    %dma_wait3A_48 = tpu.memref_squeeze %dma_wait3A_47 : memref<1x26x2x128xi32, #tpu.memory_space<vmem>> -> memref<26x2x128xi32, #tpu.memory_space<vmem>>
    %dma_wait3A_49 = arith.constant 0 : i32
    %dma_wait3A_50 = arith.constant 0 : i32
    %dma_wait3A_51 = tpu.memref_slice %arg3[%add3A_43, %dma_wait3A_49, %dma_wait3A_50] : memref<2500x2x128xi32, #tpu.memory_space<hbm>> -> memref<26x2x128xi32, #tpu.memory_space<hbm>>
    %dma_wait3A_52 = arith.constant 0 : i32
    %dma_wait3A_53 = arith.constant 0 : i32
    %dma_wait3A_54 = arith.constant 0 : i32
    %dma_wait3A_55 = tpu.memref_slice %arg5[%dma_wait3A, %dma_wait3A_52, %dma_wait3A_53, %dma_wait3A_54] : memref<2x26x2x128xi32, #tpu.memory_space<vmem>> -> memref<1x26x2x128xi32, #tpu.memory_space<vmem>>
    %dma_wait3A_56 = tpu.memref_squeeze %dma_wait3A_55 : memref<1x26x2x128xi32, #tpu.memory_space<vmem>> -> memref<26x2x128xi32, #tpu.memory_space<vmem>>
    %dma_wait3A_57 = arith.constant 0 : i32
    %dma_wait3A_58 = arith.constant 0 : i32
    %dma_wait3A_59 = tpu.memref_slice %arg3[%add3A_43, %dma_wait3A_57, %dma_wait3A_58] : memref<2500x2x128xi32, #tpu.memory_space<hbm>> -> memref<26x2x128xi32, #tpu.memory_space<hbm>>
    tpu.wait_dma2 semaphore(%arg11 : memref<!tpu.dma_semaphore, #tpu.memory_space<semaphore_mem>>) src(%dma_wait3A_59 : memref<26x2x128xi32, #tpu.memory_space<hbm>>) dst(%dma_wait3A_56 : memref<26x2x128xi32, #tpu.memory_space<vmem>>)
    %barrier3A = arith.constant 0 : index
    tpu.barrier barrier_id(%barrier3A)
    %dma_start3A_60 = arith.constant 0 : i32
    %dma_start3A_61 = arith.constant 0 : i32
    %dma_start3A_62 = arith.constant 0 : i32
    %dma_start3A_63 = arith.constant 0 : i32
    %dma_start3A_64 = tpu.memref_slice %arg5[%dma_start3A_60, %dma_start3A_61, %dma_start3A_62, %dma_start3A_63] : memref<2x26x2x128xi32, #tpu.memory_space<vmem>> -> memref<1x1x1x128xi32, #tpu.memory_space<vmem>>
    %dma_start3A_65 = tpu.memref_squeeze %dma_start3A_64 : memref<1x1x1x128xi32, #tpu.memory_space<vmem>> -> memref<128xi32, #tpu.memory_space<vmem>>
    %dma_start3A_66 = arith.constant 0 : i32
    %dma_start3A_67 = arith.constant 0 : i32
    %dma_start3A_68 = tpu.memref_slice %arg2[%dma_start3A_66, %dma_start3A_67] : memref<10000x128xf32, #tpu.memory_space<hbm>> -> memref<10000x128xf32, #tpu.memory_space<hbm>>
    tpu.enqueue_indirect_dma source(%dma_start3A_68 : memref<10000x128xf32, #tpu.memory_space<hbm>>) target(%arg6 : memref<128x128xf32, #tpu.memory_space<vmem>>) offsets(%dma_start3A_65 : memref<128xi32, #tpu.memory_space<vmem>>) semaphore(%arg9 : memref<!tpu.dma_semaphore, #tpu.memory_space<semaphore_mem>>)
    %add3A_69 = arith.constant 26 : i32
    %add3A_70 = arith.addi %add3A_6, %add3A_69 : i32
    %dma_start3A_71 = arith.constant 1 : i32
    %dma_start3A_72 = arith.constant 0 : i32
    %dma_start3A_73 = arith.constant 0 : i32
    %dma_start3A_74 = arith.constant 0 : i32
    %dma_start3A_75 = tpu.memref_slice %arg5[%dma_start3A_71, %dma_start3A_72, %dma_start3A_73, %dma_start3A_74] : memref<2x26x2x128xi32, #tpu.memory_space<vmem>> -> memref<1x26x2x128xi32, #tpu.memory_space<vmem>>
    %dma_start3A_76 = tpu.memref_squeeze %dma_start3A_75 : memref<1x26x2x128xi32, #tpu.memory_space<vmem>> -> memref<26x2x128xi32, #tpu.memory_space<vmem>>
    %dma_start3A_77 = arith.constant 0 : i32
    %dma_start3A_78 = arith.constant 0 : i32
    %dma_start3A_79 = tpu.memref_slice %arg3[%add3A_70, %dma_start3A_77, %dma_start3A_78] : memref<2500x2x128xi32, #tpu.memory_space<hbm>> -> memref<26x2x128xi32, #tpu.memory_space<hbm>>
    %dma_start3A_80 = arith.constant 0 : i32
    %dma_start3A_81 = arith.constant 0 : i32
    %dma_start3A_82 = arith.constant 0 : i32
    %dma_start3A_83 = tpu.memref_slice %arg5[%dma_start3A_71, %dma_start3A_80, %dma_start3A_81, %dma_start3A_82] : memref<2x26x2x128xi32, #tpu.memory_space<vmem>> -> memref<1x26x2x128xi32, #tpu.memory_space<vmem>>
    %dma_start3A_84 = tpu.memref_squeeze %dma_start3A_83 : memref<1x26x2x128xi32, #tpu.memory_space<vmem>> -> memref<26x2x128xi32, #tpu.memory_space<vmem>>
    %dma_start3A_85 = arith.constant 0 : i32
    %dma_start3A_86 = arith.constant 0 : i32
    %dma_start3A_87 = tpu.memref_slice %arg3[%add3A_70, %dma_start3A_85, %dma_start3A_86] : memref<2500x2x128xi32, #tpu.memory_space<hbm>> -> memref<26x2x128xi32, #tpu.memory_space<hbm>>
    tpu.enqueue_dma source(%dma_start3A_87 : memref<26x2x128xi32, #tpu.memory_space<hbm>>) target(%dma_start3A_84 : memref<26x2x128xi32, #tpu.memory_space<vmem>>) target_semaphore(%arg11 : memref<!tpu.dma_semaphore, #tpu.memory_space<semaphore_mem>>)
    %scan3A_88 = arith.constant 0 : i32
    %scan3A_89 = arith.constant 0 : i32
    %scan3A_90 = arith.constant 12 : i32
    %scan3A_91 = arith.addi %scan3A_89, %scan3A_90 : i32
    %scan3A_92 = arith.constant 1 : i32
    scf.for %scan3A_282 = %scan3A_89 to %scan3A_91 step %scan3A_92  : i32 {
      %mul3A_283 = arith.constant 2 : i32
      %mul3A_284 = arith.muli %mul3A_283, %scan3A_282 : i32
      %add3A_285 = arith.constant 1 : i32
      %add3A_286 = arith.addi %mul3A_284, %add3A_285 : i32
      %dma_start3A_287 = arith.constant 0 : i32
      %dma_start3A_288 = arith.constant 0 : i32
      %dma_start3A_289 = arith.constant 0 : i32
      %dma_start3A_290 = tpu.memref_slice %arg5[%dma_start3A_287, %add3A_286, %dma_start3A_288, %dma_start3A_289] : memref<2x26x2x128xi32, #tpu.memory_space<vmem>> -> memref<1x1x1x128xi32, #tpu.memory_space<vmem>>
      %dma_start3A_291 = tpu.memref_squeeze %dma_start3A_290 : memref<1x1x1x128xi32, #tpu.memory_space<vmem>> -> memref<128xi32, #tpu.memory_space<vmem>>
      %dma_start3A_292 = arith.constant 0 : i32
      %dma_start3A_293 = arith.constant 0 : i32
      %dma_start3A_294 = tpu.memref_slice %arg2[%dma_start3A_292, %dma_start3A_293] : memref<10000x128xf32, #tpu.memory_space<hbm>> -> memref<10000x128xf32, #tpu.memory_space<hbm>>
      tpu.enqueue_indirect_dma source(%dma_start3A_294 : memref<10000x128xf32, #tpu.memory_space<hbm>>) target(%arg7 : memref<128x128xf32, #tpu.memory_space<vmem>>) offsets(%dma_start3A_291 : memref<128xi32, #tpu.memory_space<vmem>>) semaphore(%arg10 : memref<!tpu.dma_semaphore, #tpu.memory_space<semaphore_mem>>)
      %dma_wait3A_295 = arith.constant 0 : i32
      %dma_wait3A_296 = arith.constant 0 : i32
      %dma_wait3A_297 = arith.constant 0 : i32
      %dma_wait3A_298 = tpu.memref_slice %arg5[%dma_wait3A_295, %mul3A_284, %dma_wait3A_296, %dma_wait3A_297] : memref<2x26x2x128xi32, #tpu.memory_space<vmem>> -> memref<1x1x1x128xi32, #tpu.memory_space<vmem>>
      %dma_wait3A_299 = tpu.memref_squeeze %dma_wait3A_298 : memref<1x1x1x128xi32, #tpu.memory_space<vmem>> -> memref<128xi32, #tpu.memory_space<vmem>>
      %dma_wait3A_300 = arith.constant 0 : i32
      %dma_wait3A_301 = arith.constant 0 : i32
      %dma_wait3A_302 = tpu.memref_slice %arg2[%dma_wait3A_300, %dma_wait3A_301] : memref<10000x128xf32, #tpu.memory_space<hbm>> -> memref<10000x128xf32, #tpu.memory_space<hbm>>
      tpu.wait_indirect_dma semaphore(%arg9 : memref<!tpu.dma_semaphore, #tpu.memory_space<semaphore_mem>>) src(%dma_wait3A_302 : memref<10000x128xf32, #tpu.memory_space<hbm>>) dst(%arg6 : memref<128x128xf32, #tpu.memory_space<vmem>>)
      %run_scoped3A_303 = arith.constant 0 : i32
      %run_scoped3A_304 = arith.constant 1 : i32
      "tpu.region"() ({
        %run_scoped3A_329 = tpu.sem_alloc : memref<!tpu.dma_semaphore, #tpu.memory_space<semaphore_mem>>
        %dma_start3A_330 = arith.constant 0 : i32
        %dma_start3A_331 = tpu.memref_slice %arg5[%run_scoped3A_303, %mul3A_284, %run_scoped3A_304, %dma_start3A_330] : memref<2x26x2x128xi32, #tpu.memory_space<vmem>> -> memref<1x1x1x128xi32, #tpu.memory_space<vmem>>
        %dma_start3A_332 = tpu.memref_squeeze %dma_start3A_331 : memref<1x1x1x128xi32, #tpu.memory_space<vmem>> -> memref<128xi32, #tpu.memory_space<vmem>>
        %dma_start3A_333 = arith.constant 0 : i32
        %dma_start3A_334 = arith.constant 0 : i32
        %dma_start3A_335 = tpu.memref_slice %arg8[%dma_start3A_333, %dma_start3A_334] : memref<10112x128xf32, #tpu.memory_space<vmem_shared>> -> memref<10112x128xf32, #tpu.memory_space<vmem_shared>>
        tpu.enqueue_indirect_dma source(%arg6 : memref<128x128xf32, #tpu.memory_space<vmem>>) target(%dma_start3A_335 : memref<10112x128xf32, #tpu.memory_space<vmem_shared>>) offsets(%dma_start3A_332 : memref<128xi32, #tpu.memory_space<vmem>>) semaphore(%run_scoped3A_329 : memref<!tpu.dma_semaphore, #tpu.memory_space<semaphore_mem>>) {add = true}
        %dma_wait3A_336 = arith.constant 0 : i32
        %dma_wait3A_337 = tpu.memref_slice %arg5[%run_scoped3A_303, %mul3A_284, %run_scoped3A_304, %dma_wait3A_336] : memref<2x26x2x128xi32, #tpu.memory_space<vmem>> -> memref<1x1x1x128xi32, #tpu.memory_space<vmem>>
        %dma_wait3A_338 = tpu.memref_squeeze %dma_wait3A_337 : memref<1x1x1x128xi32, #tpu.memory_space<vmem>> -> memref<128xi32, #tpu.memory_space<vmem>>
        %dma_wait3A_339 = arith.constant 0 : i32
        %dma_wait3A_340 = arith.constant 0 : i32
        %dma_wait3A_341 = tpu.memref_slice %arg8[%dma_wait3A_339, %dma_wait3A_340] : memref<10112x128xf32, #tpu.memory_space<vmem_shared>> -> memref<10112x128xf32, #tpu.memory_space<vmem_shared>>
        tpu.wait_indirect_dma semaphore(%run_scoped3A_329 : memref<!tpu.dma_semaphore, #tpu.memory_space<semaphore_mem>>) src(%arg6 : memref<128x128xf32, #tpu.memory_space<vmem>>) dst(%dma_wait3A_341 : memref<10112x128xf32, #tpu.memory_space<vmem_shared>>)
        tpu.yield
      }) : () -> ()
      %add3A_305 = arith.constant 2 : i32
      %add3A_306 = arith.addi %mul3A_284, %add3A_305 : i32
      %dma_start3A_307 = arith.constant 0 : i32
      %dma_start3A_308 = arith.constant 0 : i32
      %dma_start3A_309 = arith.constant 0 : i32
      %dma_start3A_310 = tpu.memref_slice %arg5[%dma_start3A_307, %add3A_306, %dma_start3A_308, %dma_start3A_309] : memref<2x26x2x128xi32, #tpu.memory_space<vmem>> -> memref<1x1x1x128xi32, #tpu.memory_space<vmem>>
      %dma_start3A_311 = tpu.memref_squeeze %dma_start3A_310 : memref<1x1x1x128xi32, #tpu.memory_space<vmem>> -> memref<128xi32, #tpu.memory_space<vmem>>
      %dma_start3A_312 = arith.constant 0 : i32
      %dma_start3A_313 = arith.constant 0 : i32
      %dma_start3A_314 = tpu.memref_slice %arg2[%dma_start3A_312, %dma_start3A_313] : memref<10000x128xf32, #tpu.memory_space<hbm>> -> memref<10000x128xf32, #tpu.memory_space<hbm>>
      tpu.enqueue_indirect_dma source(%dma_start3A_314 : memref<10000x128xf32, #tpu.memory_space<hbm>>) target(%arg6 : memref<128x128xf32, #tpu.memory_space<vmem>>) offsets(%dma_start3A_311 : memref<128xi32, #tpu.memory_space<vmem>>) semaphore(%arg9 : memref<!tpu.dma_semaphore, #tpu.memory_space<semaphore_mem>>)
      %add3A_315 = arith.constant 1 : i32
      %add3A_316 = arith.addi %mul3A_284, %add3A_315 : i32
      %dma_wait3A_317 = arith.constant 0 : i32
      %dma_wait3A_318 = arith.constant 0 : i32
      %dma_wait3A_319 = arith.constant 0 : i32
      %dma_wait3A_320 = tpu.memref_slice %arg5[%dma_wait3A_317, %add3A_316, %dma_wait3A_318, %dma_wait3A_319] : memref<2x26x2x128xi32, #tpu.memory_space<vmem>> -> memref<1x1x1x128xi32, #tpu.memory_space<vmem>>
      %dma_wait3A_321 = tpu.memref_squeeze %dma_wait3A_320 : memref<1x1x1x128xi32, #tpu.memory_space<vmem>> -> memref<128xi32, #tpu.memory_space<vmem>>
      %dma_wait3A_322 = arith.constant 0 : i32
      %dma_wait3A_323 = arith.constant 0 : i32
      %dma_wait3A_324 = tpu.memref_slice %arg2[%dma_wait3A_322, %dma_wait3A_323] : memref<10000x128xf32, #tpu.memory_space<hbm>> -> memref<10000x128xf32, #tpu.memory_space<hbm>>
      tpu.wait_indirect_dma semaphore(%arg10 : memref<!tpu.dma_semaphore, #tpu.memory_space<semaphore_mem>>) src(%dma_wait3A_324 : memref<10000x128xf32, #tpu.memory_space<hbm>>) dst(%arg7 : memref<128x128xf32, #tpu.memory_space<vmem>>)
      %add3A_325 = arith.constant 1 : i32
      %add3A_326 = arith.addi %mul3A_284, %add3A_325 : i32
      %run_scoped3A_327 = arith.constant 0 : i32
      %run_scoped3A_328 = arith.constant 1 : i32
      "tpu.region"() ({
        %run_scoped3A_329 = tpu.sem_alloc : memref<!tpu.dma_semaphore, #tpu.memory_space<semaphore_mem>>
        %dma_start3A_330 = arith.constant 0 : i32
        %dma_start3A_331 = tpu.memref_slice %arg5[%run_scoped3A_327, %add3A_326, %run_scoped3A_328, %dma_start3A_330] : memref<2x26x2x128xi32, #tpu.memory_space<vmem>> -> memref<1x1x1x128xi32, #tpu.memory_space<vmem>>
        %dma_start3A_332 = tpu.memref_squeeze %dma_start3A_331 : memref<1x1x1x128xi32, #tpu.memory_space<vmem>> -> memref<128xi32, #tpu.memory_space<vmem>>
        %dma_start3A_333 = arith.constant 0 : i32
        %dma_start3A_334 = arith.constant 0 : i32
        %dma_start3A_335 = tpu.memref_slice %arg8[%dma_start3A_333, %dma_start3A_334] : memref<10112x128xf32, #tpu.memory_space<vmem_shared>> -> memref<10112x128xf32, #tpu.memory_space<vmem_shared>>
        tpu.enqueue_indirect_dma source(%arg7 : memref<128x128xf32, #tpu.memory_space<vmem>>) target(%dma_start3A_335 : memref<10112x128xf32, #tpu.memory_space<vmem_shared>>) offsets(%dma_start3A_332 : memref<128xi32, #tpu.memory_space<vmem>>) semaphore(%run_scoped3A_329 : memref<!tpu.dma_semaphore, #tpu.memory_space<semaphore_mem>>) {add = true}
        %dma_wait3A_336 = arith.constant 0 : i32
        %dma_wait3A_337 = tpu.memref_slice %arg5[%run_scoped3A_327, %add3A_326, %run_scoped3A_328, %dma_wait3A_336] : memref<2x26x2x128xi32, #tpu.memory_space<vmem>> -> memref<1x1x1x128xi32, #tpu.memory_space<vmem>>
        %dma_wait3A_338 = tpu.memref_squeeze %dma_wait3A_337 : memref<1x1x1x128xi32, #tpu.memory_space<vmem>> -> memref<128xi32, #tpu.memory_space<vmem>>
        %dma_wait3A_339 = arith.constant 0 : i32
        %dma_wait3A_340 = arith.constant 0 : i32
        %dma_wait3A_341 = tpu.memref_slice %arg8[%dma_wait3A_339, %dma_wait3A_340] : memref<10112x128xf32, #tpu.memory_space<vmem_shared>> -> memref<10112x128xf32, #tpu.memory_space<vmem_shared>>
        tpu.wait_indirect_dma semaphore(%run_scoped3A_329 : memref<!tpu.dma_semaphore, #tpu.memory_space<semaphore_mem>>) src(%arg7 : memref<128x128xf32, #tpu.memory_space<vmem>>) dst(%dma_wait3A_341 : memref<10112x128xf32, #tpu.memory_space<vmem_shared>>)
        tpu.yield
      }) : () -> ()
    }
    %scan3A_93 = arith.constant 12 : i32
    %dma_start3A_94 = arith.constant 0 : i32
    %dma_start3A_95 = arith.constant 25 : i32
    %dma_start3A_96 = arith.constant 0 : i32
    %dma_start3A_97 = arith.constant 0 : i32
    %dma_start3A_98 = tpu.memref_slice %arg5[%dma_start3A_94, %dma_start3A_95, %dma_start3A_96, %dma_start3A_97] : memref<2x26x2x128xi32, #tpu.memory_space<vmem>> -> memref<1x1x1x128xi32, #tpu.memory_space<vmem>>
    %dma_start3A_99 = tpu.memref_squeeze %dma_start3A_98 : memref<1x1x1x128xi32, #tpu.memory_space<vmem>> -> memref<128xi32, #tpu.memory_space<vmem>>
    %dma_start3A_100 = arith.constant 0 : i32
    %dma_start3A_101 = arith.constant 0 : i32
    %dma_start3A_102 = tpu.memref_slice %arg2[%dma_start3A_100, %dma_start3A_101] : memref<10000x128xf32, #tpu.memory_space<hbm>> -> memref<10000x128xf32, #tpu.memory_space<hbm>>
    tpu.enqueue_indirect_dma source(%dma_start3A_102 : memref<10000x128xf32, #tpu.memory_space<hbm>>) target(%arg7 : memref<128x128xf32, #tpu.memory_space<vmem>>) offsets(%dma_start3A_99 : memref<128xi32, #tpu.memory_space<vmem>>) semaphore(%arg10 : memref<!tpu.dma_semaphore, #tpu.memory_space<semaphore_mem>>)
    %dma_wait3A_103 = arith.constant 0 : i32
    %dma_wait3A_104 = arith.constant 24 : i32
    %dma_wait3A_105 = arith.constant 0 : i32
    %dma_wait3A_106 = arith.constant 0 : i32
    %dma_wait3A_107 = tpu.memref_slice %arg5[%dma_wait3A_103, %dma_wait3A_104, %dma_wait3A_105, %dma_wait3A_106] : memref<2x26x2x128xi32, #tpu.memory_space<vmem>> -> memref<1x1x1x128xi32, #tpu.memory_space<vmem>>
    %dma_wait3A_108 = tpu.memref_squeeze %dma_wait3A_107 : memref<1x1x1x128xi32, #tpu.memory_space<vmem>> -> memref<128xi32, #tpu.memory_space<vmem>>
    %dma_wait3A_109 = arith.constant 0 : i32
    %dma_wait3A_110 = arith.constant 0 : i32
    %dma_wait3A_111 = tpu.memref_slice %arg2[%dma_wait3A_109, %dma_wait3A_110] : memref<10000x128xf32, #tpu.memory_space<hbm>> -> memref<10000x128xf32, #tpu.memory_space<hbm>>
    tpu.wait_indirect_dma semaphore(%arg9 : memref<!tpu.dma_semaphore, #tpu.memory_space<semaphore_mem>>) src(%dma_wait3A_111 : memref<10000x128xf32, #tpu.memory_space<hbm>>) dst(%arg6 : memref<128x128xf32, #tpu.memory_space<vmem>>)
    %run_scoped3A = arith.constant 0 : i32
    %run_scoped3A_112 = arith.constant 24 : i32
    %run_scoped3A_113 = arith.constant 1 : i32
    "tpu.region"() ({
      %run_scoped3A_282 = tpu.sem_alloc : memref<!tpu.dma_semaphore, #tpu.memory_space<semaphore_mem>>
      %dma_start3A_283 = arith.constant 0 : i32
      %dma_start3A_284 = tpu.memref_slice %arg5[%run_scoped3A, %run_scoped3A_112, %run_scoped3A_113, %dma_start3A_283] : memref<2x26x2x128xi32, #tpu.memory_space<vmem>> -> memref<1x1x1x128xi32, #tpu.memory_space<vmem>>
      %dma_start3A_285 = tpu.memref_squeeze %dma_start3A_284 : memref<1x1x1x128xi32, #tpu.memory_space<vmem>> -> memref<128xi32, #tpu.memory_space<vmem>>
      %dma_start3A_286 = arith.constant 0 : i32
      %dma_start3A_287 = arith.constant 0 : i32
      %dma_start3A_288 = tpu.memref_slice %arg8[%dma_start3A_286, %dma_start3A_287] : memref<10112x128xf32, #tpu.memory_space<vmem_shared>> -> memref<10112x128xf32, #tpu.memory_space<vmem_shared>>
      tpu.enqueue_indirect_dma source(%arg6 : memref<128x128xf32, #tpu.memory_space<vmem>>) target(%dma_start3A_288 : memref<10112x128xf32, #tpu.memory_space<vmem_shared>>) offsets(%dma_start3A_285 : memref<128xi32, #tpu.memory_space<vmem>>) semaphore(%run_scoped3A_282 : memref<!tpu.dma_semaphore, #tpu.memory_space<semaphore_mem>>) {add = true}
      %dma_wait3A_289 = arith.constant 0 : i32
      %dma_wait3A_290 = tpu.memref_slice %arg5[%run_scoped3A, %run_scoped3A_112, %run_scoped3A_113, %dma_wait3A_289] : memref<2x26x2x128xi32, #tpu.memory_space<vmem>> -> memref<1x1x1x128xi32, #tpu.memory_space<vmem>>
      %dma_wait3A_291 = tpu.memref_squeeze %dma_wait3A_290 : memref<1x1x1x128xi32, #tpu.memory_space<vmem>> -> memref<128xi32, #tpu.memory_space<vmem>>
      %dma_wait3A_292 = arith.constant 0 : i32
      %dma_wait3A_293 = arith.constant 0 : i32
      %dma_wait3A_294 = tpu.memref_slice %arg8[%dma_wait3A_292, %dma_wait3A_293] : memref<10112x128xf32, #tpu.memory_space<vmem_shared>> -> memref<10112x128xf32, #tpu.memory_space<vmem_shared>>
      tpu.wait_indirect_dma semaphore(%run_scoped3A_282 : memref<!tpu.dma_semaphore, #tpu.memory_space<semaphore_mem>>) src(%arg6 : memref<128x128xf32, #tpu.memory_space<vmem>>) dst(%dma_wait3A_294 : memref<10112x128xf32, #tpu.memory_space<vmem_shared>>)
      tpu.yield
    }) : () -> ()
    %add3A_114 = arith.constant 26 : i32
    %add3A_115 = arith.addi %add3A_6, %add3A_114 : i32
    %dma_wait3A_116 = arith.constant 1 : i32
    %dma_wait3A_117 = arith.constant 0 : i32
    %dma_wait3A_118 = arith.constant 0 : i32
    %dma_wait3A_119 = arith.constant 0 : i32
    %dma_wait3A_120 = tpu.memref_slice %arg5[%dma_wait3A_116, %dma_wait3A_117, %dma_wait3A_118, %dma_wait3A_119] : memref<2x26x2x128xi32, #tpu.memory_space<vmem>> -> memref<1x26x2x128xi32, #tpu.memory_space<vmem>>
    %dma_wait3A_121 = tpu.memref_squeeze %dma_wait3A_120 : memref<1x26x2x128xi32, #tpu.memory_space<vmem>> -> memref<26x2x128xi32, #tpu.memory_space<vmem>>
    %dma_wait3A_122 = arith.constant 0 : i32
    %dma_wait3A_123 = arith.constant 0 : i32
    %dma_wait3A_124 = tpu.memref_slice %arg3[%add3A_115, %dma_wait3A_122, %dma_wait3A_123] : memref<2500x2x128xi32, #tpu.memory_space<hbm>> -> memref<26x2x128xi32, #tpu.memory_space<hbm>>
    %dma_wait3A_125 = arith.constant 0 : i32
    %dma_wait3A_126 = arith.constant 0 : i32
    %dma_wait3A_127 = arith.constant 0 : i32
    %dma_wait3A_128 = tpu.memref_slice %arg5[%dma_wait3A_116, %dma_wait3A_125, %dma_wait3A_126, %dma_wait3A_127] : memref<2x26x2x128xi32, #tpu.memory_space<vmem>> -> memref<1x26x2x128xi32, #tpu.memory_space<vmem>>
    %dma_wait3A_129 = tpu.memref_squeeze %dma_wait3A_128 : memref<1x26x2x128xi32, #tpu.memory_space<vmem>> -> memref<26x2x128xi32, #tpu.memory_space<vmem>>
    %dma_wait3A_130 = arith.constant 0 : i32
    %dma_wait3A_131 = arith.constant 0 : i32
    %dma_wait3A_132 = tpu.memref_slice %arg3[%add3A_115, %dma_wait3A_130, %dma_wait3A_131] : memref<2500x2x128xi32, #tpu.memory_space<hbm>> -> memref<26x2x128xi32, #tpu.memory_space<hbm>>
    tpu.wait_dma2 semaphore(%arg11 : memref<!tpu.dma_semaphore, #tpu.memory_space<semaphore_mem>>) src(%dma_wait3A_132 : memref<26x2x128xi32, #tpu.memory_space<hbm>>) dst(%dma_wait3A_129 : memref<26x2x128xi32, #tpu.memory_space<vmem>>)
    %dma_start3A_133 = arith.constant 1 : i32
    %dma_start3A_134 = arith.constant 0 : i32
    %dma_start3A_135 = arith.constant 0 : i32
    %dma_start3A_136 = arith.constant 0 : i32
    %dma_start3A_137 = tpu.memref_slice %arg5[%dma_start3A_133, %dma_start3A_134, %dma_start3A_135, %dma_start3A_136] : memref<2x26x2x128xi32, #tpu.memory_space<vmem>> -> memref<1x1x1x128xi32, #tpu.memory_space<vmem>>
    %dma_start3A_138 = tpu.memref_squeeze %dma_start3A_137 : memref<1x1x1x128xi32, #tpu.memory_space<vmem>> -> memref<128xi32, #tpu.memory_space<vmem>>
    %dma_start3A_139 = arith.constant 0 : i32
    %dma_start3A_140 = arith.constant 0 : i32
    %dma_start3A_141 = tpu.memref_slice %arg2[%dma_start3A_139, %dma_start3A_140] : memref<10000x128xf32, #tpu.memory_space<hbm>> -> memref<10000x128xf32, #tpu.memory_space<hbm>>
    tpu.enqueue_indirect_dma source(%dma_start3A_141 : memref<10000x128xf32, #tpu.memory_space<hbm>>) target(%arg6 : memref<128x128xf32, #tpu.memory_space<vmem>>) offsets(%dma_start3A_138 : memref<128xi32, #tpu.memory_space<vmem>>) semaphore(%arg9 : memref<!tpu.dma_semaphore, #tpu.memory_space<semaphore_mem>>)
    %dma_wait3A_142 = arith.constant 0 : i32
    %dma_wait3A_143 = arith.constant 25 : i32
    %dma_wait3A_144 = arith.constant 0 : i32
    %dma_wait3A_145 = arith.constant 0 : i32
    %dma_wait3A_146 = tpu.memref_slice %arg5[%dma_wait3A_142, %dma_wait3A_143, %dma_wait3A_144, %dma_wait3A_145] : memref<2x26x2x128xi32, #tpu.memory_space<vmem>> -> memref<1x1x1x128xi32, #tpu.memory_space<vmem>>
    %dma_wait3A_147 = tpu.memref_squeeze %dma_wait3A_146 : memref<1x1x1x128xi32, #tpu.memory_space<vmem>> -> memref<128xi32, #tpu.memory_space<vmem>>
    %dma_wait3A_148 = arith.constant 0 : i32
    %dma_wait3A_149 = arith.constant 0 : i32
    %dma_wait3A_150 = tpu.memref_slice %arg2[%dma_wait3A_148, %dma_wait3A_149] : memref<10000x128xf32, #tpu.memory_space<hbm>> -> memref<10000x128xf32, #tpu.memory_space<hbm>>
    tpu.wait_indirect_dma semaphore(%arg10 : memref<!tpu.dma_semaphore, #tpu.memory_space<semaphore_mem>>) src(%dma_wait3A_150 : memref<10000x128xf32, #tpu.memory_space<hbm>>) dst(%arg7 : memref<128x128xf32, #tpu.memory_space<vmem>>)
    %run_scoped3A_151 = arith.constant 0 : i32
    %run_scoped3A_152 = arith.constant 25 : i32
    %run_scoped3A_153 = arith.constant 1 : i32
    "tpu.region"() ({
      %run_scoped3A_282 = tpu.sem_alloc : memref<!tpu.dma_semaphore, #tpu.memory_space<semaphore_mem>>
      %dma_start3A_283 = arith.constant 0 : i32
      %dma_start3A_284 = tpu.memref_slice %arg5[%run_scoped3A_151, %run_scoped3A_152, %run_scoped3A_153, %dma_start3A_283] : memref<2x26x2x128xi32, #tpu.memory_space<vmem>> -> memref<1x1x1x128xi32, #tpu.memory_space<vmem>>
      %dma_start3A_285 = tpu.memref_squeeze %dma_start3A_284 : memref<1x1x1x128xi32, #tpu.memory_space<vmem>> -> memref<128xi32, #tpu.memory_space<vmem>>
      %dma_start3A_286 = arith.constant 0 : i32
      %dma_start3A_287 = arith.constant 0 : i32
      %dma_start3A_288 = tpu.memref_slice %arg8[%dma_start3A_286, %dma_start3A_287] : memref<10112x128xf32, #tpu.memory_space<vmem_shared>> -> memref<10112x128xf32, #tpu.memory_space<vmem_shared>>
      tpu.enqueue_indirect_dma source(%arg7 : memref<128x128xf32, #tpu.memory_space<vmem>>) target(%dma_start3A_288 : memref<10112x128xf32, #tpu.memory_space<vmem_shared>>) offsets(%dma_start3A_285 : memref<128xi32, #tpu.memory_space<vmem>>) semaphore(%run_scoped3A_282 : memref<!tpu.dma_semaphore, #tpu.memory_space<semaphore_mem>>) {add = true}
      %dma_wait3A_289 = arith.constant 0 : i32
      %dma_wait3A_290 = tpu.memref_slice %arg5[%run_scoped3A_151, %run_scoped3A_152, %run_scoped3A_153, %dma_wait3A_289] : memref<2x26x2x128xi32, #tpu.memory_space<vmem>> -> memref<1x1x1x128xi32, #tpu.memory_space<vmem>>
      %dma_wait3A_291 = tpu.memref_squeeze %dma_wait3A_290 : memref<1x1x1x128xi32, #tpu.memory_space<vmem>> -> memref<128xi32, #tpu.memory_space<vmem>>
      %dma_wait3A_292 = arith.constant 0 : i32
      %dma_wait3A_293 = arith.constant 0 : i32
      %dma_wait3A_294 = tpu.memref_slice %arg8[%dma_wait3A_292, %dma_wait3A_293] : memref<10112x128xf32, #tpu.memory_space<vmem_shared>> -> memref<10112x128xf32, #tpu.memory_space<vmem_shared>>
      tpu.wait_indirect_dma semaphore(%run_scoped3A_282 : memref<!tpu.dma_semaphore, #tpu.memory_space<semaphore_mem>>) src(%arg7 : memref<128x128xf32, #tpu.memory_space<vmem>>) dst(%dma_wait3A_294 : memref<10112x128xf32, #tpu.memory_space<vmem_shared>>)
      tpu.yield
    }) : () -> ()
    %add3A_154 = arith.constant 52 : i32
    %add3A_155 = arith.addi %add3A_6, %add3A_154 : i32
    %dma_start3A_156 = arith.constant 0 : i32
    %dma_start3A_157 = arith.constant 0 : i32
    %dma_start3A_158 = arith.constant 0 : i32
    %dma_start3A_159 = arith.constant 0 : i32
    %dma_start3A_160 = tpu.memref_slice %arg5[%dma_start3A_156, %dma_start3A_157, %dma_start3A_158, %dma_start3A_159] : memref<2x26x2x128xi32, #tpu.memory_space<vmem>> -> memref<1x26x2x128xi32, #tpu.memory_space<vmem>>
    %dma_start3A_161 = tpu.memref_squeeze %dma_start3A_160 : memref<1x26x2x128xi32, #tpu.memory_space<vmem>> -> memref<26x2x128xi32, #tpu.memory_space<vmem>>
    %dma_start3A_162 = arith.constant 0 : i32
    %dma_start3A_163 = arith.constant 0 : i32
    %dma_start3A_164 = tpu.memref_slice %arg3[%add3A_155, %dma_start3A_162, %dma_start3A_163] : memref<2500x2x128xi32, #tpu.memory_space<hbm>> -> memref<26x2x128xi32, #tpu.memory_space<hbm>>
    %dma_start3A_165 = arith.constant 0 : i32
    %dma_start3A_166 = arith.constant 0 : i32
    %dma_start3A_167 = arith.constant 0 : i32
    %dma_start3A_168 = tpu.memref_slice %arg5[%dma_start3A_156, %dma_start3A_165, %dma_start3A_166, %dma_start3A_167] : memref<2x26x2x128xi32, #tpu.memory_space<vmem>> -> memref<1x26x2x128xi32, #tpu.memory_space<vmem>>
    %dma_start3A_169 = tpu.memref_squeeze %dma_start3A_168 : memref<1x26x2x128xi32, #tpu.memory_space<vmem>> -> memref<26x2x128xi32, #tpu.memory_space<vmem>>
    %dma_start3A_170 = arith.constant 0 : i32
    %dma_start3A_171 = arith.constant 0 : i32
    %dma_start3A_172 = tpu.memref_slice %arg3[%add3A_155, %dma_start3A_170, %dma_start3A_171] : memref<2500x2x128xi32, #tpu.memory_space<hbm>> -> memref<26x2x128xi32, #tpu.memory_space<hbm>>
    tpu.enqueue_dma source(%dma_start3A_172 : memref<26x2x128xi32, #tpu.memory_space<hbm>>) target(%dma_start3A_169 : memref<26x2x128xi32, #tpu.memory_space<vmem>>) target_semaphore(%arg11 : memref<!tpu.dma_semaphore, #tpu.memory_space<semaphore_mem>>)
    %scan3A_173 = arith.constant 0 : i32
    %scan3A_174 = arith.constant 0 : i32
    %scan3A_175 = arith.constant 12 : i32
    %scan3A_176 = arith.addi %scan3A_174, %scan3A_175 : i32
    %scan3A_177 = arith.constant 1 : i32
    scf.for %scan3A_282 = %scan3A_174 to %scan3A_176 step %scan3A_177  : i32 {
      %mul3A_283 = arith.constant 2 : i32
      %mul3A_284 = arith.muli %mul3A_283, %scan3A_282 : i32
      %add3A_285 = arith.constant 1 : i32
      %add3A_286 = arith.addi %mul3A_284, %add3A_285 : i32
      %dma_start3A_287 = arith.constant 1 : i32
      %dma_start3A_288 = arith.constant 0 : i32
      %dma_start3A_289 = arith.constant 0 : i32
      %dma_start3A_290 = tpu.memref_slice %arg5[%dma_start3A_287, %add3A_286, %dma_start3A_288, %dma_start3A_289] : memref<2x26x2x128xi32, #tpu.memory_space<vmem>> -> memref<1x1x1x128xi32, #tpu.memory_space<vmem>>
      %dma_start3A_291 = tpu.memref_squeeze %dma_start3A_290 : memref<1x1x1x128xi32, #tpu.memory_space<vmem>> -> memref<128xi32, #tpu.memory_space<vmem>>
      %dma_start3A_292 = arith.constant 0 : i32
      %dma_start3A_293 = arith.constant 0 : i32
      %dma_start3A_294 = tpu.memref_slice %arg2[%dma_start3A_292, %dma_start3A_293] : memref<10000x128xf32, #tpu.memory_space<hbm>> -> memref<10000x128xf32, #tpu.memory_space<hbm>>
      tpu.enqueue_indirect_dma source(%dma_start3A_294 : memref<10000x128xf32, #tpu.memory_space<hbm>>) target(%arg7 : memref<128x128xf32, #tpu.memory_space<vmem>>) offsets(%dma_start3A_291 : memref<128xi32, #tpu.memory_space<vmem>>) semaphore(%arg10 : memref<!tpu.dma_semaphore, #tpu.memory_space<semaphore_mem>>)
      %dma_wait3A_295 = arith.constant 1 : i32
      %dma_wait3A_296 = arith.constant 0 : i32
      %dma_wait3A_297 = arith.constant 0 : i32
      %dma_wait3A_298 = tpu.memref_slice %arg5[%dma_wait3A_295, %mul3A_284, %dma_wait3A_296, %dma_wait3A_297] : memref<2x26x2x128xi32, #tpu.memory_space<vmem>> -> memref<1x1x1x128xi32, #tpu.memory_space<vmem>>
      %dma_wait3A_299 = tpu.memref_squeeze %dma_wait3A_298 : memref<1x1x1x128xi32, #tpu.memory_space<vmem>> -> memref<128xi32, #tpu.memory_space<vmem>>
      %dma_wait3A_300 = arith.constant 0 : i32
      %dma_wait3A_301 = arith.constant 0 : i32
      %dma_wait3A_302 = tpu.memref_slice %arg2[%dma_wait3A_300, %dma_wait3A_301] : memref<10000x128xf32, #tpu.memory_space<hbm>> -> memref<10000x128xf32, #tpu.memory_space<hbm>>
      tpu.wait_indirect_dma semaphore(%arg9 : memref<!tpu.dma_semaphore, #tpu.memory_space<semaphore_mem>>) src(%dma_wait3A_302 : memref<10000x128xf32, #tpu.memory_space<hbm>>) dst(%arg6 : memref<128x128xf32, #tpu.memory_space<vmem>>)
      %run_scoped3A_303 = arith.constant 1 : i32
      %run_scoped3A_304 = arith.constant 1 : i32
      "tpu.region"() ({
        %run_scoped3A_329 = tpu.sem_alloc : memref<!tpu.dma_semaphore, #tpu.memory_space<semaphore_mem>>
        %dma_start3A_330 = arith.constant 0 : i32
        %dma_start3A_331 = tpu.memref_slice %arg5[%run_scoped3A_303, %mul3A_284, %run_scoped3A_304, %dma_start3A_330] : memref<2x26x2x128xi32, #tpu.memory_space<vmem>> -> memref<1x1x1x128xi32, #tpu.memory_space<vmem>>
        %dma_start3A_332 = tpu.memref_squeeze %dma_start3A_331 : memref<1x1x1x128xi32, #tpu.memory_space<vmem>> -> memref<128xi32, #tpu.memory_space<vmem>>
        %dma_start3A_333 = arith.constant 0 : i32
        %dma_start3A_334 = arith.constant 0 : i32
        %dma_start3A_335 = tpu.memref_slice %arg8[%dma_start3A_333, %dma_start3A_334] : memref<10112x128xf32, #tpu.memory_space<vmem_shared>> -> memref<10112x128xf32, #tpu.memory_space<vmem_shared>>
        tpu.enqueue_indirect_dma source(%arg6 : memref<128x128xf32, #tpu.memory_space<vmem>>) target(%dma_start3A_335 : memref<10112x128xf32, #tpu.memory_space<vmem_shared>>) offsets(%dma_start3A_332 : memref<128xi32, #tpu.memory_space<vmem>>) semaphore(%run_scoped3A_329 : memref<!tpu.dma_semaphore, #tpu.memory_space<semaphore_mem>>) {add = true}
        %dma_wait3A_336 = arith.constant 0 : i32
        %dma_wait3A_337 = tpu.memref_slice %arg5[%run_scoped3A_303, %mul3A_284, %run_scoped3A_304, %dma_wait3A_336] : memref<2x26x2x128xi32, #tpu.memory_space<vmem>> -> memref<1x1x1x128xi32, #tpu.memory_space<vmem>>
        %dma_wait3A_338 = tpu.memref_squeeze %dma_wait3A_337 : memref<1x1x1x128xi32, #tpu.memory_space<vmem>> -> memref<128xi32, #tpu.memory_space<vmem>>
        %dma_wait3A_339 = arith.constant 0 : i32
        %dma_wait3A_340 = arith.constant 0 : i32
        %dma_wait3A_341 = tpu.memref_slice %arg8[%dma_wait3A_339, %dma_wait3A_340] : memref<10112x128xf32, #tpu.memory_space<vmem_shared>> -> memref<10112x128xf32, #tpu.memory_space<vmem_shared>>
        tpu.wait_indirect_dma semaphore(%run_scoped3A_329 : memref<!tpu.dma_semaphore, #tpu.memory_space<semaphore_mem>>) src(%arg6 : memref<128x128xf32, #tpu.memory_space<vmem>>) dst(%dma_wait3A_341 : memref<10112x128xf32, #tpu.memory_space<vmem_shared>>)
        tpu.yield
      }) : () -> ()
      %add3A_305 = arith.constant 2 : i32
      %add3A_306 = arith.addi %mul3A_284, %add3A_305 : i32
      %dma_start3A_307 = arith.constant 1 : i32
      %dma_start3A_308 = arith.constant 0 : i32
      %dma_start3A_309 = arith.constant 0 : i32
      %dma_start3A_310 = tpu.memref_slice %arg5[%dma_start3A_307, %add3A_306, %dma_start3A_308, %dma_start3A_309] : memref<2x26x2x128xi32, #tpu.memory_space<vmem>> -> memref<1x1x1x128xi32, #tpu.memory_space<vmem>>
      %dma_start3A_311 = tpu.memref_squeeze %dma_start3A_310 : memref<1x1x1x128xi32, #tpu.memory_space<vmem>> -> memref<128xi32, #tpu.memory_space<vmem>>
      %dma_start3A_312 = arith.constant 0 : i32
      %dma_start3A_313 = arith.constant 0 : i32
      %dma_start3A_314 = tpu.memref_slice %arg2[%dma_start3A_312, %dma_start3A_313] : memref<10000x128xf32, #tpu.memory_space<hbm>> -> memref<10000x128xf32, #tpu.memory_space<hbm>>
      tpu.enqueue_indirect_dma source(%dma_start3A_314 : memref<10000x128xf32, #tpu.memory_space<hbm>>) target(%arg6 : memref<128x128xf32, #tpu.memory_space<vmem>>) offsets(%dma_start3A_311 : memref<128xi32, #tpu.memory_space<vmem>>) semaphore(%arg9 : memref<!tpu.dma_semaphore, #tpu.memory_space<semaphore_mem>>)
      %add3A_315 = arith.constant 1 : i32
      %add3A_316 = arith.addi %mul3A_284, %add3A_315 : i32
      %dma_wait3A_317 = arith.constant 1 : i32
      %dma_wait3A_318 = arith.constant 0 : i32
      %dma_wait3A_319 = arith.constant 0 : i32
      %dma_wait3A_320 = tpu.memref_slice %arg5[%dma_wait3A_317, %add3A_316, %dma_wait3A_318, %dma_wait3A_319] : memref<2x26x2x128xi32, #tpu.memory_space<vmem>> -> memref<1x1x1x128xi32, #tpu.memory_space<vmem>>
      %dma_wait3A_321 = tpu.memref_squeeze %dma_wait3A_320 : memref<1x1x1x128xi32, #tpu.memory_space<vmem>> -> memref<128xi32, #tpu.memory_space<vmem>>
      %dma_wait3A_322 = arith.constant 0 : i32
      %dma_wait3A_323 = arith.constant 0 : i32
      %dma_wait3A_324 = tpu.memref_slice %arg2[%dma_wait3A_322, %dma_wait3A_323] : memref<10000x128xf32, #tpu.memory_space<hbm>> -> memref<10000x128xf32, #tpu.memory_space<hbm>>
      tpu.wait_indirect_dma semaphore(%arg10 : memref<!tpu.dma_semaphore, #tpu.memory_space<semaphore_mem>>) src(%dma_wait3A_324 : memref<10000x128xf32, #tpu.memory_space<hbm>>) dst(%arg7 : memref<128x128xf32, #tpu.memory_space<vmem>>)
      %add3A_325 = arith.constant 1 : i32
      %add3A_326 = arith.addi %mul3A_284, %add3A_325 : i32
      %run_scoped3A_327 = arith.constant 1 : i32
      %run_scoped3A_328 = arith.constant 1 : i32
      "tpu.region"() ({
        %run_scoped3A_329 = tpu.sem_alloc : memref<!tpu.dma_semaphore, #tpu.memory_space<semaphore_mem>>
        %dma_start3A_330 = arith.constant 0 : i32
        %dma_start3A_331 = tpu.memref_slice %arg5[%run_scoped3A_327, %add3A_326, %run_scoped3A_328, %dma_start3A_330] : memref<2x26x2x128xi32, #tpu.memory_space<vmem>> -> memref<1x1x1x128xi32, #tpu.memory_space<vmem>>
        %dma_start3A_332 = tpu.memref_squeeze %dma_start3A_331 : memref<1x1x1x128xi32, #tpu.memory_space<vmem>> -> memref<128xi32, #tpu.memory_space<vmem>>
        %dma_start3A_333 = arith.constant 0 : i32
        %dma_start3A_334 = arith.constant 0 : i32
        %dma_start3A_335 = tpu.memref_slice %arg8[%dma_start3A_333, %dma_start3A_334] : memref<10112x128xf32, #tpu.memory_space<vmem_shared>> -> memref<10112x128xf32, #tpu.memory_space<vmem_shared>>
        tpu.enqueue_indirect_dma source(%arg7 : memref<128x128xf32, #tpu.memory_space<vmem>>) target(%dma_start3A_335 : memref<10112x128xf32, #tpu.memory_space<vmem_shared>>) offsets(%dma_start3A_332 : memref<128xi32, #tpu.memory_space<vmem>>) semaphore(%run_scoped3A_329 : memref<!tpu.dma_semaphore, #tpu.memory_space<semaphore_mem>>) {add = true}
        %dma_wait3A_336 = arith.constant 0 : i32
        %dma_wait3A_337 = tpu.memref_slice %arg5[%run_scoped3A_327, %add3A_326, %run_scoped3A_328, %dma_wait3A_336] : memref<2x26x2x128xi32, #tpu.memory_space<vmem>> -> memref<1x1x1x128xi32, #tpu.memory_space<vmem>>
        %dma_wait3A_338 = tpu.memref_squeeze %dma_wait3A_337 : memref<1x1x1x128xi32, #tpu.memory_space<vmem>> -> memref<128xi32, #tpu.memory_space<vmem>>
        %dma_wait3A_339 = arith.constant 0 : i32
        %dma_wait3A_340 = arith.constant 0 : i32
        %dma_wait3A_341 = tpu.memref_slice %arg8[%dma_wait3A_339, %dma_wait3A_340] : memref<10112x128xf32, #tpu.memory_space<vmem_shared>> -> memref<10112x128xf32, #tpu.memory_space<vmem_shared>>
        tpu.wait_indirect_dma semaphore(%run_scoped3A_329 : memref<!tpu.dma_semaphore, #tpu.memory_space<semaphore_mem>>) src(%arg7 : memref<128x128xf32, #tpu.memory_space<vmem>>) dst(%dma_wait3A_341 : memref<10112x128xf32, #tpu.memory_space<vmem_shared>>)
        tpu.yield
      }) : () -> ()
    }
    %scan3A_178 = arith.constant 12 : i32
    %dma_start3A_179 = arith.constant 1 : i32
    %dma_start3A_180 = arith.constant 25 : i32
    %dma_start3A_181 = arith.constant 0 : i32
    %dma_start3A_182 = arith.constant 0 : i32
    %dma_start3A_183 = tpu.memref_slice %arg5[%dma_start3A_179, %dma_start3A_180, %dma_start3A_181, %dma_start3A_182] : memref<2x26x2x128xi32, #tpu.memory_space<vmem>> -> memref<1x1x1x128xi32, #tpu.memory_space<vmem>>
    %dma_start3A_184 = tpu.memref_squeeze %dma_start3A_183 : memref<1x1x1x128xi32, #tpu.memory_space<vmem>> -> memref<128xi32, #tpu.memory_space<vmem>>
    %dma_start3A_185 = arith.constant 0 : i32
    %dma_start3A_186 = arith.constant 0 : i32
    %dma_start3A_187 = tpu.memref_slice %arg2[%dma_start3A_185, %dma_start3A_186] : memref<10000x128xf32, #tpu.memory_space<hbm>> -> memref<10000x128xf32, #tpu.memory_space<hbm>>
    tpu.enqueue_indirect_dma source(%dma_start3A_187 : memref<10000x128xf32, #tpu.memory_space<hbm>>) target(%arg7 : memref<128x128xf32, #tpu.memory_space<vmem>>) offsets(%dma_start3A_184 : memref<128xi32, #tpu.memory_space<vmem>>) semaphore(%arg10 : memref<!tpu.dma_semaphore, #tpu.memory_space<semaphore_mem>>)
    %dma_wait3A_188 = arith.constant 1 : i32
    %dma_wait3A_189 = arith.constant 24 : i32
    %dma_wait3A_190 = arith.constant 0 : i32
    %dma_wait3A_191 = arith.constant 0 : i32
    %dma_wait3A_192 = tpu.memref_slice %arg5[%dma_wait3A_188, %dma_wait3A_189, %dma_wait3A_190, %dma_wait3A_191] : memref<2x26x2x128xi32, #tpu.memory_space<vmem>> -> memref<1x1x1x128xi32, #tpu.memory_space<vmem>>
    %dma_wait3A_193 = tpu.memref_squeeze %dma_wait3A_192 : memref<1x1x1x128xi32, #tpu.memory_space<vmem>> -> memref<128xi32, #tpu.memory_space<vmem>>
    %dma_wait3A_194 = arith.constant 0 : i32
    %dma_wait3A_195 = arith.constant 0 : i32
    %dma_wait3A_196 = tpu.memref_slice %arg2[%dma_wait3A_194, %dma_wait3A_195] : memref<10000x128xf32, #tpu.memory_space<hbm>> -> memref<10000x128xf32, #tpu.memory_space<hbm>>
    tpu.wait_indirect_dma semaphore(%arg9 : memref<!tpu.dma_semaphore, #tpu.memory_space<semaphore_mem>>) src(%dma_wait3A_196 : memref<10000x128xf32, #tpu.memory_space<hbm>>) dst(%arg6 : memref<128x128xf32, #tpu.memory_space<vmem>>)
    %run_scoped3A_197 = arith.constant 1 : i32
    %run_scoped3A_198 = arith.constant 24 : i32
    %run_scoped3A_199 = arith.constant 1 : i32
    "tpu.region"() ({
      %run_scoped3A_282 = tpu.sem_alloc : memref<!tpu.dma_semaphore, #tpu.memory_space<semaphore_mem>>
      %dma_start3A_283 = arith.constant 0 : i32
      %dma_start3A_284 = tpu.memref_slice %arg5[%run_scoped3A_197, %run_scoped3A_198, %run_scoped3A_199, %dma_start3A_283] : memref<2x26x2x128xi32, #tpu.memory_space<vmem>> -> memref<1x1x1x128xi32, #tpu.memory_space<vmem>>
      %dma_start3A_285 = tpu.memref_squeeze %dma_start3A_284 : memref<1x1x1x128xi32, #tpu.memory_space<vmem>> -> memref<128xi32, #tpu.memory_space<vmem>>
      %dma_start3A_286 = arith.constant 0 : i32
      %dma_start3A_287 = arith.constant 0 : i32
      %dma_start3A_288 = tpu.memref_slice %arg8[%dma_start3A_286, %dma_start3A_287] : memref<10112x128xf32, #tpu.memory_space<vmem_shared>> -> memref<10112x128xf32, #tpu.memory_space<vmem_shared>>
      tpu.enqueue_indirect_dma source(%arg6 : memref<128x128xf32, #tpu.memory_space<vmem>>) target(%dma_start3A_288 : memref<10112x128xf32, #tpu.memory_space<vmem_shared>>) offsets(%dma_start3A_285 : memref<128xi32, #tpu.memory_space<vmem>>) semaphore(%run_scoped3A_282 : memref<!tpu.dma_semaphore, #tpu.memory_space<semaphore_mem>>) {add = true}
      %dma_wait3A_289 = arith.constant 0 : i32
      %dma_wait3A_290 = tpu.memref_slice %arg5[%run_scoped3A_197, %run_scoped3A_198, %run_scoped3A_199, %dma_wait3A_289] : memref<2x26x2x128xi32, #tpu.memory_space<vmem>> -> memref<1x1x1x128xi32, #tpu.memory_space<vmem>>
      %dma_wait3A_291 = tpu.memref_squeeze %dma_wait3A_290 : memref<1x1x1x128xi32, #tpu.memory_space<vmem>> -> memref<128xi32, #tpu.memory_space<vmem>>
      %dma_wait3A_292 = arith.constant 0 : i32
      %dma_wait3A_293 = arith.constant 0 : i32
      %dma_wait3A_294 = tpu.memref_slice %arg8[%dma_wait3A_292, %dma_wait3A_293] : memref<10112x128xf32, #tpu.memory_space<vmem_shared>> -> memref<10112x128xf32, #tpu.memory_space<vmem_shared>>
      tpu.wait_indirect_dma semaphore(%run_scoped3A_282 : memref<!tpu.dma_semaphore, #tpu.memory_space<semaphore_mem>>) src(%arg6 : memref<128x128xf32, #tpu.memory_space<vmem>>) dst(%dma_wait3A_294 : memref<10112x128xf32, #tpu.memory_space<vmem_shared>>)
      tpu.yield
    }) : () -> ()
    %add3A_200 = arith.constant 52 : i32
    %add3A_201 = arith.addi %add3A_6, %add3A_200 : i32
    %dma_wait3A_202 = arith.constant 0 : i32
    %dma_wait3A_203 = arith.constant 0 : i32
    %dma_wait3A_204 = arith.constant 0 : i32
    %dma_wait3A_205 = arith.constant 0 : i32
    %dma_wait3A_206 = tpu.memref_slice %arg5[%dma_wait3A_202, %dma_wait3A_203, %dma_wait3A_204, %dma_wait3A_205] : memref<2x26x2x128xi32, #tpu.memory_space<vmem>> -> memref<1x26x2x128xi32, #tpu.memory_space<vmem>>
    %dma_wait3A_207 = tpu.memref_squeeze %dma_wait3A_206 : memref<1x26x2x128xi32, #tpu.memory_space<vmem>> -> memref<26x2x128xi32, #tpu.memory_space<vmem>>
    %dma_wait3A_208 = arith.constant 0 : i32
    %dma_wait3A_209 = arith.constant 0 : i32
    %dma_wait3A_210 = tpu.memref_slice %arg3[%add3A_201, %dma_wait3A_208, %dma_wait3A_209] : memref<2500x2x128xi32, #tpu.memory_space<hbm>> -> memref<26x2x128xi32, #tpu.memory_space<hbm>>
    %dma_wait3A_211 = arith.constant 0 : i32
    %dma_wait3A_212 = arith.constant 0 : i32
    %dma_wait3A_213 = arith.constant 0 : i32
    %dma_wait3A_214 = tpu.memref_slice %arg5[%dma_wait3A_202, %dma_wait3A_211, %dma_wait3A_212, %dma_wait3A_213] : memref<2x26x2x128xi32, #tpu.memory_space<vmem>> -> memref<1x26x2x128xi32, #tpu.memory_space<vmem>>
    %dma_wait3A_215 = tpu.memref_squeeze %dma_wait3A_214 : memref<1x26x2x128xi32, #tpu.memory_space<vmem>> -> memref<26x2x128xi32, #tpu.memory_space<vmem>>
    %dma_wait3A_216 = arith.constant 0 : i32
    %dma_wait3A_217 = arith.constant 0 : i32
    %dma_wait3A_218 = tpu.memref_slice %arg3[%add3A_201, %dma_wait3A_216, %dma_wait3A_217] : memref<2500x2x128xi32, #tpu.memory_space<hbm>> -> memref<26x2x128xi32, #tpu.memory_space<hbm>>
    tpu.wait_dma2 semaphore(%arg11 : memref<!tpu.dma_semaphore, #tpu.memory_space<semaphore_mem>>) src(%dma_wait3A_218 : memref<26x2x128xi32, #tpu.memory_space<hbm>>) dst(%dma_wait3A_215 : memref<26x2x128xi32, #tpu.memory_space<vmem>>)
    %dma_start3A_219 = arith.constant 0 : i32
    %dma_start3A_220 = arith.constant 0 : i32
    %dma_start3A_221 = arith.constant 0 : i32
    %dma_start3A_222 = arith.constant 0 : i32
    %dma_start3A_223 = tpu.memref_slice %arg5[%dma_start3A_219, %dma_start3A_220, %dma_start3A_221, %dma_start3A_222] : memref<2x26x2x128xi32, #tpu.memory_space<vmem>> -> memref<1x1x1x128xi32, #tpu.memory_space<vmem>>
    %dma_start3A_224 = tpu.memref_squeeze %dma_start3A_223 : memref<1x1x1x128xi32, #tpu.memory_space<vmem>> -> memref<128xi32, #tpu.memory_space<vmem>>
    %dma_start3A_225 = arith.constant 0 : i32
    %dma_start3A_226 = arith.constant 0 : i32
    %dma_start3A_227 = tpu.memref_slice %arg2[%dma_start3A_225, %dma_start3A_226] : memref<10000x128xf32, #tpu.memory_space<hbm>> -> memref<10000x128xf32, #tpu.memory_space<hbm>>
    tpu.enqueue_indirect_dma source(%dma_start3A_227 : memref<10000x128xf32, #tpu.memory_space<hbm>>) target(%arg6 : memref<128x128xf32, #tpu.memory_space<vmem>>) offsets(%dma_start3A_224 : memref<128xi32, #tpu.memory_space<vmem>>) semaphore(%arg9 : memref<!tpu.dma_semaphore, #tpu.memory_space<semaphore_mem>>)
    %dma_wait3A_228 = arith.constant 1 : i32
    %dma_wait3A_229 = arith.constant 25 : i32
    %dma_wait3A_230 = arith.constant 0 : i32
    %dma_wait3A_231 = arith.constant 0 : i32
    %dma_wait3A_232 = tpu.memref_slice %arg5[%dma_wait3A_228, %dma_wait3A_229, %dma_wait3A_230, %dma_wait3A_231] : memref<2x26x2x128xi32, #tpu.memory_space<vmem>> -> memref<1x1x1x128xi32, #tpu.memory_space<vmem>>
    %dma_wait3A_233 = tpu.memref_squeeze %dma_wait3A_232 : memref<1x1x1x128xi32, #tpu.memory_space<vmem>> -> memref<128xi32, #tpu.memory_space<vmem>>
    %dma_wait3A_234 = arith.constant 0 : i32
    %dma_wait3A_235 = arith.constant 0 : i32
    %dma_wait3A_236 = tpu.memref_slice %arg2[%dma_wait3A_234, %dma_wait3A_235] : memref<10000x128xf32, #tpu.memory_space<hbm>> -> memref<10000x128xf32, #tpu.memory_space<hbm>>
    tpu.wait_indirect_dma semaphore(%arg10 : memref<!tpu.dma_semaphore, #tpu.memory_space<semaphore_mem>>) src(%dma_wait3A_236 : memref<10000x128xf32, #tpu.memory_space<hbm>>) dst(%arg7 : memref<128x128xf32, #tpu.memory_space<vmem>>)
    %run_scoped3A_237 = arith.constant 1 : i32
    %run_scoped3A_238 = arith.constant 25 : i32
    %run_scoped3A_239 = arith.constant 1 : i32
    "tpu.region"() ({
      %run_scoped3A_282 = tpu.sem_alloc : memref<!tpu.dma_semaphore, #tpu.memory_space<semaphore_mem>>
      %dma_start3A_283 = arith.constant 0 : i32
      %dma_start3A_284 = tpu.memref_slice %arg5[%run_scoped3A_237, %run_scoped3A_238, %run_scoped3A_239, %dma_start3A_283] : memref<2x26x2x128xi32, #tpu.memory_space<vmem>> -> memref<1x1x1x128xi32, #tpu.memory_space<vmem>>
      %dma_start3A_285 = tpu.memref_squeeze %dma_start3A_284 : memref<1x1x1x128xi32, #tpu.memory_space<vmem>> -> memref<128xi32, #tpu.memory_space<vmem>>
      %dma_start3A_286 = arith.constant 0 : i32
      %dma_start3A_287 = arith.constant 0 : i32
      %dma_start3A_288 = tpu.memref_slice %arg8[%dma_start3A_286, %dma_start3A_287] : memref<10112x128xf32, #tpu.memory_space<vmem_shared>> -> memref<10112x128xf32, #tpu.memory_space<vmem_shared>>
      tpu.enqueue_indirect_dma source(%arg7 : memref<128x128xf32, #tpu.memory_space<vmem>>) target(%dma_start3A_288 : memref<10112x128xf32, #tpu.memory_space<vmem_shared>>) offsets(%dma_start3A_285 : memref<128xi32, #tpu.memory_space<vmem>>) semaphore(%run_scoped3A_282 : memref<!tpu.dma_semaphore, #tpu.memory_space<semaphore_mem>>) {add = true}
      %dma_wait3A_289 = arith.constant 0 : i32
      %dma_wait3A_290 = tpu.memref_slice %arg5[%run_scoped3A_237, %run_scoped3A_238, %run_scoped3A_239, %dma_wait3A_289] : memref<2x26x2x128xi32, #tpu.memory_space<vmem>> -> memref<1x1x1x128xi32, #tpu.memory_space<vmem>>
      %dma_wait3A_291 = tpu.memref_squeeze %dma_wait3A_290 : memref<1x1x1x128xi32, #tpu.memory_space<vmem>> -> memref<128xi32, #tpu.memory_space<vmem>>
      %dma_wait3A_292 = arith.constant 0 : i32
      %dma_wait3A_293 = arith.constant 0 : i32
      %dma_wait3A_294 = tpu.memref_slice %arg8[%dma_wait3A_292, %dma_wait3A_293] : memref<10112x128xf32, #tpu.memory_space<vmem_shared>> -> memref<10112x128xf32, #tpu.memory_space<vmem_shared>>
      tpu.wait_indirect_dma semaphore(%run_scoped3A_282 : memref<!tpu.dma_semaphore, #tpu.memory_space<semaphore_mem>>) src(%arg7 : memref<128x128xf32, #tpu.memory_space<vmem>>) dst(%dma_wait3A_294 : memref<10112x128xf32, #tpu.memory_space<vmem_shared>>)
      tpu.yield
    }) : () -> ()
    %scan3A_240 = arith.constant 0 : i32
    %scan3A_241 = arith.constant 0 : i32
    %scan3A_242 = arith.constant 12 : i32
    %scan3A_243 = arith.addi %scan3A_241, %scan3A_242 : i32
    %scan3A_244 = arith.constant 1 : i32
    scf.for %scan3A_282 = %scan3A_241 to %scan3A_243 step %scan3A_244  : i32 {
      %mul3A_283 = arith.constant 2 : i32
      %mul3A_284 = arith.muli %mul3A_283, %scan3A_282 : i32
      %add3A_285 = arith.constant 1 : i32
      %add3A_286 = arith.addi %mul3A_284, %add3A_285 : i32
      %dma_start3A_287 = arith.constant 0 : i32
      %dma_start3A_288 = arith.constant 0 : i32
      %dma_start3A_289 = arith.constant 0 : i32
      %dma_start3A_290 = tpu.memref_slice %arg5[%dma_start3A_287, %add3A_286, %dma_start3A_288, %dma_start3A_289] : memref<2x26x2x128xi32, #tpu.memory_space<vmem>> -> memref<1x1x1x128xi32, #tpu.memory_space<vmem>>
      %dma_start3A_291 = tpu.memref_squeeze %dma_start3A_290 : memref<1x1x1x128xi32, #tpu.memory_space<vmem>> -> memref<128xi32, #tpu.memory_space<vmem>>
      %dma_start3A_292 = arith.constant 0 : i32
      %dma_start3A_293 = arith.constant 0 : i32
      %dma_start3A_294 = tpu.memref_slice %arg2[%dma_start3A_292, %dma_start3A_293] : memref<10000x128xf32, #tpu.memory_space<hbm>> -> memref<10000x128xf32, #tpu.memory_space<hbm>>
      tpu.enqueue_indirect_dma source(%dma_start3A_294 : memref<10000x128xf32, #tpu.memory_space<hbm>>) target(%arg7 : memref<128x128xf32, #tpu.memory_space<vmem>>) offsets(%dma_start3A_291 : memref<128xi32, #tpu.memory_space<vmem>>) semaphore(%arg10 : memref<!tpu.dma_semaphore, #tpu.memory_space<semaphore_mem>>)
      %dma_wait3A_295 = arith.constant 0 : i32
      %dma_wait3A_296 = arith.constant 0 : i32
      %dma_wait3A_297 = arith.constant 0 : i32
      %dma_wait3A_298 = tpu.memref_slice %arg5[%dma_wait3A_295, %mul3A_284, %dma_wait3A_296, %dma_wait3A_297] : memref<2x26x2x128xi32, #tpu.memory_space<vmem>> -> memref<1x1x1x128xi32, #tpu.memory_space<vmem>>
      %dma_wait3A_299 = tpu.memref_squeeze %dma_wait3A_298 : memref<1x1x1x128xi32, #tpu.memory_space<vmem>> -> memref<128xi32, #tpu.memory_space<vmem>>
      %dma_wait3A_300 = arith.constant 0 : i32
      %dma_wait3A_301 = arith.constant 0 : i32
      %dma_wait3A_302 = tpu.memref_slice %arg2[%dma_wait3A_300, %dma_wait3A_301] : memref<10000x128xf32, #tpu.memory_space<hbm>> -> memref<10000x128xf32, #tpu.memory_space<hbm>>
      tpu.wait_indirect_dma semaphore(%arg9 : memref<!tpu.dma_semaphore, #tpu.memory_space<semaphore_mem>>) src(%dma_wait3A_302 : memref<10000x128xf32, #tpu.memory_space<hbm>>) dst(%arg6 : memref<128x128xf32, #tpu.memory_space<vmem>>)
      %run_scoped3A_303 = arith.constant 0 : i32
      %run_scoped3A_304 = arith.constant 1 : i32
      "tpu.region"() ({
        %run_scoped3A_329 = tpu.sem_alloc : memref<!tpu.dma_semaphore, #tpu.memory_space<semaphore_mem>>
        %dma_start3A_330 = arith.constant 0 : i32
        %dma_start3A_331 = tpu.memref_slice %arg5[%run_scoped3A_303, %mul3A_284, %run_scoped3A_304, %dma_start3A_330] : memref<2x26x2x128xi32, #tpu.memory_space<vmem>> -> memref<1x1x1x128xi32, #tpu.memory_space<vmem>>
        %dma_start3A_332 = tpu.memref_squeeze %dma_start3A_331 : memref<1x1x1x128xi32, #tpu.memory_space<vmem>> -> memref<128xi32, #tpu.memory_space<vmem>>
        %dma_start3A_333 = arith.constant 0 : i32
        %dma_start3A_334 = arith.constant 0 : i32
        %dma_start3A_335 = tpu.memref_slice %arg8[%dma_start3A_333, %dma_start3A_334] : memref<10112x128xf32, #tpu.memory_space<vmem_shared>> -> memref<10112x128xf32, #tpu.memory_space<vmem_shared>>
        tpu.enqueue_indirect_dma source(%arg6 : memref<128x128xf32, #tpu.memory_space<vmem>>) target(%dma_start3A_335 : memref<10112x128xf32, #tpu.memory_space<vmem_shared>>) offsets(%dma_start3A_332 : memref<128xi32, #tpu.memory_space<vmem>>) semaphore(%run_scoped3A_329 : memref<!tpu.dma_semaphore, #tpu.memory_space<semaphore_mem>>) {add = true}
        %dma_wait3A_336 = arith.constant 0 : i32
        %dma_wait3A_337 = tpu.memref_slice %arg5[%run_scoped3A_303, %mul3A_284, %run_scoped3A_304, %dma_wait3A_336] : memref<2x26x2x128xi32, #tpu.memory_space<vmem>> -> memref<1x1x1x128xi32, #tpu.memory_space<vmem>>
        %dma_wait3A_338 = tpu.memref_squeeze %dma_wait3A_337 : memref<1x1x1x128xi32, #tpu.memory_space<vmem>> -> memref<128xi32, #tpu.memory_space<vmem>>
        %dma_wait3A_339 = arith.constant 0 : i32
        %dma_wait3A_340 = arith.constant 0 : i32
        %dma_wait3A_341 = tpu.memref_slice %arg8[%dma_wait3A_339, %dma_wait3A_340] : memref<10112x128xf32, #tpu.memory_space<vmem_shared>> -> memref<10112x128xf32, #tpu.memory_space<vmem_shared>>
        tpu.wait_indirect_dma semaphore(%run_scoped3A_329 : memref<!tpu.dma_semaphore, #tpu.memory_space<semaphore_mem>>) src(%arg6 : memref<128x128xf32, #tpu.memory_space<vmem>>) dst(%dma_wait3A_341 : memref<10112x128xf32, #tpu.memory_space<vmem_shared>>)
        tpu.yield
      }) : () -> ()
      %add3A_305 = arith.constant 2 : i32
      %add3A_306 = arith.addi %mul3A_284, %add3A_305 : i32
      %dma_start3A_307 = arith.constant 0 : i32
      %dma_start3A_308 = arith.constant 0 : i32
      %dma_start3A_309 = arith.constant 0 : i32
      %dma_start3A_310 = tpu.memref_slice %arg5[%dma_start3A_307, %add3A_306, %dma_start3A_308, %dma_start3A_309] : memref<2x26x2x128xi32, #tpu.memory_space<vmem>> -> memref<1x1x1x128xi32, #tpu.memory_space<vmem>>
      %dma_start3A_311 = tpu.memref_squeeze %dma_start3A_310 : memref<1x1x1x128xi32, #tpu.memory_space<vmem>> -> memref<128xi32, #tpu.memory_space<vmem>>
      %dma_start3A_312 = arith.constant 0 : i32
      %dma_start3A_313 = arith.constant 0 : i32
      %dma_start3A_314 = tpu.memref_slice %arg2[%dma_start3A_312, %dma_start3A_313] : memref<10000x128xf32, #tpu.memory_space<hbm>> -> memref<10000x128xf32, #tpu.memory_space<hbm>>
      tpu.enqueue_indirect_dma source(%dma_start3A_314 : memref<10000x128xf32, #tpu.memory_space<hbm>>) target(%arg6 : memref<128x128xf32, #tpu.memory_space<vmem>>) offsets(%dma_start3A_311 : memref<128xi32, #tpu.memory_space<vmem>>) semaphore(%arg9 : memref<!tpu.dma_semaphore, #tpu.memory_space<semaphore_mem>>)
      %add3A_315 = arith.constant 1 : i32
      %add3A_316 = arith.addi %mul3A_284, %add3A_315 : i32
      %dma_wait3A_317 = arith.constant 0 : i32
      %dma_wait3A_318 = arith.constant 0 : i32
      %dma_wait3A_319 = arith.constant 0 : i32
      %dma_wait3A_320 = tpu.memref_slice %arg5[%dma_wait3A_317, %add3A_316, %dma_wait3A_318, %dma_wait3A_319] : memref<2x26x2x128xi32, #tpu.memory_space<vmem>> -> memref<1x1x1x128xi32, #tpu.memory_space<vmem>>
      %dma_wait3A_321 = tpu.memref_squeeze %dma_wait3A_320 : memref<1x1x1x128xi32, #tpu.memory_space<vmem>> -> memref<128xi32, #tpu.memory_space<vmem>>
      %dma_wait3A_322 = arith.constant 0 : i32
      %dma_wait3A_323 = arith.constant 0 : i32
      %dma_wait3A_324 = tpu.memref_slice %arg2[%dma_wait3A_322, %dma_wait3A_323] : memref<10000x128xf32, #tpu.memory_space<hbm>> -> memref<10000x128xf32, #tpu.memory_space<hbm>>
      tpu.wait_indirect_dma semaphore(%arg10 : memref<!tpu.dma_semaphore, #tpu.memory_space<semaphore_mem>>) src(%dma_wait3A_324 : memref<10000x128xf32, #tpu.memory_space<hbm>>) dst(%arg7 : memref<128x128xf32, #tpu.memory_space<vmem>>)
      %add3A_325 = arith.constant 1 : i32
      %add3A_326 = arith.addi %mul3A_284, %add3A_325 : i32
      %run_scoped3A_327 = arith.constant 0 : i32
      %run_scoped3A_328 = arith.constant 1 : i32
      "tpu.region"() ({
        %run_scoped3A_329 = tpu.sem_alloc : memref<!tpu.dma_semaphore, #tpu.memory_space<semaphore_mem>>
        %dma_start3A_330 = arith.constant 0 : i32
        %dma_start3A_331 = tpu.memref_slice %arg5[%run_scoped3A_327, %add3A_326, %run_scoped3A_328, %dma_start3A_330] : memref<2x26x2x128xi32, #tpu.memory_space<vmem>> -> memref<1x1x1x128xi32, #tpu.memory_space<vmem>>
        %dma_start3A_332 = tpu.memref_squeeze %dma_start3A_331 : memref<1x1x1x128xi32, #tpu.memory_space<vmem>> -> memref<128xi32, #tpu.memory_space<vmem>>
        %dma_start3A_333 = arith.constant 0 : i32
        %dma_start3A_334 = arith.constant 0 : i32
        %dma_start3A_335 = tpu.memref_slice %arg8[%dma_start3A_333, %dma_start3A_334] : memref<10112x128xf32, #tpu.memory_space<vmem_shared>> -> memref<10112x128xf32, #tpu.memory_space<vmem_shared>>
        tpu.enqueue_indirect_dma source(%arg7 : memref<128x128xf32, #tpu.memory_space<vmem>>) target(%dma_start3A_335 : memref<10112x128xf32, #tpu.memory_space<vmem_shared>>) offsets(%dma_start3A_332 : memref<128xi32, #tpu.memory_space<vmem>>) semaphore(%run_scoped3A_329 : memref<!tpu.dma_semaphore, #tpu.memory_space<semaphore_mem>>) {add = true}
        %dma_wait3A_336 = arith.constant 0 : i32
        %dma_wait3A_337 = tpu.memref_slice %arg5[%run_scoped3A_327, %add3A_326, %run_scoped3A_328, %dma_wait3A_336] : memref<2x26x2x128xi32, #tpu.memory_space<vmem>> -> memref<1x1x1x128xi32, #tpu.memory_space<vmem>>
        %dma_wait3A_338 = tpu.memref_squeeze %dma_wait3A_337 : memref<1x1x1x128xi32, #tpu.memory_space<vmem>> -> memref<128xi32, #tpu.memory_space<vmem>>
        %dma_wait3A_339 = arith.constant 0 : i32
        %dma_wait3A_340 = arith.constant 0 : i32
        %dma_wait3A_341 = tpu.memref_slice %arg8[%dma_wait3A_339, %dma_wait3A_340] : memref<10112x128xf32, #tpu.memory_space<vmem_shared>> -> memref<10112x128xf32, #tpu.memory_space<vmem_shared>>
        tpu.wait_indirect_dma semaphore(%run_scoped3A_329 : memref<!tpu.dma_semaphore, #tpu.memory_space<semaphore_mem>>) src(%arg7 : memref<128x128xf32, #tpu.memory_space<vmem>>) dst(%dma_wait3A_341 : memref<10112x128xf32, #tpu.memory_space<vmem_shared>>)
        tpu.yield
      }) : () -> ()
    }
    %scan3A_245 = arith.constant 12 : i32
    %dma_start3A_246 = arith.constant 0 : i32
    %dma_start3A_247 = arith.constant 25 : i32
    %dma_start3A_248 = arith.constant 0 : i32
    %dma_start3A_249 = arith.constant 0 : i32
    %dma_start3A_250 = tpu.memref_slice %arg5[%dma_start3A_246, %dma_start3A_247, %dma_start3A_248, %dma_start3A_249] : memref<2x26x2x128xi32, #tpu.memory_space<vmem>> -> memref<1x1x1x128xi32, #tpu.memory_space<vmem>>
    %dma_start3A_251 = tpu.memref_squeeze %dma_start3A_250 : memref<1x1x1x128xi32, #tpu.memory_space<vmem>> -> memref<128xi32, #tpu.memory_space<vmem>>
    %dma_start3A_252 = arith.constant 0 : i32
    %dma_start3A_253 = arith.constant 0 : i32
    %dma_start3A_254 = tpu.memref_slice %arg2[%dma_start3A_252, %dma_start3A_253] : memref<10000x128xf32, #tpu.memory_space<hbm>> -> memref<10000x128xf32, #tpu.memory_space<hbm>>
    tpu.enqueue_indirect_dma source(%dma_start3A_254 : memref<10000x128xf32, #tpu.memory_space<hbm>>) target(%arg7 : memref<128x128xf32, #tpu.memory_space<vmem>>) offsets(%dma_start3A_251 : memref<128xi32, #tpu.memory_space<vmem>>) semaphore(%arg10 : memref<!tpu.dma_semaphore, #tpu.memory_space<semaphore_mem>>)
    %dma_wait3A_255 = arith.constant 0 : i32
    %dma_wait3A_256 = arith.constant 24 : i32
    %dma_wait3A_257 = arith.constant 0 : i32
    %dma_wait3A_258 = arith.constant 0 : i32
    %dma_wait3A_259 = tpu.memref_slice %arg5[%dma_wait3A_255, %dma_wait3A_256, %dma_wait3A_257, %dma_wait3A_258] : memref<2x26x2x128xi32, #tpu.memory_space<vmem>> -> memref<1x1x1x128xi32, #tpu.memory_space<vmem>>
    %dma_wait3A_260 = tpu.memref_squeeze %dma_wait3A_259 : memref<1x1x1x128xi32, #tpu.memory_space<vmem>> -> memref<128xi32, #tpu.memory_space<vmem>>
    %dma_wait3A_261 = arith.constant 0 : i32
    %dma_wait3A_262 = arith.constant 0 : i32
    %dma_wait3A_263 = tpu.memref_slice %arg2[%dma_wait3A_261, %dma_wait3A_262] : memref<10000x128xf32, #tpu.memory_space<hbm>> -> memref<10000x128xf32, #tpu.memory_space<hbm>>
    tpu.wait_indirect_dma semaphore(%arg9 : memref<!tpu.dma_semaphore, #tpu.memory_space<semaphore_mem>>) src(%dma_wait3A_263 : memref<10000x128xf32, #tpu.memory_space<hbm>>) dst(%arg6 : memref<128x128xf32, #tpu.memory_space<vmem>>)
    %run_scoped3A_264 = arith.constant 0 : i32
    %run_scoped3A_265 = arith.constant 24 : i32
    %run_scoped3A_266 = arith.constant 1 : i32
    "tpu.region"() ({
      %run_scoped3A_282 = tpu.sem_alloc : memref<!tpu.dma_semaphore, #tpu.memory_space<semaphore_mem>>
      %dma_start3A_283 = arith.constant 0 : i32
      %dma_start3A_284 = tpu.memref_slice %arg5[%run_scoped3A_264, %run_scoped3A_265, %run_scoped3A_266, %dma_start3A_283] : memref<2x26x2x128xi32, #tpu.memory_space<vmem>> -> memref<1x1x1x128xi32, #tpu.memory_space<vmem>>
      %dma_start3A_285 = tpu.memref_squeeze %dma_start3A_284 : memref<1x1x1x128xi32, #tpu.memory_space<vmem>> -> memref<128xi32, #tpu.memory_space<vmem>>
      %dma_start3A_286 = arith.constant 0 : i32
      %dma_start3A_287 = arith.constant 0 : i32
      %dma_start3A_288 = tpu.memref_slice %arg8[%dma_start3A_286, %dma_start3A_287] : memref<10112x128xf32, #tpu.memory_space<vmem_shared>> -> memref<10112x128xf32, #tpu.memory_space<vmem_shared>>
      tpu.enqueue_indirect_dma source(%arg6 : memref<128x128xf32, #tpu.memory_space<vmem>>) target(%dma_start3A_288 : memref<10112x128xf32, #tpu.memory_space<vmem_shared>>) offsets(%dma_start3A_285 : memref<128xi32, #tpu.memory_space<vmem>>) semaphore(%run_scoped3A_282 : memref<!tpu.dma_semaphore, #tpu.memory_space<semaphore_mem>>) {add = true}
      %dma_wait3A_289 = arith.constant 0 : i32
      %dma_wait3A_290 = tpu.memref_slice %arg5[%run_scoped3A_264, %run_scoped3A_265, %run_scoped3A_266, %dma_wait3A_289] : memref<2x26x2x128xi32, #tpu.memory_space<vmem>> -> memref<1x1x1x128xi32, #tpu.memory_space<vmem>>
      %dma_wait3A_291 = tpu.memref_squeeze %dma_wait3A_290 : memref<1x1x1x128xi32, #tpu.memory_space<vmem>> -> memref<128xi32, #tpu.memory_space<vmem>>
      %dma_wait3A_292 = arith.constant 0 : i32
      %dma_wait3A_293 = arith.constant 0 : i32
      %dma_wait3A_294 = tpu.memref_slice %arg8[%dma_wait3A_292, %dma_wait3A_293] : memref<10112x128xf32, #tpu.memory_space<vmem_shared>> -> memref<10112x128xf32, #tpu.memory_space<vmem_shared>>
      tpu.wait_indirect_dma semaphore(%run_scoped3A_282 : memref<!tpu.dma_semaphore, #tpu.memory_space<semaphore_mem>>) src(%arg6 : memref<128x128xf32, #tpu.memory_space<vmem>>) dst(%dma_wait3A_294 : memref<10112x128xf32, #tpu.memory_space<vmem_shared>>)
      tpu.yield
    }) : () -> ()
    %dma_wait3A_267 = arith.constant 0 : i32
    %dma_wait3A_268 = arith.constant 25 : i32
    %dma_wait3A_269 = arith.constant 0 : i32
    %dma_wait3A_270 = arith.constant 0 : i32
    %dma_wait3A_271 = tpu.memref_slice %arg5[%dma_wait3A_267, %dma_wait3A_268, %dma_wait3A_269, %dma_wait3A_270] : memref<2x26x2x128xi32, #tpu.memory_space<vmem>> -> memref<1x1x1x128xi32, #tpu.memory_space<vmem>>
    %dma_wait3A_272 = tpu.memref_squeeze %dma_wait3A_271 : memref<1x1x1x128xi32, #tpu.memory_space<vmem>> -> memref<128xi32, #tpu.memory_space<vmem>>
    %dma_wait3A_273 = arith.constant 0 : i32
    %dma_wait3A_274 = arith.constant 0 : i32
    %dma_wait3A_275 = tpu.memref_slice %arg2[%dma_wait3A_273, %dma_wait3A_274] : memref<10000x128xf32, #tpu.memory_space<hbm>> -> memref<10000x128xf32, #tpu.memory_space<hbm>>
    tpu.wait_indirect_dma semaphore(%arg10 : memref<!tpu.dma_semaphore, #tpu.memory_space<semaphore_mem>>) src(%dma_wait3A_275 : memref<10000x128xf32, #tpu.memory_space<hbm>>) dst(%arg7 : memref<128x128xf32, #tpu.memory_space<vmem>>)
    %run_scoped3A_276 = arith.constant 0 : i32
    %run_scoped3A_277 = arith.constant 25 : i32
    %run_scoped3A_278 = arith.constant 1 : i32
    "tpu.region"() ({
      %run_scoped3A_282 = tpu.sem_alloc : memref<!tpu.dma_semaphore, #tpu.memory_space<semaphore_mem>>
      %dma_start3A_283 = arith.constant 0 : i32
      %dma_start3A_284 = tpu.memref_slice %arg5[%run_scoped3A_276, %run_scoped3A_277, %run_scoped3A_278, %dma_start3A_283] : memref<2x26x2x128xi32, #tpu.memory_space<vmem>> -> memref<1x1x1x128xi32, #tpu.memory_space<vmem>>
      %dma_start3A_285 = tpu.memref_squeeze %dma_start3A_284 : memref<1x1x1x128xi32, #tpu.memory_space<vmem>> -> memref<128xi32, #tpu.memory_space<vmem>>
      %dma_start3A_286 = arith.constant 0 : i32
      %dma_start3A_287 = arith.constant 0 : i32
      %dma_start3A_288 = tpu.memref_slice %arg8[%dma_start3A_286, %dma_start3A_287] : memref<10112x128xf32, #tpu.memory_space<vmem_shared>> -> memref<10112x128xf32, #tpu.memory_space<vmem_shared>>
      tpu.enqueue_indirect_dma source(%arg7 : memref<128x128xf32, #tpu.memory_space<vmem>>) target(%dma_start3A_288 : memref<10112x128xf32, #tpu.memory_space<vmem_shared>>) offsets(%dma_start3A_285 : memref<128xi32, #tpu.memory_space<vmem>>) semaphore(%run_scoped3A_282 : memref<!tpu.dma_semaphore, #tpu.memory_space<semaphore_mem>>) {add = true}
      %dma_wait3A_289 = arith.constant 0 : i32
      %dma_wait3A_290 = tpu.memref_slice %arg5[%run_scoped3A_276, %run_scoped3A_277, %run_scoped3A_278, %dma_wait3A_289] : memref<2x26x2x128xi32, #tpu.memory_space<vmem>> -> memref<1x1x1x128xi32, #tpu.memory_space<vmem>>
      %dma_wait3A_291 = tpu.memref_squeeze %dma_wait3A_290 : memref<1x1x1x128xi32, #tpu.memory_space<vmem>> -> memref<128xi32, #tpu.memory_space<vmem>>
      %dma_wait3A_292 = arith.constant 0 : i32
      %dma_wait3A_293 = arith.constant 0 : i32
      %dma_wait3A_294 = tpu.memref_slice %arg8[%dma_wait3A_292, %dma_wait3A_293] : memref<10112x128xf32, #tpu.memory_space<vmem_shared>> -> memref<10112x128xf32, #tpu.memory_space<vmem_shared>>
      tpu.wait_indirect_dma semaphore(%run_scoped3A_282 : memref<!tpu.dma_semaphore, #tpu.memory_space<semaphore_mem>>) src(%arg7 : memref<128x128xf32, #tpu.memory_space<vmem>>) dst(%dma_wait3A_294 : memref<10112x128xf32, #tpu.memory_space<vmem_shared>>)
      tpu.yield
    }) : () -> ()
    %lt3A = arith.constant 4 : i32
    %lt3A_279 = arith.cmpi slt, %add3A, %lt3A : i32
    %convert_element_type3A = arith.extui %lt3A_279 : i1 to i32
    %cond3A = arith.constant 0 : i32
    %cond3A_280 = arith.cmpi ne, %convert_element_type3A, %cond3A : i32
    scf.if %cond3A_280 {
      %add3A_282 = arith.constant 78 : i32
      %add3A_283 = arith.addi %add3A_6, %add3A_282 : i32
      %run_scoped3A_284 = arith.constant 0 : i32
      "tpu.region"() ({
        %run_scoped3A_306 = tpu.sem_alloc : memref<!tpu.dma_semaphore, #tpu.memory_space<semaphore_mem>>
        %dma_start3A_307 = arith.constant 0 : i32
        %dma_start3A_308 = arith.constant 0 : i32
        %dma_start3A_309 = arith.constant 0 : i32
        %dma_start3A_310 = tpu.memref_slice %arg5[%run_scoped3A_284, %dma_start3A_307, %dma_start3A_308, %dma_start3A_309] : memref<2x26x2x128xi32, #tpu.memory_space<vmem>> -> memref<1x1x2x128xi32, #tpu.memory_space<vmem>>
        %dma_start3A_311 = tpu.memref_squeeze %dma_start3A_310 : memref<1x1x2x128xi32, #tpu.memory_space<vmem>> -> memref<1x2x128xi32, #tpu.memory_space<vmem>>
        %dma_start3A_312 = arith.constant 0 : i32
        %dma_start3A_313 = arith.constant 0 : i32
        %dma_start3A_314 = tpu.memref_slice %arg3[%add3A_283, %dma_start3A_312, %dma_start3A_313] : memref<2500x2x128xi32, #tpu.memory_space<hbm>> -> memref<1x2x128xi32, #tpu.memory_space<hbm>>
        %dma_start3A_315 = arith.constant 0 : i32
        %dma_start3A_316 = arith.constant 0 : i32
        %dma_start3A_317 = arith.constant 0 : i32
        %dma_start3A_318 = tpu.memref_slice %arg5[%run_scoped3A_284, %dma_start3A_315, %dma_start3A_316, %dma_start3A_317] : memref<2x26x2x128xi32, #tpu.memory_space<vmem>> -> memref<1x1x2x128xi32, #tpu.memory_space<vmem>>
        %dma_start3A_319 = tpu.memref_squeeze %dma_start3A_318 : memref<1x1x2x128xi32, #tpu.memory_space<vmem>> -> memref<1x2x128xi32, #tpu.memory_space<vmem>>
        %dma_start3A_320 = arith.constant 0 : i32
        %dma_start3A_321 = arith.constant 0 : i32
        %dma_start3A_322 = tpu.memref_slice %arg3[%add3A_283, %dma_start3A_320, %dma_start3A_321] : memref<2500x2x128xi32, #tpu.memory_space<hbm>> -> memref<1x2x128xi32, #tpu.memory_space<hbm>>
        tpu.enqueue_dma source(%dma_start3A_322 : memref<1x2x128xi32, #tpu.memory_space<hbm>>) target(%dma_start3A_319 : memref<1x2x128xi32, #tpu.memory_space<vmem>>) target_semaphore(%run_scoped3A_306 : memref<!tpu.dma_semaphore, #tpu.memory_space<semaphore_mem>>)
        %dma_wait3A_323 = arith.constant 0 : i32
        %dma_wait3A_324 = arith.constant 0 : i32
        %dma_wait3A_325 = arith.constant 0 : i32
        %dma_wait3A_326 = tpu.memref_slice %arg5[%run_scoped3A_284, %dma_wait3A_323, %dma_wait3A_324, %dma_wait3A_325] : memref<2x26x2x128xi32, #tpu.memory_space<vmem>> -> memref<1x1x2x128xi32, #tpu.memory_space<vmem>>
        %dma_wait3A_327 = tpu.memref_squeeze %dma_wait3A_326 : memref<1x1x2x128xi32, #tpu.memory_space<vmem>> -> memref<1x2x128xi32, #tpu.memory_space<vmem>>
        %dma_wait3A_328 = arith.constant 0 : i32
        %dma_wait3A_329 = arith.constant 0 : i32
        %dma_wait3A_330 = tpu.memref_slice %arg3[%add3A_283, %dma_wait3A_328, %dma_wait3A_329] : memref<2500x2x128xi32, #tpu.memory_space<hbm>> -> memref<1x2x128xi32, #tpu.memory_space<hbm>>
        %dma_wait3A_331 = arith.constant 0 : i32
        %dma_wait3A_332 = arith.constant 0 : i32
        %dma_wait3A_333 = arith.constant 0 : i32
        %dma_wait3A_334 = tpu.memref_slice %arg5[%run_scoped3A_284, %dma_wait3A_331, %dma_wait3A_332, %dma_wait3A_333] : memref<2x26x2x128xi32, #tpu.memory_space<vmem>> -> memref<1x1x2x128xi32, #tpu.memory_space<vmem>>
        %dma_wait3A_335 = tpu.memref_squeeze %dma_wait3A_334 : memref<1x1x2x128xi32, #tpu.memory_space<vmem>> -> memref<1x2x128xi32, #tpu.memory_space<vmem>>
        %dma_wait3A_336 = arith.constant 0 : i32
        %dma_wait3A_337 = arith.constant 0 : i32
        %dma_wait3A_338 = tpu.memref_slice %arg3[%add3A_283, %dma_wait3A_336, %dma_wait3A_337] : memref<2500x2x128xi32, #tpu.memory_space<hbm>> -> memref<1x2x128xi32, #tpu.memory_space<hbm>>
        tpu.wait_dma2 semaphore(%run_scoped3A_306 : memref<!tpu.dma_semaphore, #tpu.memory_space<semaphore_mem>>) src(%dma_wait3A_338 : memref<1x2x128xi32, #tpu.memory_space<hbm>>) dst(%dma_wait3A_335 : memref<1x2x128xi32, #tpu.memory_space<vmem>>)
        tpu.yield
      }) : () -> ()
      %dma_start3A_285 = arith.constant 0 : i32
      %dma_start3A_286 = arith.constant 0 : i32
      %dma_start3A_287 = arith.constant 0 : i32
      %dma_start3A_288 = arith.constant 0 : i32
      %dma_start3A_289 = tpu.memref_slice %arg5[%dma_start3A_285, %dma_start3A_286, %dma_start3A_287, %dma_start3A_288] : memref<2x26x2x128xi32, #tpu.memory_space<vmem>> -> memref<1x1x1x128xi32, #tpu.memory_space<vmem>>
      %dma_start3A_290 = tpu.memref_squeeze %dma_start3A_289 : memref<1x1x1x128xi32, #tpu.memory_space<vmem>> -> memref<128xi32, #tpu.memory_space<vmem>>
      %dma_start3A_291 = arith.constant 0 : i32
      %dma_start3A_292 = arith.constant 0 : i32
      %dma_start3A_293 = tpu.memref_slice %arg2[%dma_start3A_291, %dma_start3A_292] : memref<10000x128xf32, #tpu.memory_space<hbm>> -> memref<10000x128xf32, #tpu.memory_space<hbm>>
      tpu.enqueue_indirect_dma source(%dma_start3A_293 : memref<10000x128xf32, #tpu.memory_space<hbm>>) target(%arg6 : memref<128x128xf32, #tpu.memory_space<vmem>>) offsets(%dma_start3A_290 : memref<128xi32, #tpu.memory_space<vmem>>) semaphore(%arg9 : memref<!tpu.dma_semaphore, #tpu.memory_space<semaphore_mem>>)
      %dma_wait3A_294 = arith.constant 0 : i32
      %dma_wait3A_295 = arith.constant 0 : i32
      %dma_wait3A_296 = arith.constant 0 : i32
      %dma_wait3A_297 = arith.constant 0 : i32
      %dma_wait3A_298 = tpu.memref_slice %arg5[%dma_wait3A_294, %dma_wait3A_295, %dma_wait3A_296, %dma_wait3A_297] : memref<2x26x2x128xi32, #tpu.memory_space<vmem>> -> memref<1x1x1x128xi32, #tpu.memory_space<vmem>>
      %dma_wait3A_299 = tpu.memref_squeeze %dma_wait3A_298 : memref<1x1x1x128xi32, #tpu.memory_space<vmem>> -> memref<128xi32, #tpu.memory_space<vmem>>
      %dma_wait3A_300 = arith.constant 0 : i32
      %dma_wait3A_301 = arith.constant 0 : i32
      %dma_wait3A_302 = tpu.memref_slice %arg2[%dma_wait3A_300, %dma_wait3A_301] : memref<10000x128xf32, #tpu.memory_space<hbm>> -> memref<10000x128xf32, #tpu.memory_space<hbm>>
      tpu.wait_indirect_dma semaphore(%arg9 : memref<!tpu.dma_semaphore, #tpu.memory_space<semaphore_mem>>) src(%dma_wait3A_302 : memref<10000x128xf32, #tpu.memory_space<hbm>>) dst(%arg6 : memref<128x128xf32, #tpu.memory_space<vmem>>)
      %run_scoped3A_303 = arith.constant 0 : i32
      %run_scoped3A_304 = arith.constant 0 : i32
      %run_scoped3A_305 = arith.constant 1 : i32
      "tpu.region"() ({
        %run_scoped3A_306 = tpu.sem_alloc : memref<!tpu.dma_semaphore, #tpu.memory_space<semaphore_mem>>
        %dma_start3A_307 = arith.constant 0 : i32
        %dma_start3A_308 = tpu.memref_slice %arg5[%run_scoped3A_303, %run_scoped3A_304, %run_scoped3A_305, %dma_start3A_307] : memref<2x26x2x128xi32, #tpu.memory_space<vmem>> -> memref<1x1x1x128xi32, #tpu.memory_space<vmem>>
        %dma_start3A_309 = tpu.memref_squeeze %dma_start3A_308 : memref<1x1x1x128xi32, #tpu.memory_space<vmem>> -> memref<128xi32, #tpu.memory_space<vmem>>
        %dma_start3A_310 = arith.constant 0 : i32
        %dma_start3A_311 = arith.constant 0 : i32
        %dma_start3A_312 = tpu.memref_slice %arg8[%dma_start3A_310, %dma_start3A_311] : memref<10112x128xf32, #tpu.memory_space<vmem_shared>> -> memref<10112x128xf32, #tpu.memory_space<vmem_shared>>
        tpu.enqueue_indirect_dma source(%arg6 : memref<128x128xf32, #tpu.memory_space<vmem>>) target(%dma_start3A_312 : memref<10112x128xf32, #tpu.memory_space<vmem_shared>>) offsets(%dma_start3A_309 : memref<128xi32, #tpu.memory_space<vmem>>) semaphore(%run_scoped3A_306 : memref<!tpu.dma_semaphore, #tpu.memory_space<semaphore_mem>>) {add = true}
        %dma_wait3A_313 = arith.constant 0 : i32
        %dma_wait3A_314 = tpu.memref_slice %arg5[%run_scoped3A_303, %run_scoped3A_304, %run_scoped3A_305, %dma_wait3A_313] : memref<2x26x2x128xi32, #tpu.memory_space<vmem>> -> memref<1x1x1x128xi32, #tpu.memory_space<vmem>>
        %dma_wait3A_315 = tpu.memref_squeeze %dma_wait3A_314 : memref<1x1x1x128xi32, #tpu.memory_space<vmem>> -> memref<128xi32, #tpu.memory_space<vmem>>
        %dma_wait3A_316 = arith.constant 0 : i32
        %dma_wait3A_317 = arith.constant 0 : i32
        %dma_wait3A_318 = tpu.memref_slice %arg8[%dma_wait3A_316, %dma_wait3A_317] : memref<10112x128xf32, #tpu.memory_space<vmem_shared>> -> memref<10112x128xf32, #tpu.memory_space<vmem_shared>>
        tpu.wait_indirect_dma semaphore(%run_scoped3A_306 : memref<!tpu.dma_semaphore, #tpu.memory_space<semaphore_mem>>) src(%arg6 : memref<128x128xf32, #tpu.memory_space<vmem>>) dst(%dma_wait3A_318 : memref<10112x128xf32, #tpu.memory_space<vmem_shared>>)
        tpu.yield
      }) : () -> ()
    } else {
    }
    %barrier3A_281 = arith.constant 0 : index
    tpu.barrier barrier_id(%barrier3A_281)
    "tpu.region"() ({
      %run_scoped3A_282 = tpu.sem_alloc : memref<!tpu.dma_semaphore, #tpu.memory_space<semaphore_mem>>
      %dma_start3A_283 = arith.constant 0 : i32
      %dma_start3A_284 = tpu.memref_slice %arg4[%arg0, %mul3A_0, %dma_start3A_283] : memref<2x10112x128xf32, #tpu.memory_space<hbm>> -> memref<1x632x128xf32, #tpu.memory_space<hbm>>
      %dma_start3A_285 = tpu.memref_squeeze %dma_start3A_284 : memref<1x632x128xf32, #tpu.memory_space<hbm>> -> memref<632x128xf32, #tpu.memory_space<hbm>>
      %dma_start3A_286 = arith.constant 0 : i32
      %dma_start3A_287 = tpu.memref_slice %arg8[%mul3A_0, %dma_start3A_286] : memref<10112x128xf32, #tpu.memory_space<vmem_shared>> -> memref<632x128xf32, #tpu.memory_space<vmem_shared>>
      tpu.enqueue_dma source(%dma_start3A_287 : memref<632x128xf32, #tpu.memory_space<vmem_shared>>) target(%dma_start3A_285 : memref<632x128xf32, #tpu.memory_space<hbm>>) target_semaphore(%run_scoped3A_282 : memref<!tpu.dma_semaphore, #tpu.memory_space<semaphore_mem>>)
      %dma_wait3A_288 = arith.constant 0 : i32
      %dma_wait3A_289 = tpu.memref_slice %arg4[%arg0, %mul3A_0, %dma_wait3A_288] : memref<2x10112x128xf32, #tpu.memory_space<hbm>> -> memref<1x632x128xf32, #tpu.memory_space<hbm>>
      %dma_wait3A_290 = tpu.memref_squeeze %dma_wait3A_289 : memref<1x632x128xf32, #tpu.memory_space<hbm>> -> memref<632x128xf32, #tpu.memory_space<hbm>>
      %dma_wait3A_291 = arith.constant 0 : i32
      %dma_wait3A_292 = tpu.memref_slice %arg8[%mul3A_0, %dma_wait3A_291] : memref<10112x128xf32, #tpu.memory_space<vmem_shared>> -> memref<632x128xf32, #tpu.memory_space<vmem_shared>>
      tpu.wait_dma2 semaphore(%run_scoped3A_282 : memref<!tpu.dma_semaphore, #tpu.memory_space<semaphore_mem>>) src(%dma_wait3A_292 : memref<632x128xf32, #tpu.memory_space<vmem_shared>>) dst(%dma_wait3A_290 : memref<632x128xf32, #tpu.memory_space<hbm>>)
      tpu.yield
    }) : () -> ()
    return
  }
}

module attributes {stable_mosaic.version = 14 : i64} {
  func.func @_tc_layer1_body(%arg0: i32, %arg1: memref<2000x128xf32, #tpu.memory_space<vmem>>, %arg2: memref<2x2000x128xf32, #tpu.memory_space<vmem>>, %arg3: memref<128x128xf32, #tpu.memory_space<vmem>>, %arg4: memref<128x128xf32, #tpu.memory_space<vmem>>, %arg5: memref<1x128xf32, #tpu.memory_space<vmem>>, %arg6: memref<2000x128xf32, #tpu.memory_space<vmem>>) attributes {dimension_semantics = [#tpu.dimension_semantics<arbitrary>], iteration_bounds = array<i64: 5>, scalar_prefetch = 0 : i64, scratch_operands = 0 : i64, tpu.core_type = #tpu.core_type<tc>, window_params = [{transform_indices = @transform_0, window_bounds = array<i64: 2000, 128>}, {transform_indices = @transform_1, window_bounds = array<i64: 2, 2000, 128>}, {pipeline_mode = #tpu.pipeline_mode<synchronous>, transform_indices = @transform_2, window_bounds = array<i64: 128, 128>}, {pipeline_mode = #tpu.pipeline_mode<synchronous>, transform_indices = @transform_3, window_bounds = array<i64: 128, 128>}, {pipeline_mode = #tpu.pipeline_mode<synchronous>, transform_indices = @transform_4, window_bounds = array<i64: 1, 128>}, {transform_indices = @transform_5, window_bounds = array<i64: 2000, 128>}]} {
    %get3A = arith.constant 0 : index
    %get3A_0 = arith.constant 0 : index
    %get3A_1 = vector.load %arg1[%get3A, %get3A_0] : memref<2000x128xf32, #tpu.memory_space<vmem>>, vector<2000x128xf32>
    %mul3A = arith.constant 0.999994993 : f32
    %mul3A_2 = vector.broadcast %mul3A : f32 to vector<2000x128xf32>
    %mul3A_3 = arith.mulf %get3A_1, %mul3A_2 : vector<2000x128xf32>
    %get3A_4 = arith.constant 0 : index
    %get3A_5 = arith.constant 0 : index
    %get3A_6 = arith.constant 0 : index
    %get3A_7 = vector.load %arg2[%get3A_4, %get3A_5, %get3A_6] : memref<2x2000x128xf32, #tpu.memory_space<vmem>>, vector<1x2000x128xf32>
    %get3A_8 = vector.shape_cast %get3A_7 : vector<1x2000x128xf32> to vector<2000x128xf32>
    %get3A_9 = arith.constant 1 : index
    %get3A_10 = arith.constant 0 : index
    %get3A_11 = arith.constant 0 : index
    %get3A_12 = vector.load %arg2[%get3A_9, %get3A_10, %get3A_11] : memref<2x2000x128xf32, #tpu.memory_space<vmem>>, vector<1x2000x128xf32>
    %get3A_13 = vector.shape_cast %get3A_12 : vector<1x2000x128xf32> to vector<2000x128xf32>
    %add3A = arith.addf %get3A_8, %get3A_13 : vector<2000x128xf32>
    %mul3A_14 = arith.constant 0.999994993 : f32
    %mul3A_15 = vector.broadcast %mul3A_14 : f32 to vector<2000x128xf32>
    %mul3A_16 = arith.mulf %add3A, %mul3A_15 : vector<2000x128xf32>
    %get3A_17 = arith.constant 0 : index
    %get3A_18 = arith.constant 0 : index
    %get3A_19 = vector.load %arg3[%get3A_17, %get3A_18] : memref<128x128xf32, #tpu.memory_space<vmem>>, vector<128x128xf32>
    %dot_general3A = arith.constant dense<0.000000e+00> : vector<2000x128xf32>
    %dot_general3A_20 = tpu.matmul %mul3A_3, %get3A_19, %dot_general3A {dimension_numbers = #tpu.dot_dimension_numbers<[1], [0], [0], [1], [0, 0, 1, 1], [], []>, transpose_lhs_hint = false} : vector<2000x128xf32>, vector<128x128xf32>, vector<2000x128xf32> -> vector<2000x128xf32>
    %get3A_21 = arith.constant 0 : index
    %get3A_22 = arith.constant 0 : index
    %get3A_23 = vector.load %arg4[%get3A_21, %get3A_22] : memref<128x128xf32, #tpu.memory_space<vmem>>, vector<128x128xf32>
    %dot_general3A_24 = arith.constant dense<0.000000e+00> : vector<2000x128xf32>
    %dot_general3A_25 = tpu.matmul %mul3A_16, %get3A_23, %dot_general3A_24 {dimension_numbers = #tpu.dot_dimension_numbers<[1], [0], [0], [1], [0, 0, 1, 1], [], []>, transpose_lhs_hint = false} : vector<2000x128xf32>, vector<128x128xf32>, vector<2000x128xf32> -> vector<2000x128xf32>
    %add3A_26 = arith.addf %dot_general3A_20, %dot_general3A_25 : vector<2000x128xf32>
    %get3A_27 = arith.constant 0 : index
    %get3A_28 = arith.constant 0 : index
    %get3A_29 = vector.load %arg5[%get3A_27, %get3A_28] : memref<1x128xf32, #tpu.memory_space<vmem>>, vector<1x128xf32>
    %add3A_30 = vector.broadcast %get3A_29 : vector<1x128xf32> to vector<2000x128xf32>
    %add3A_31 = arith.addf %add3A_26, %add3A_30 : vector<2000x128xf32>
    %eq3A = arith.constant 0.000000e+00 : f32
    %eq3A_32 = vector.broadcast %eq3A : f32 to vector<2000x128xf32>
    %eq3A_33 = arith.cmpf oeq, %add3A_31, %eq3A_32 : vector<2000x128xf32>
    %jit3A = arith.constant 1.000000e-18 : f32
    %broadcast_in_dim3A = vector.broadcast %jit3A : f32 to vector<2000x128xf32>
    %select_n3A = arith.select %eq3A_33, %broadcast_in_dim3A, %add3A_31 : vector<2000x128xi1>, vector<2000x128xf32>
    %swap3A = arith.constant 0 : index
    %swap3A_34 = arith.constant 0 : index
    %swap3A_35 = vector.load %arg6[%swap3A, %swap3A_34] : memref<2000x128xf32, #tpu.memory_space<vmem>>, vector<2000x128xf32>
    tpu.vector_store %arg6[%swap3A, %swap3A_34], %select_n3A {strides = array<i32>} : memref<2000x128xf32, #tpu.memory_space<vmem>>, vector<2000x128xf32>,
    return
  }
  func.func @transform_0(%arg0: i32) -> (i32, i32) {
    %c0_i32 = arith.constant 0 : i32
    %c0_i32_0 = arith.constant 0 : i32
    return %arg0, %c0_i32 : i32, i32
  }
  func.func @transform_1(%arg0: i32) -> (i32, i32, i32) {
    %c0_i32 = arith.constant 0 : i32
    %c0_i32_0 = arith.constant 0 : i32
    %c0_i32_1 = arith.constant 0 : i32
    return %c0_i32, %arg0, %c0_i32_0 : i32, i32, i32
  }
  func.func @transform_2(%arg0: i32) -> (i32, i32) {
    %c0_i32 = arith.constant 0 : i32
    %c0_i32_0 = arith.constant 0 : i32
    %c0_i32_1 = arith.constant 0 : i32
    return %c0_i32, %c0_i32_0 : i32, i32
  }
  func.func @transform_3(%arg0: i32) -> (i32, i32) {
    %c0_i32 = arith.constant 0 : i32
    %c0_i32_0 = arith.constant 0 : i32
    %c0_i32_1 = arith.constant 0 : i32
    return %c0_i32, %c0_i32_0 : i32, i32
  }
  func.func @transform_4(%arg0: i32) -> (i32, i32) {
    %c0_i32 = arith.constant 0 : i32
    %c0_i32_0 = arith.constant 0 : i32
    %c0_i32_1 = arith.constant 0 : i32
    return %c0_i32, %c0_i32_0 : i32, i32
  }
  func.func @transform_5(%arg0: i32) -> (i32, i32) {
    %c0_i32 = arith.constant 0 : i32
    %c0_i32_0 = arith.constant 0 : i32
    return %arg0, %c0_i32 : i32, i32
  }
}

module attributes {stable_mosaic.version = 14 : i64} {
  func.func @_tc_layer2_body(%arg0: i32, %arg1: memref<2000x128xf32, #tpu.memory_space<vmem>>, %arg2: memref<2x2000x128xf32, #tpu.memory_space<vmem>>, %arg3: memref<128x128xf32, #tpu.memory_space<vmem>>, %arg4: memref<128x128xf32, #tpu.memory_space<vmem>>, %arg5: memref<1x128xf32, #tpu.memory_space<vmem>>, %arg6: memref<1x1x2000xi32, #tpu.memory_space<vmem>>, %arg7: memref<128x64xf32, #tpu.memory_space<vmem>>, %arg8: memref<1x64xf32, #tpu.memory_space<vmem>>, %arg9: memref<64x128xf32, #tpu.memory_space<vmem>>, %arg10: memref<1x128xf32, #tpu.memory_space<vmem>>, %arg11: memref<64x1xi32, #tpu.memory_space<vmem>>, %arg12: memref<2000x128xf32, #tpu.memory_space<vmem>>, %arg13: memref<64x128xf32, #tpu.memory_space<vmem>>, %arg14: memref<1x1xi32, #tpu.memory_space<smem>>) attributes {dimension_semantics = [#tpu.dimension_semantics<arbitrary>], iteration_bounds = array<i64: 5>, scalar_prefetch = 0 : i64, scratch_operands = 0 : i64, tpu.core_type = #tpu.core_type<tc>, window_params = [{transform_indices = @transform_0, window_bounds = array<i64: 2000, 128>}, {transform_indices = @transform_1, window_bounds = array<i64: 2, 2000, 128>}, {pipeline_mode = #tpu.pipeline_mode<synchronous>, transform_indices = @transform_2, window_bounds = array<i64: 128, 128>}, {pipeline_mode = #tpu.pipeline_mode<synchronous>, transform_indices = @transform_3, window_bounds = array<i64: 128, 128>}, {pipeline_mode = #tpu.pipeline_mode<synchronous>, transform_indices = @transform_4, window_bounds = array<i64: 1, 128>}, {transform_indices = @transform_5, window_bounds = array<i64: 1, 1, 2000>}, {pipeline_mode = #tpu.pipeline_mode<synchronous>, transform_indices = @transform_6, window_bounds = array<i64: 128, 64>}, {pipeline_mode = #tpu.pipeline_mode<synchronous>, transform_indices = @transform_7, window_bounds = array<i64: 1, 64>}, {pipeline_mode = #tpu.pipeline_mode<synchronous>, transform_indices = @transform_8, window_bounds = array<i64: 64, 128>}, {pipeline_mode = #tpu.pipeline_mode<synchronous>, transform_indices = @transform_9, window_bounds = array<i64: 1, 128>}, {pipeline_mode = #tpu.pipeline_mode<synchronous>, transform_indices = @transform_10, window_bounds = array<i64: 64, 1>}, {transform_indices = @transform_11, window_bounds = array<i64: 2000, 128>}, {pipeline_mode = #tpu.pipeline_mode<synchronous>, transform_indices = @transform_12, window_bounds = array<i64: 64, 128>}, {transform_indices = @transform_13, window_bounds = array<i64: 1, 1>}]} {
    %get3A = arith.constant 0 : index
    %get3A_0 = arith.constant 0 : index
    %get3A_1 = vector.load %arg1[%get3A, %get3A_0] : memref<2000x128xf32, #tpu.memory_space<vmem>>, vector<2000x128xf32>
    %mul3A = arith.constant 0.999994993 : f32
    %mul3A_2 = vector.broadcast %mul3A : f32 to vector<2000x128xf32>
    %mul3A_3 = arith.mulf %get3A_1, %mul3A_2 : vector<2000x128xf32>
    %get3A_4 = arith.constant 0 : index
    %get3A_5 = arith.constant 0 : index
    %get3A_6 = arith.constant 0 : index
    %get3A_7 = vector.load %arg2[%get3A_4, %get3A_5, %get3A_6] : memref<2x2000x128xf32, #tpu.memory_space<vmem>>, vector<1x2000x128xf32>
    %get3A_8 = vector.shape_cast %get3A_7 : vector<1x2000x128xf32> to vector<2000x128xf32>
    %get3A_9 = arith.constant 1 : index
    %get3A_10 = arith.constant 0 : index
    %get3A_11 = arith.constant 0 : index
    %get3A_12 = vector.load %arg2[%get3A_9, %get3A_10, %get3A_11] : memref<2x2000x128xf32, #tpu.memory_space<vmem>>, vector<1x2000x128xf32>
    %get3A_13 = vector.shape_cast %get3A_12 : vector<1x2000x128xf32> to vector<2000x128xf32>
    %add3A = arith.addf %get3A_8, %get3A_13 : vector<2000x128xf32>
    %mul3A_14 = arith.constant 0.999994993 : f32
    %mul3A_15 = vector.broadcast %mul3A_14 : f32 to vector<2000x128xf32>
    %mul3A_16 = arith.mulf %add3A, %mul3A_15 : vector<2000x128xf32>
    %get3A_17 = arith.constant 0 : index
    %get3A_18 = arith.constant 0 : index
    %get3A_19 = vector.load %arg3[%get3A_17, %get3A_18] : memref<128x128xf32, #tpu.memory_space<vmem>>, vector<128x128xf32>
    %dot_general3A = arith.constant dense<0.000000e+00> : vector<2000x128xf32>
    %dot_general3A_20 = tpu.matmul %mul3A_3, %get3A_19, %dot_general3A {dimension_numbers = #tpu.dot_dimension_numbers<[1], [0], [0], [1], [0, 0, 1, 1], [], []>, transpose_lhs_hint = false} : vector<2000x128xf32>, vector<128x128xf32>, vector<2000x128xf32> -> vector<2000x128xf32>
    %get3A_21 = arith.constant 0 : index
    %get3A_22 = arith.constant 0 : index
    %get3A_23 = vector.load %arg4[%get3A_21, %get3A_22] : memref<128x128xf32, #tpu.memory_space<vmem>>, vector<128x128xf32>
    %dot_general3A_24 = arith.constant dense<0.000000e+00> : vector<2000x128xf32>
    %dot_general3A_25 = tpu.matmul %mul3A_16, %get3A_23, %dot_general3A_24 {dimension_numbers = #tpu.dot_dimension_numbers<[1], [0], [0], [1], [0, 0, 1, 1], [], []>, transpose_lhs_hint = false} : vector<2000x128xf32>, vector<128x128xf32>, vector<2000x128xf32> -> vector<2000x128xf32>
    %add3A_26 = arith.addf %dot_general3A_20, %dot_general3A_25 : vector<2000x128xf32>
    %get3A_27 = arith.constant 0 : index
    %get3A_28 = arith.constant 0 : index
    %get3A_29 = vector.load %arg5[%get3A_27, %get3A_28] : memref<1x128xf32, #tpu.memory_space<vmem>>, vector<1x128xf32>
    %add3A_30 = vector.broadcast %get3A_29 : vector<1x128xf32> to vector<2000x128xf32>
    %add3A_31 = arith.addf %add3A_26, %add3A_30 : vector<2000x128xf32>
    %eq3A = arith.constant 0.000000e+00 : f32
    %eq3A_32 = vector.broadcast %eq3A : f32 to vector<2000x128xf32>
    %eq3A_33 = arith.cmpf oeq, %add3A_31, %eq3A_32 : vector<2000x128xf32>
    %jit3A = arith.constant 1.000000e-18 : f32
    %broadcast_in_dim3A = vector.broadcast %jit3A : f32 to vector<2000x128xf32>
    %select_n3A = arith.select %eq3A_33, %broadcast_in_dim3A, %add3A_31 : vector<2000x128xi1>, vector<2000x128xf32>
    %swap3A = arith.constant 0 : index
    %swap3A_34 = arith.constant 0 : index
    %swap3A_35 = vector.load %arg12[%swap3A, %swap3A_34] : memref<2000x128xf32, #tpu.memory_space<vmem>>, vector<2000x128xf32>
    tpu.vector_store %arg12[%swap3A, %swap3A_34], %select_n3A {strides = array<i32>} : memref<2000x128xf32, #tpu.memory_space<vmem>>, vector<2000x128xf32>,
    %get3A_36 = arith.constant 0 : index
    %get3A_37 = arith.constant 0 : index
    %get3A_38 = arith.constant 0 : index
    %get3A_39 = vector.load %arg6[%get3A_36, %get3A_37, %get3A_38] : memref<1x1x2000xi32, #tpu.memory_space<vmem>>, vector<1x1x2000xi32>
    %get3A_40 = vector.shape_cast %get3A_39 : vector<1x1x2000xi32> to vector<1x2000xi32>
    %iota3A = tpu.iota {dimensions = array<i32: 0>} : vector<64x2000xi32>
    %eq3A_41 = vector.broadcast %get3A_40 : vector<1x2000xi32> to vector<64x2000xi32>
    %eq3A_42 = arith.cmpi eq, %iota3A, %eq3A_41 : vector<64x2000xi32>
    %convert_element_type3A = arith.extui %eq3A_42 : vector<64x2000xi1> to vector<64x2000xi32>
    %convert_element_type3A_43 = arith.sitofp %convert_element_type3A : vector<64x2000xi32> to vector<64x2000xf32>
    %dot_general3A_44 = arith.constant dense<0.000000e+00> : vector<64x128xf32>
    %dot_general3A_45 = tpu.matmul %convert_element_type3A_43, %select_n3A, %dot_general3A_44 {dimension_numbers = #tpu.dot_dimension_numbers<[1], [0], [0], [1], [0, 0, 1, 1], [], []>, transpose_lhs_hint = false} : vector<64x2000xf32>, vector<2000x128xf32>, vector<64x128xf32> -> vector<64x128xf32>
    %eq3A_46 = arith.constant 0 : i32
    %eq3A_47 = arith.cmpi eq, %arg0, %eq3A_46 : i32
    %convert_element_type3A_48 = arith.extui %eq3A_47 : i1 to i32
    %cond3A = arith.constant 0 : i32
    %cond3A_49 = arith.cmpi ne, %convert_element_type3A_48, %cond3A : i32
    scf.if %cond3A_49 {
      %broadcast_in_dim3A_62 = arith.constant 0.000000e+00 : f32
      %broadcast_in_dim3A_63 = vector.broadcast %broadcast_in_dim3A_62 : f32 to vector<64x128xf32>
      %swap3A_64 = arith.constant 0 : index
      %swap3A_65 = arith.constant 0 : index
      %swap3A_66 = vector.load %arg13[%swap3A_64, %swap3A_65] : memref<64x128xf32, #tpu.memory_space<vmem>>, vector<64x128xf32>
      tpu.vector_store %arg13[%swap3A_64, %swap3A_65], %broadcast_in_dim3A_63 {strides = array<i32>} : memref<64x128xf32, #tpu.memory_space<vmem>>, vector<64x128xf32>,
    } else {
    }
    %get3A_50 = arith.constant 0 : index
    %get3A_51 = arith.constant 0 : index
    %get3A_52 = vector.load %arg13[%get3A_50, %get3A_51] : memref<64x128xf32, #tpu.memory_space<vmem>>, vector<64x128xf32>
    %add3A_53 = arith.addf %get3A_52, %dot_general3A_45 : vector<64x128xf32>
    %swap3A_54 = arith.constant 0 : index
    %swap3A_55 = arith.constant 0 : index
    %swap3A_56 = vector.load %arg13[%swap3A_54, %swap3A_55] : memref<64x128xf32, #tpu.memory_space<vmem>>, vector<64x128xf32>
    tpu.vector_store %arg13[%swap3A_54, %swap3A_55], %add3A_53 {strides = array<i32>} : memref<64x128xf32, #tpu.memory_space<vmem>>, vector<64x128xf32>,
    %eq3A_57 = arith.constant 4 : i32
    %eq3A_58 = arith.cmpi eq, %arg0, %eq3A_57 : i32
    %convert_element_type3A_59 = arith.extui %eq3A_58 : i1 to i32
    %cond3A_60 = arith.constant 0 : i32
    %cond3A_61 = arith.cmpi ne, %convert_element_type3A_59, %cond3A_60 : i32
    scf.if %cond3A_61 {
      %get3A_62 = arith.constant 0 : index
      %get3A_63 = arith.constant 0 : index
      %get3A_64 = vector.load %arg13[%get3A_62, %get3A_63] : memref<64x128xf32, #tpu.memory_space<vmem>>, vector<64x128xf32>
      %mul3A_65 = arith.constant 0.999994993 : f32
      %mul3A_66 = vector.broadcast %mul3A_65 : f32 to vector<64x128xf32>
      %mul3A_67 = arith.mulf %get3A_64, %mul3A_66 : vector<64x128xf32>
      %get3A_68 = arith.constant 0 : index
      %get3A_69 = arith.constant 0 : index
      %get3A_70 = vector.load %arg7[%get3A_68, %get3A_69] : memref<128x64xf32, #tpu.memory_space<vmem>>, vector<128x64xf32>
      %dot_general3A_71 = arith.constant dense<0.000000e+00> : vector<64x64xf32>
      %dot_general3A_72 = tpu.matmul %mul3A_67, %get3A_70, %dot_general3A_71 {dimension_numbers = #tpu.dot_dimension_numbers<[1], [0], [0], [1], [0, 0, 1, 1], [], []>, transpose_lhs_hint = false} : vector<64x128xf32>, vector<128x64xf32>, vector<64x64xf32> -> vector<64x64xf32>
      %get3A_73 = arith.constant 0 : index
      %get3A_74 = arith.constant 0 : index
      %get3A_75 = vector.load %arg8[%get3A_73, %get3A_74] : memref<1x64xf32, #tpu.memory_space<vmem>>, vector<1x64xf32>
      %add3A_76 = vector.broadcast %get3A_75 : vector<1x64xf32> to vector<64x64xf32>
      %add3A_77 = arith.addf %dot_general3A_72, %add3A_76 : vector<64x64xf32>
      %mul3A_78 = arith.constant 0.999994993 : f32
      %mul3A_79 = vector.broadcast %mul3A_78 : f32 to vector<64x64xf32>
      %mul3A_80 = arith.mulf %add3A_77, %mul3A_79 : vector<64x64xf32>
      %max3A = arith.constant 0.000000e+00 : f32
      %max3A_81 = vector.broadcast %max3A : f32 to vector<64x64xf32>
      %max3A_82 = arith.maximumf %mul3A_80, %max3A_81 : vector<64x64xf32>
      %get3A_83 = arith.constant 0 : index
      %get3A_84 = arith.constant 0 : index
      %get3A_85 = vector.load %arg9[%get3A_83, %get3A_84] : memref<64x128xf32, #tpu.memory_space<vmem>>, vector<64x128xf32>
      %dot_general3A_86 = arith.constant dense<0.000000e+00> : vector<64x128xf32>
      %dot_general3A_87 = tpu.matmul %max3A_82, %get3A_85, %dot_general3A_86 {dimension_numbers = #tpu.dot_dimension_numbers<[1], [0], [0], [1], [0, 0, 1, 1], [], []>, transpose_lhs_hint = false} : vector<64x64xf32>, vector<64x128xf32>, vector<64x128xf32> -> vector<64x128xf32>
      %get3A_88 = arith.constant 0 : index
      %get3A_89 = arith.constant 0 : index
      %get3A_90 = vector.load %arg10[%get3A_88, %get3A_89] : memref<1x128xf32, #tpu.memory_space<vmem>>, vector<1x128xf32>
      %add3A_91 = vector.broadcast %get3A_90 : vector<1x128xf32> to vector<64x128xf32>
      %add3A_92 = arith.addf %dot_general3A_87, %add3A_91 : vector<64x128xf32>
      %reduce_max3A = arith.constant dense<0xFF800000> : vector<64xf32>
      %reduce_max3A_93 = vector.multi_reduction <maximumf>, %add3A_92, %reduce_max3A [1] : vector<64x128xf32> to vector<64xf32>
      %broadcast_in_dim3A_94 = vector.shape_cast %reduce_max3A_93 : vector<64xf32> to vector<64x1xf32>
      %iota3A_95 = tpu.iota {dimensions = array<i32: 1>} : vector<64x128xi32>
      %eq3A_96 = vector.broadcast %broadcast_in_dim3A_94 : vector<64x1xf32> to vector<64x128xf32>
      %eq3A_97 = arith.cmpf oeq, %add3A_92, %eq3A_96 : vector<64x128xf32>
      %jit3A_98 = arith.constant 128 : i32
      %broadcast_in_dim3A_99 = vector.broadcast %jit3A_98 : i32 to vector<64x128xi32>
      %select_n3A_100 = arith.select %eq3A_97, %iota3A_95, %broadcast_in_dim3A_99 : vector<64x128xi1>, vector<64x128xi32>
      %reduce_min3A = arith.constant dense<2147483647> : vector<64xi32>
      %reduce_min3A_101 = vector.multi_reduction <minsi>, %select_n3A_100, %reduce_min3A [1] : vector<64x128xi32> to vector<64xi32>
      %broadcast_in_dim3A_102 = vector.shape_cast %reduce_min3A_101 : vector<64xi32> to vector<64x1xi32>
      %get3A_103 = arith.constant 0 : index
      %get3A_104 = arith.constant 0 : index
      %get3A_105 = vector.load %arg11[%get3A_103, %get3A_104] : memref<64x1xi32, #tpu.memory_space<vmem>>, vector<64x1xi32>
      %eq3A_106 = arith.cmpi eq, %broadcast_in_dim3A_102, %get3A_105 : vector<64x1xi32>
      %convert_element_type3A_107 = arith.extui %eq3A_106 : vector<64x1xi1> to vector<64x1xi32>
      %reduce_sum3A = vector.shape_cast %convert_element_type3A_107 : vector<64x1xi32> to vector<1x64x1xi32>
      %reduce_sum3A_108 = arith.constant dense<0> : vector<1xi32>
      %reduce_sum3A_109 = vector.multi_reduction <add>, %reduce_sum3A, %reduce_sum3A_108 [1, 2] : vector<1x64x1xi32> to vector<1xi32>
      %reduce_sum3A_110 = vector.shape_cast %reduce_sum3A_109 : vector<1xi32> to vector<1x1x1xi32>
      %reduce_sum3A_111 = vector.extract %reduce_sum3A_110[0, 0, 0] : i32 from vector<1x1x1xi32>
      %swap3A_112 = arith.constant 0 : index
      %swap3A_113 = arith.constant 0 : index
      %swap3A_114 = memref.load %arg14[%swap3A_112, %swap3A_113] : memref<1x1xi32, #tpu.memory_space<smem>>
      memref.store %reduce_sum3A_111, %arg14[%swap3A_112, %swap3A_113] : memref<1x1xi32, #tpu.memory_space<smem>>
    } else {
    }
    return
  }
  func.func @transform_0(%arg0: i32) -> (i32, i32) {
    %c0_i32 = arith.constant 0 : i32
    %c0_i32_0 = arith.constant 0 : i32
    return %arg0, %c0_i32 : i32, i32
  }
  func.func @transform_1(%arg0: i32) -> (i32, i32, i32) {
    %c0_i32 = arith.constant 0 : i32
    %c0_i32_0 = arith.constant 0 : i32
    %c0_i32_1 = arith.constant 0 : i32
    return %c0_i32, %arg0, %c0_i32_0 : i32, i32, i32
  }
  func.func @transform_2(%arg0: i32) -> (i32, i32) {
    %c0_i32 = arith.constant 0 : i32
    %c0_i32_0 = arith.constant 0 : i32
    %c0_i32_1 = arith.constant 0 : i32
    return %c0_i32, %c0_i32_0 : i32, i32
  }
  func.func @transform_3(%arg0: i32) -> (i32, i32) {
    %c0_i32 = arith.constant 0 : i32
    %c0_i32_0 = arith.constant 0 : i32
    %c0_i32_1 = arith.constant 0 : i32
    return %c0_i32, %c0_i32_0 : i32, i32
  }
  func.func @transform_4(%arg0: i32) -> (i32, i32) {
    %c0_i32 = arith.constant 0 : i32
    %c0_i32_0 = arith.constant 0 : i32
    %c0_i32_1 = arith.constant 0 : i32
    return %c0_i32, %c0_i32_0 : i32, i32
  }
  func.func @transform_5(%arg0: i32) -> (i32, i32, i32) {
    %c0_i32 = arith.constant 0 : i32
    %c0_i32_0 = arith.constant 0 : i32
    %c0_i32_1 = arith.constant 0 : i32
    return %arg0, %c0_i32, %c0_i32_0 : i32, i32, i32
  }
  func.func @transform_6(%arg0: i32) -> (i32, i32) {
    %c0_i32 = arith.constant 0 : i32
    %c0_i32_0 = arith.constant 0 : i32
    %c0_i32_1 = arith.constant 0 : i32
    return %c0_i32, %c0_i32_0 : i32, i32
  }
  func.func @transform_7(%arg0: i32) -> (i32, i32) {
    %c0_i32 = arith.constant 0 : i32
    %c0_i32_0 = arith.constant 0 : i32
    %c0_i32_1 = arith.constant 0 : i32
    return %c0_i32, %c0_i32_0 : i32, i32
  }
  func.func @transform_8(%arg0: i32) -> (i32, i32) {
    %c0_i32 = arith.constant 0 : i32
    %c0_i32_0 = arith.constant 0 : i32
    %c0_i32_1 = arith.constant 0 : i32
    return %c0_i32, %c0_i32_0 : i32, i32
  }
  func.func @transform_9(%arg0: i32) -> (i32, i32) {
    %c0_i32 = arith.constant 0 : i32
    %c0_i32_0 = arith.constant 0 : i32
    %c0_i32_1 = arith.constant 0 : i32
    return %c0_i32, %c0_i32_0 : i32, i32
  }
  func.func @transform_10(%arg0: i32) -> (i32, i32) {
    %c0_i32 = arith.constant 0 : i32
    %c0_i32_0 = arith.constant 0 : i32
    %c0_i32_1 = arith.constant 0 : i32
    return %c0_i32, %c0_i32_0 : i32, i32
  }
  func.func @transform_11(%arg0: i32) -> (i32, i32) {
    %c0_i32 = arith.constant 0 : i32
    %c0_i32_0 = arith.constant 0 : i32
    return %arg0, %c0_i32 : i32, i32
  }
  func.func @transform_12(%arg0: i32) -> (i32, i32) {
    %c0_i32 = arith.constant 0 : i32
    %c0_i32_0 = arith.constant 0 : i32
    %c0_i32_1 = arith.constant 0 : i32
    return %c0_i32, %c0_i32_0 : i32, i32
  }
  func.func @transform_13(%arg0: i32) -> (i32, i32) {
    %c0_i32 = arith.constant 0 : i32
    %c0_i32_0 = arith.constant 0 : i32
    %c0_i32_1 = arith.constant 0 : i32
    return %c0_i32, %c0_i32_0 : i32, i32
  }
}

</mosaic_0001>

<sc_bundles>
// kernel: sc_edge_messages.4.cloned.1.call-start
scs
__scs_entry_jumppad:
0x0: {  	(pc) =	sbr.rel $0x88, $3  }
0x1: {  	(tag) =	ssettag $0x0;
	lr =	simm.s32 $0x1  }
0x2: {  	[smem:$0x3F95] =	sst lr;
	_ =	strace $0xD0000000  }
0x3: {  	_ = 	snop  }
0x4: {  	_ = 	snop  }
0x5: {  	_ = 	snop  }
0x6: {  	_ = 	snop  }
0x7: {  	_ = 	snop  }
__scs_overlays_trampoline_lowered:
0x8: {  	[smem:$0x3FA4] =	sst s0  }
0x9: {  	[smem:$0x3FA5] =	sst s1  }
0xa: {  	[smem:$0x3FA6] =	sst s2  }
0xb: {  	[smem:$0x3FA7] =	sst s3  }
0xc: {  	[smem:$0x3FA8] =	sst s4  }
0xd: {  	[smem:$0x3FA9] =	sst s5  }
0xe: {  	[smem:$0x3FAA] =	sst s6  }
0xf: {  	[smem:$0x3FAB] =	sst s7  }
0x10: {  	[smem:$0x3FAC] =	sst s8  }
0x11: {  	[smem:$0x3FAD] =	sst s9;
	s0 =	simm.s32 @!p0 $0x0  }
0x12: {  	s1 =	sld [smem:$0x3F93];
	s0 =	simm.s32 @p0 $0x1  }
0x13: {  	[smem:$0x3FAE] =	sst s0;
	s0 =	simm.s32 @!p1 $0x0  }
0x14: {  	s2 =	sld [smem:$0x3F92];
	s0 =	simm.s32 @p1 $0x1  }
0x15: {  	[smem:$0x3FAF] =	sst s0;
	s0 =	simm.s32 @!p2 $0x0  }
0x16: {  	s3 =	sld [smem:$0x3FDB];
	s0 =	simm.s32 @p2 $0x1  }
0x17: {  	s4 =	simm.s32 $0x1BF5;
	[smem:$0x3FB1] =	sst s0  }
0x18: {  	s0 =	sld [smem:$0x3F94];
	_ =	swait.ge [sflag:s4], $0x0  }
0x19: {  	s7 =	sld [smem:$0x3F95]  }
0x1a: {  	s8 =	sadd.s32 $0xFFFFE003, lr  }
0x1b: {  	s9 =	sadd.s32 $0xFFFFFEF7, lr;
	s5 =	simm.s32 $0xFFFFFFFF;
	p2 =	slt.u32 s8, $0xFFFFF086  }
0x1c: {  	p1 =	slt.u32 s9, $0xF7A;
	s5 =	simm.s32 @!p2 $0x0  }
0x1d: {  	s5 =	simm.s32 @p1 $0x1;
	p0 =	seq.s32 s7, s2  }
0x1e: {  	s7 =	smul.u32 @!p0 $0xF7A, s2;
	p2 =	seq.s32 @!p0 s5, $0x0  }
0x1f: {  	s9 =	smul.u32 $0xF7A, s1;
	s8 =	simm.s32 @!p0 $0x1BF5;
	p2 =	por !p2, p0  }
0x20: {  	[sflag:s8] =	ssyncset.s32 @!p0 $0xFFFFF086;
	s6 =	sadd.s32 @!p0 s3, s7;
	s7 =	simm.s32 @!p0 $0x108  }
0x21: {  	s3 =	sadd.s32 s3, s9;
	s6 =	sadd.s32 @!p0 $0x88, s6;
	s7 =	simm.s32 @p2 $0x1082  }
0x22: {  	[simem:s7], [sflag:s8] =	dma.local @!p0 [hbm:s6], $0xF7A  }
0x23: {  	s9 =	sor.u32 $0xD0000000, s2;
	s6 =	simm.s32 $0x108;
	_ =	swait.ge @!p0 [sflag:s8], $0x0  }
0x24: {  	s3 =	sadd.s32 $0x88, s3;
	s6 =	simm.s32 @!p1 $0x1082;
	[sflag:s4] =	ssyncset.s32 $0xFFFFF086  }
0x25: {  	[simem:s6], [sflag:s4] =	dma.local [hbm:s3], $0xF7A  }
0x26: {  	[smem:$0x3F95] =	sst s1;
	(tag) =	ssettag s2;
	_ =	strace s9  }
0x27: {  	s1 =	sld [smem:$0x3FA5]  }
0x28: {  	s2 =	sld [smem:$0x3FA6]  }
0x29: {  	s4 =	sld [smem:$0x3FA8]  }
0x2a: {  	p0 =	seq.s32 s5, $0x0;
	s5 =	sld [smem:$0x3FA9]  }
0x2b: {  	s6 =	sld [smem:$0x3FAA]  }
0x2c: {  	s7 =	sld [smem:$0x3FAB]  }
0x2d: {  	s3 =	simm.s32 $0x108;
	s8 =	sld [smem:$0x3FAC]  }
0x2e: {  	s3 =	simm.s32 @!p0 $0x1082;
	s9 =	sld [smem:$0x3FAD]  }
0x2f: {  	lr =	sadd.s32 s0, s3;
	s0 =	sld [smem:$0x3FA4]  }
0x30: {  	s3 =	sld [smem:$0x3FA7]  }
0x31: {  	[smem:$0x3FB0] =	sst s10  }
0x32: {  	s10 =	sld [smem:$0x3FAE];
	_ =	sdelay $0x3  }
0x33: {  	p0 =	seq.s32 s10, $0x1;
	s10 =	sld [smem:$0x3FB0];
	_ =	sdelay $0x3  }
0x34: {  	[smem:$0x3FB0] =	sst s10  }
0x35: {  	s10 =	sld [smem:$0x3FAF];
	_ =	sdelay $0x3  }
0x36: {  	p1 =	seq.s32 s10, $0x1;
	s10 =	sld [smem:$0x3FB0];
	_ =	sdelay $0x3  }
0x37: {  	[smem:$0x3FB0] =	sst s10  }
0x38: {  	s10 =	sld [smem:$0x3FB1]  }
0x39: {  	_ = 	snop;
	(pc) =	sbr.ind lr, $3  }
0x3a: {  	_ = 	snop  }
0x3b: {  	_ = 	snop  }
0x3c: {  	p2 =	seq.s32 s10, $0x1;
	s10 =	sld [smem:$0x3FB0]  }
0x3d: {  	_ =	shalt  }
0x3e: {  	_ =	shalt  }
0x3f: {  	_ =	shalt  }
0x40: {  	_ =	shalt  }
0x41: {  	_ =	shalt  }
0x42: {  	_ =	shalt  }
0x43: {  	_ =	shalt  }
0x44: {  	_ =	shalt  }
0x45: {  	_ =	shalt  }
0x46: {  	_ =	shalt  }
0x47: {  	_ =	shalt  }
0x48: {  	_ =	shalt  }
0x49: {  	_ =	shalt  }
0x4a: {  	_ =	shalt  }
0x4b: {  	_ =	shalt  }
0x4c: {  	_ =	shalt  }
0x4d: {  	_ =	shalt  }
0x4e: {  	_ =	shalt  }
0x4f: {  	_ =	shalt  }
0x50: {  	_ =	shalt  }
0x51: {  	_ =	shalt  }
0x52: {  	_ =	shalt  }
0x53: {  	_ =	shalt  }
0x54: {  	_ =	shalt  }
0x55: {  	_ =	shalt  }
0x56: {  	_ =	shalt  }
0x57: {  	_ =	shalt  }
0x58: {  	_ =	shalt  }
0x59: {  	_ =	shalt  }
0x5a: {  	_ =	shalt  }
0x5b: {  	_ =	shalt  }
0x5c: {  	_ =	shalt  }
0x5d: {  	_ =	shalt  }
0x5e: {  	_ =	shalt  }
0x5f: {  	_ =	shalt  }
0x60: {  	_ =	shalt  }
0x61: {  	_ =	shalt  }
0x62: {  	_ =	shalt  }
0x63: {  	_ =	shalt  }
0x64: {  	_ =	shalt  }
0x65: {  	_ =	shalt  }
0x66: {  	_ =	shalt  }
0x67: {  	_ =	shalt  }
0x68: {  	_ =	shalt  }
0x69: {  	_ =	shalt  }
0x6a: {  	_ =	shalt  }
0x6b: {  	_ =	shalt  }
0x6c: {  	_ =	shalt  }
0x6d: {  	_ =	shalt  }
0x6e: {  	_ =	shalt  }
0x6f: {  	_ =	shalt  }
0x70: {  	_ =	shalt  }
0x71: {  	_ =	shalt  }
0x72: {  	_ =	shalt  }
0x73: {  	_ =	shalt  }
0x74: {  	_ =	shalt  }
0x75: {  	_ =	shalt  }
0x76: {  	_ =	shalt  }
0x77: {  	_ =	shalt  }
0x78: {  	_ =	shalt  }
0x79: {  	_ =	shalt  }
0x7a: {  	_ =	shalt  }
0x7b: {  	_ =	shalt  }
0x7c: {  	_ =	shalt  }
0x7d: {  	_ =	shalt  }
0x7e: {  	_ =	shalt  }
0x7f: {  	_ =	shalt  }
0x80: {  	_ =	shalt  }
0x81: {  	_ =	shalt  }
0x82: {  	_ =	shalt  }
0x83: {  	_ =	shalt  }
0x84: {  	_ =	shalt  }
0x85: {  	_ =	shalt  }
0x86: {  	_ =	shalt  }
0x87: {  	_ =	shalt  }
.Lfunc_end0:
.L_simem_size_0:
called_computation_lowered:
.L_overlay_start_0:
0x88: {  	s2 =	sld [smem:$0x3FD9]  }
0x89: {  	s3 =	sld [smem:$0x3FFE];
	_ =	sdelay $0x1  }
0x8a: {  	s1 =	srdreg.scid  }
0x8b: {  	s0 =	sand.u32 $0x1, s1  }
0x8c: {  	s17 =	sshll.u32 s0, $0xA;
	s2 =	sadd.s32 s3, s2  }
0x8d: {  	s2 =	sadd.s32 s2, s17  }
0x8e: {  	[smem:$0x3FBC] =	sst s2  }
0x8f: {  	_ = 	snop  }
0x90: {  	s2 =	sld [smem:$0x3FC9]  }
0x91: {  	s18 =	sld [smem:$0x3FC8];
	(tm) =	ssettm $0x1  }
0x92: {  	s4 =	sld [smem:$0x3FFB];
	_ =	sdelay $0x3  }
0x93: {  	_ =	strace s4  }
0x94: {  	s4 =	sld [smem:$0x3FFC];
	_ =	sdelay $0x3  }
0x95: {  	_ =	strace s4  }
0x96: {  	s4 =	sld [smem:$0x3FFD];
	_ =	sdelay $0x3  }
0x97: {  	_ =	strace s4  }
0x98: {  	_ =	strace $0x8FFFFFFF  }
0x99: {  	s19 =	sld [smem:$0x3FDB];
	_ =	sdelay $0x1  }
0x9a: {  	s5 =	simm.s32 $_scs_section_size  }
0x9b: {  	s6 =	simm.s32 $_size__tile_overlayer_lowered;
	s7 =	simm.s32 $_tile_overlayer_lowered  }
0x9c: {  	s22 =	simm.s32 $0x1BFF;
	s21 =	sshll.u32 s7, $0x1;
	s4 =	sadd.s32 s5, s19  }
0x9d: {  	s8 =	simm.s32 $0x0;
	s20 =	sshll.u32 s6, $0x1;
	s6 =	sadd.s32 s21, s4  }
0x9e: {  	[timem:s8], [sflag:s22] =	dma.local [hbm:s6], s20  }
0x9f: {  	_ =	swait.ge [sflag:s22], s20  }
0xa0: {  	s5 =	ssub.s32 $0x0, s20;
	[sflag:s22] =	ssyncset.done $0x0  }
0xa1: {  	[sflag:s22] =	ssyncadd.s32 s5;
	_ =	sdelay $0x1  }
0xa2: {  	s23 =	simm.s32 $0x1B8B  }
0xa3: {  	_ =	swait.ge [sflag:s23], $0x1  }
0xa4: {  	[sflag:s23] =	ssyncset.done $0x0  }
0xa5: {  	s25 =	simm.s32 $0x1B8E;
	s24 =	sld [smem:$0x3FFE];
	[sflag:s23] =	ssyncadd.s32 $0xFFFFFFFF  }
0xa6: {  	s26 =	simm.s32 $execute0_lowered;
	[smem:$0x3FD2] =	sst s25  }
0xa7: {  	s6 =	sshll.u32 s26, $0x1;
	_ =	strace $0x80000046;
	[dreg:$0x1] =	wrdreg $0xFFFFFFFF  }
0xa8: {  	s28 =	simm.s32 $_size_execute0_lowered;
	s4 =	sadd.s32 s4, s6;
	[dreg:$0x0] =	wrdreg $0x0  }
0xa9: {  	s6 =	sshll.u32 s28, $0x1;
	[dreg:$0x2] =	wrdreg s4  }
0xaa: {  	[dreg:$0x3] =	wrdreg s6  }
0xab: {  	[dreg:$0x4] =	wrdreg $0xC0  }
0xac: {  	_ =	task [dreg:s8], $0x5FFFF  }
0xad: {  	[dreg:$0x1] =	wrdreg $0xFFFFFFFF  }
0xae: {  	[dreg:$0x0] =	wrdreg $0x60  }
0xaf: {  	[dreg:$0x2] =	wrdreg s2  }
0xb0: {  	[dreg:$0x3] =	wrdreg s18  }
0xb1: {  	[dreg:$0x4] =	wrdreg s24  }
0xb2: {  	[dreg:$0x5] =	wrdreg $0xB4000  }
0xb3: {  	[dreg:$0x6] =	wrdreg $0x9  }
0xb4: {  	_ =	task.clear_ibuf [dreg:s8], $0x7FFFF;
	_ =	strace $0x90000046  }
0xb5: {  	s29 =	simm.s32 $0x9;
	_ =	strace $0x80000048  }
0xb6: {  	_ =	swait.ge [sflag:s29], $0x1  }
0xb7: {  	[sflag:s29] =	ssyncadd.s32 $0xFFFFFFFF  }
0xb8: {  	_ =	strace $0x90000048  }
0xb9: {  	_ =	sfence  }
0xba: {  	s30 =	sld [smem:$0x0];
	_ =	sdelay $0x2  }
0xbb: {  	s31 =	sshll.u32 s1, $0xD;
	s1 =	sshrl.u32 s1, $0x2  }
0xbc: {  	s3 =	sand.u32 $0x4000, s31;
	s1 =	sadd.s32 s1, s30  }
0xbd: {  	s0 =	sor.u32 s3, s0;
	s1 =	sshll.u32 s1, $0x11  }
0xbe: {  	s0 =	sor.u32 s1, s0  }
0xbf: {  	s0 =	sadd.s32 $0x8F2B, s0  }
0xc0: {  	[sflag:s0] =	ssyncadd.remote.s32 $0x1  }
0xc1: {  	_ =	sfence.sel $0xFFFF  }
0xc2: {  	[dreg:$0x0] =	wrdreg $0xFFFFFFFF;
	(pc) =	sbr.abs _section_cstart, $3  }
0xc3: {  	[dreg:$0x1] =	wrdreg $0xFFFFFFFF  }
0xc4: {  	_ =	task.clear_ibuf [dreg:s8], $0x2FFFF;
	_ =	strace $0x9FFFFFFF  }
0xc5: {  	(tm) =	ssettm $0x7FFFFFFF  }
tec
execute0_lowered:
.L_overlay_start_1:
0x0: {  	(tag) =	ssettag $0x1  }
0x1: {  	s0 =	rddreg [dreg:$0x0]  }
0x2: {  	s2 =	rddreg [dreg:$0x1];
	s1 =	srdreg.scid  }
0x3: {  	s5 =	rddreg [dreg:$0x2];
	s23 =	stileid.u32  }
0x4: {  	s3 =	rddreg [dreg:$0x3];
	s16 =	simm.s32 $0x3400;
	s17 =	simm.s32 $0x4  }
0x5: {  	s18 =	simm.s32 $0x3;
	s19 =	simm.s32 $0x80;
	s20 =	simm.s32 $0x1A00  }
0x6: {  	s21 =	simm.s32 $0x7400;
	s22 =	simm.s32 $0x1;
	s8 =	smul.u32 $0x13C00, s23  }
0x7: {  	s31 =	simm.s32 $0x0;
	s6 =	sand.u32 $0x1, s1;
	s9 =	smul.u32 $0x4F000, s23  }
0x8: {  	s7 =	smul.u32 $0x13C000, s6;
	s4 =	sshll.u32 s6, $0x4;
	s6 =	ssub.s32 $0x2, s6  }
0x9: {  	s25 =	sor.u32 s23, s4;
	s4 =	simm.s32 $0x0;
	s28 =	sshrl.u32 s9, $0x2  }
0xa: {  	s29 =	sshrl.u32 s6, $0x1;
	s23 =	simm.s32 $0x2;
	s7 =	sadd.s32 s8, s7  }
0xb: {  	s24 =	smul.u32 $0x4E, s25;
	[smem:$0x7FF] =	sst s4;
	s26 =	smin.u32 s25, $0x4  }
0xc: {  	s15 =	ssub.s32 s6, s29;
	p0 =	sgt.u32 s25, $0x3;
	s25 =	simm.s32 $0x1880  }
0xd: {  	s7 =	sshrl.u32 s7, $0x3;
	_ =	strace $0x80000047;
	s15 =	smax.u32 s15, $0x1  }
0xe: {  	s14 =	sadd.s32 s7, s5;
	s5 =	sadd.s32 s26, s24;
	s24 =	simm.s32 $0x1900  }
0xf: {  	s26 =	simm.s32 $0x1980;
	s30 =	sshll.u32 s5, $0x5;
	s5 =	sadd.s32 s28, s3  }
0x10: {  	s14 =	sadd.s32 $0x2800, s14;
	s6 =	sadd.s32 s2, s30;
	s7 =	sadd.s32 $0x4000, s5  }
0x11: {  	s8 =	sadd.s32 $0x8000, s5;
	s9 =	sadd.s32 $0xC000, s5;
	s10 =	sadd.s32 $0x10000, s5  }
0x12: {  	v0 =	vimm.f32 $0.0e+00;
	s11 =	sadd.s32 $0x340, s6;
	s12 =	sadd.s32 $0x680, s6;
	s13 =	sadd.s32 $0x9C0, s6  }
.LBB2_1:
0x13: {  	[tilespmem:s4], [sflag:$0x3] =	stream.linear.gather [hbm4b:s6+s4], $0x1A00, $0x38;
	[tilespmem:$0x1F000] =	vst v63  }
0x14: {  	s2 =	simm.s32 $0x0;
	s28 =	simm.s32 $0x200  }
.LBB2_2:
0x15: {  	p1 =	sne.s32 s28, $0xFE00;
	[tilespmem:s2+$0x3470] =	vst v0  }
0x16: {  	[tilespmem:s2+$0x3400] =	vst v0  }
0x17: {  	[tilespmem:s2+$0x3410] =	vst v0  }
.Ltmp0:
0x18: {  	[tilespmem:s2+$0x3420] =	vst v0;
	(pc) =	sbr.rel @p1 .LBB2_2-.Ltmp0, $4  }
0x19: {  	[tilespmem:s2+$0x3430] =	vst v0  }
0x1a: {  	[tilespmem:s2+$0x3440] =	vst v0  }
0x1b: {  	[tilespmem:s2+$0x3450] =	vst v0  }
0x1c: {  	[tilespmem:s2+$0x3460] =	vst v0;
	s2 =	sshra.s32 s28, $0x2;
	s28 =	sadd.s32 $0x200, s28  }
0x1d: {  	[tilespmem:s2+$0x3470] =	vst v0  }
0x1e: {  	[tilespmem:s2+$0x3400] =	vst v0  }
0x1f: {  	[tilespmem:s2+$0x3410] =	vst v0  }
0x20: {  	[tilespmem:s2+$0x3420] =	vst v0  }
0x21: {  	[tilespmem:s2+$0x3430] =	vst v0  }
0x22: {  	[tilespmem:s2+$0x3440] =	vst v0  }
0x23: {  	[tilespmem:s2+$0x3450] =	vst v0  }
0x24: {  	[tilespmem:s2+$0x3460] =	vst v0  }
0x25: {  	[spmem:s5] =	stream.linear.scatter [tilespmem:s16], [sflag:$0x4], $0x4000, $0x38;
	[tilespmem:$0x1F000] =	vst v63  }
0x26: {  	_ =	swait.ge [sflag:s17], $0x4000  }
0x27: {  	[sflag:s17] =	ssyncset.done $0x0  }
0x28: {  	[sflag:s17] =	ssyncadd.s32 $0xFFFFC000  }
0x29: {  	[spmem:s7] =	stream.linear.scatter [tilespmem:s16], [sflag:$0x4], $0x4000, $0x38;
	[tilespmem:$0x1F000] =	vst v63  }
0x2a: {  	_ =	swait.ge [sflag:s17], $0x4000  }
0x2b: {  	[sflag:s17] =	ssyncset.done $0x0  }
0x2c: {  	[sflag:s17] =	ssyncadd.s32 $0xFFFFC000  }
0x2d: {  	[spmem:s8] =	stream.linear.scatter [tilespmem:s16], [sflag:$0x4], $0x4000, $0x38;
	[tilespmem:$0x1F000] =	vst v63  }
0x2e: {  	_ =	swait.ge [sflag:s17], $0x4000  }
0x2f: {  	[sflag:s17] =	ssyncset.done $0x0  }
0x30: {  	[sflag:s17] =	ssyncadd.s32 $0xFFFFC000  }
0x31: {  	[spmem:s9] =	stream.linear.scatter [tilespmem:s16], [sflag:$0x4], $0x4000, $0x38;
	[tilespmem:$0x1F000] =	vst v63  }
0x32: {  	_ =	swait.ge [sflag:s17], $0x4000  }
0x33: {  	[sflag:s17] =	ssyncset.done $0x0  }
0x34: {  	[sflag:s17] =	ssyncadd.s32 $0xFFFFC000  }
0x35: {  	[spmem:s10] =	stream.linear.scatter [tilespmem:s16], [sflag:$0x4], $0x3C00, $0x38;
	[tilespmem:$0x1F000] =	vst v63  }
0x36: {  	_ =	swait.ge [sflag:s17], $0x3C00  }
0x37: {  	[sflag:s17] =	ssyncset.done $0x0  }
0x38: {  	[sflag:s17] =	ssyncadd.s32 $0xFFFFC400  }
0x39: {  	_ =	swait.ge [sflag:s18], $0x1A00  }
0x3a: {  	[sflag:s18] =	ssyncset.done $0x0  }
0x3b: {  	[sflag:s18] =	ssyncadd.s32 $0xFFFFE600  }
0x3c: {  	[bflag:$0x0] =	sbarrier.arrive $0xFFFF  }
0x3d: {  	[tilespmem:s16], [sflag:$0x1] =	stream.indirect.gather [hbm4b:s0+s19], $0x80, s4, s19, $0xb8;
	[tilespmem:$0x1F000] =	vst v63  }
0x3e: {  	_ = 	snop  }
0x3f: {  	[tilespmem:s20], [sflag:$0x3] =	stream.linear.gather [hbm4b:s11+s4], $0x1A00, $0x38;
	[tilespmem:$0x1F000] =	vst v63  }
0x40: {  	s30 =	simm.s32 $0x100  }
0x41: {  	[tilespmem:s21], [sflag:$0x2] =	stream.indirect.gather [hbm4b:s0+s19], $0x80, s30, s19, $0xb8;
	[tilespmem:$0x1F000] =	vst v63  }
0x42: {  	_ =	swait.ge [sflag:s22], $0x4000  }
0x43: {  	[sflag:s22] =	ssyncset.done $0x0  }
0x44: {  	s1 =	simm.s32 $0x80;
	[sflag:s22] =	ssyncadd.s32 $0xFFFFC000  }
0x45: {  	[spmem:s3] =	stream.indirect.scatter.add.f32 [tilespmem:s16], [sflag:$0x4], $0x80, s1, s19, $0xb8;
	[tilespmem:$0x1F000] =	vst v63  }
0x46: {  	_ =	swait.ge [sflag:s17], $0x4000  }
0x47: {  	[sflag:s17] =	ssyncset.done $0x0  }
0x48: {  	s29 =	simm.s32 $0x200;
	[sflag:s17] =	ssyncadd.s32 $0xFFFFC000  }
0x49: {  	[tilespmem:s16], [sflag:$0x1] =	stream.indirect.gather [hbm4b:s0+s19], $0x80, s29, s19, $0xb8;
	[tilespmem:$0x1F000] =	vst v63  }
0x4a: {  	_ =	swait.ge [sflag:s23], $0x4000  }
0x4b: {  	[sflag:s23] =	ssyncset.done $0x0  }
0x4c: {  	s30 =	simm.s32 $0x180;
	[sflag:s23] =	ssyncadd.s32 $0xFFFFC000  }
0x4d: {  	[spmem:s3] =	stream.indirect.scatter.add.f32 [tilespmem:s21], [sflag:$0x4], $0x80, s30, s19, $0xb8;
	[tilespmem:$0x1F000] =	vst v63  }
0x4e: {  	_ =	swait.ge [sflag:s17], $0x4000  }
0x4f: {  	s28 =	simm.s32 $0xFFFFB000;
	s2 =	simm.s32 $0xFFFFEA00;
	[sflag:s17] =	ssyncset.done $0x0  }
.LBB2_4:
0x50: {  	s29 =	sadd.s32 $0x1900, s2  }
0x51: {  	[sflag:s17] =	ssyncadd.s32 $0xFFFFC000;
	s30 =	smov.u32 s28;
	s1 =	sadd.s32 $0x800, s28  }
0x52: {  	[tilespmem:s21], [sflag:$0x2] =	stream.indirect.gather [hbm4b:s0+s19], $0x80, s29, s19, $0xb8;
	[tilespmem:$0x1F000] =	vst v63  }
0x53: {  	p1 =	sne.s32 s28, $0xFFFFF800;
	_ =	swait.ge [sflag:s22], $0x4000  }
0x54: {  	[sflag:s22] =	ssyncset.done $0x0  }
0x55: {  	s28 =	sadd.s32 $0x1880, s2;
	[sflag:s22] =	ssyncadd.s32 $0xFFFFC000  }
0x56: {  	[spmem:s3] =	stream.indirect.scatter.add.f32 [tilespmem:s16], [sflag:$0x4], $0x80, s28, s19, $0xb8;
	[tilespmem:$0x1F000] =	vst v63  }
0x57: {  	_ =	swait.ge [sflag:s17], $0x4000  }
0x58: {  	[sflag:s17] =	ssyncset.done $0x0  }
0x59: {  	s28 =	sadd.s32 $0x1A00, s2;
	[sflag:s17] =	ssyncadd.s32 $0xFFFFC000  }
0x5a: {  	[tilespmem:s16], [sflag:$0x1] =	stream.indirect.gather [hbm4b:s0+s19], $0x80, s28, s19, $0xb8;
	[tilespmem:$0x1F000] =	vst v63  }
0x5b: {  	_ =	swait.ge [sflag:s23], $0x4000  }
.Ltmp1:
0x5c: {  	[sflag:s23] =	ssyncset.done $0x0;
	(pc) =	sbr.rel @p1 .LBB2_4-.Ltmp1, $4  }
0x5d: {  	s2 =	sadd.s32 $0x1980, s2;
	[sflag:s23] =	ssyncadd.s32 $0xFFFFC000  }
0x5e: {  	[spmem:s3] =	stream.indirect.scatter.add.f32 [tilespmem:s21], [sflag:$0x4], $0x80, s2, s19, $0xb8;
	[tilespmem:$0x1F000] =	vst v63  }
0x5f: {  	_ =	swait.ge [sflag:s17], $0x4000  }
0x60: {  	s28 =	smov.u32 s1;
	s2 =	sshra.s32 s30, $0x2;
	[sflag:s17] =	ssyncset.done $0x0  }
0x61: {  	s1 =	sadd.s32 $0x1900, s2;
	[sflag:s17] =	ssyncadd.s32 $0xFFFFC000  }
0x62: {  	[tilespmem:s21], [sflag:$0x2] =	stream.indirect.gather [hbm4b:s0+s19], $0x80, s1, s19, $0xb8;
	[tilespmem:$0x1F000] =	vst v63  }
0x63: {  	_ =	swait.ge [sflag:s22], $0x4000  }
0x64: {  	[sflag:s22] =	ssyncset.done $0x0  }
0x65: {  	s29 =	sadd.s32 $0x1880, s2;
	[sflag:s22] =	ssyncadd.s32 $0xFFFFC000  }
0x66: {  	[spmem:s3] =	stream.indirect.scatter.add.f32 [tilespmem:s16], [sflag:$0x4], $0x80, s29, s19, $0xb8;
	[tilespmem:$0x1F000] =	vst v63  }
0x67: {  	_ =	swait.ge [sflag:s17], $0x4000  }
0x68: {  	[sflag:s17] =	ssyncset.done $0x0  }
0x69: {  	s30 =	sadd.s32 $0x1A00, s2;
	[sflag:s17] =	ssyncadd.s32 $0xFFFFC000  }
0x6a: {  	[tilespmem:s16], [sflag:$0x1] =	stream.indirect.gather [hbm4b:s0+s19], $0x80, s30, s19, $0xb8;
	[tilespmem:$0x1F000] =	vst v63  }
0x6b: {  	_ =	swait.ge [sflag:s23], $0x4000  }
0x6c: {  	[sflag:s23] =	ssyncset.done $0x0  }
0x6d: {  	s29 =	sadd.s32 $0x1980, s2;
	[sflag:s23] =	ssyncadd.s32 $0xFFFFC000  }
0x6e: {  	[spmem:s3] =	stream.indirect.scatter.add.f32 [tilespmem:s21], [sflag:$0x4], $0x80, s29, s19, $0xb8;
	[tilespmem:$0x1F000] =	vst v63  }
0x6f: {  	_ =	swait.ge [sflag:s17], $0x4000  }
0x70: {  	[sflag:s17] =	ssyncset.done $0x0  }
0x71: {  	[sflag:s17] =	ssyncadd.s32 $0xFFFFC000  }
0x72: {  	[tilespmem:s21], [sflag:$0x2] =	stream.indirect.gather [hbm4b:s0+s19], $0x80, s24, s19, $0xb8;
	[tilespmem:$0x1F000] =	vst v63  }
0x73: {  	_ =	swait.ge [sflag:s22], $0x4000  }
0x74: {  	[sflag:s22] =	ssyncset.done $0x0  }
0x75: {  	[sflag:s22] =	ssyncadd.s32 $0xFFFFC000  }
0x76: {  	[spmem:s3] =	stream.indirect.scatter.add.f32 [tilespmem:s16], [sflag:$0x4], $0x80, s25, s19, $0xb8;
	[tilespmem:$0x1F000] =	vst v63  }
0x77: {  	_ =	swait.ge [sflag:s17], $0x4000  }
0x78: {  	[sflag:s17] =	ssyncset.done $0x0  }
0x79: {  	[sflag:s17] =	ssyncadd.s32 $0xFFFFC000  }
0x7a: {  	_ =	swait.ge [sflag:s18], $0x1A00  }
0x7b: {  	[sflag:s18] =	ssyncset.done $0x0  }
0x7c: {  	[sflag:s18] =	ssyncadd.s32 $0xFFFFE600  }
0x7d: {  	[tilespmem:s16], [sflag:$0x1] =	stream.indirect.gather [hbm4b:s0+s19], $0x80, s20, s19, $0xb8;
	[tilespmem:$0x1F000] =	vst v63  }
0x7e: {  	_ =	swait.ge [sflag:s23], $0x4000  }
0x7f: {  	[sflag:s23] =	ssyncset.done $0x0  }
0x80: {  	[sflag:s23] =	ssyncadd.s32 $0xFFFFC000  }
0x81: {  	[spmem:s3] =	stream.indirect.scatter.add.f32 [tilespmem:s21], [sflag:$0x4], $0x80, s26, s19, $0xb8;
	[tilespmem:$0x1F000] =	vst v63  }
0x82: {  	_ =	swait.ge [sflag:s17], $0x4000  }
0x83: {  	[sflag:s17] =	ssyncset.done $0x0  }
0x84: {  	[sflag:s17] =	ssyncadd.s32 $0xFFFFC000  }
0x85: {  	[tilespmem:s4], [sflag:$0x3] =	stream.linear.gather [hbm4b:s12+s4], $0x1A00, $0x38;
	[tilespmem:$0x1F000] =	vst v63  }
0x86: {  	s30 =	simm.s32 $0x1B00  }
0x87: {  	[tilespmem:s21], [sflag:$0x2] =	stream.indirect.gather [hbm4b:s0+s19], $0x80, s30, s19, $0xb8;
	[tilespmem:$0x1F000] =	vst v63  }
0x88: {  	_ =	swait.ge [sflag:s22], $0x4000  }
0x89: {  	[sflag:s22] =	ssyncset.done $0x0  }
0x8a: {  	s2 =	simm.s32 $0x1A80;
	[sflag:s22] =	ssyncadd.s32 $0xFFFFC000  }
0x8b: {  	[spmem:s3] =	stream.indirect.scatter.add.f32 [tilespmem:s16], [sflag:$0x4], $0x80, s2, s19, $0xb8;
	[tilespmem:$0x1F000] =	vst v63  }
0x8c: {  	_ =	swait.ge [sflag:s17], $0x4000  }
0x8d: {  	[sflag:s17] =	ssyncset.done $0x0  }
0x8e: {  	s29 =	simm.s32 $0x1C00;
	[sflag:s17] =	ssyncadd.s32 $0xFFFFC000  }
0x8f: {  	[tilespmem:s16], [sflag:$0x1] =	stream.indirect.gather [hbm4b:s0+s19], $0x80, s29, s19, $0xb8;
	[tilespmem:$0x1F000] =	vst v63  }
0x90: {  	_ =	swait.ge [sflag:s23], $0x4000  }
0x91: {  	[sflag:s23] =	ssyncset.done $0x0  }
0x92: {  	s30 =	simm.s32 $0x1B80;
	[sflag:s23] =	ssyncadd.s32 $0xFFFFC000  }
0x93: {  	[spmem:s3] =	stream.indirect.scatter.add.f32 [tilespmem:s21], [sflag:$0x4], $0x80, s30, s19, $0xb8;
	[tilespmem:$0x1F000] =	vst v63  }
0x94: {  	_ =	swait.ge [sflag:s17], $0x4000  }
0x95: {  	s28 =	simm.s32 $0xFFFFB000;
	s2 =	simm.s32 $0xFFFFEA00;
	[sflag:s17] =	ssyncset.done $0x0  }
.LBB2_6:
0x96: {  	s1 =	sadd.s32 $0x3300, s2  }
0x97: {  	[sflag:s17] =	ssyncadd.s32 $0xFFFFC000;
	s29 =	smov.u32 s28;
	s30 =	sadd.s32 $0x800, s28  }
0x98: {  	[tilespmem:s21], [sflag:$0x2] =	stream.indirect.gather [hbm4b:s0+s19], $0x80, s1, s19, $0xb8;
	[tilespmem:$0x1F000] =	vst v63  }
0x99: {  	p1 =	sne.s32 s28, $0xFFFFF800;
	_ =	swait.ge [sflag:s22], $0x4000  }
0x9a: {  	[sflag:s22] =	ssyncset.done $0x0  }
0x9b: {  	s1 =	sadd.s32 $0x3280, s2;
	[sflag:s22] =	ssyncadd.s32 $0xFFFFC000  }
0x9c: {  	[spmem:s3] =	stream.indirect.scatter.add.f32 [tilespmem:s16], [sflag:$0x4], $0x80, s1, s19, $0xb8;
	[tilespmem:$0x1F000] =	vst v63  }
0x9d: {  	_ =	swait.ge [sflag:s17], $0x4000  }
0x9e: {  	[sflag:s17] =	ssyncset.done $0x0  }
0x9f: {  	s1 =	sadd.s32 $0x3400, s2;
	[sflag:s17] =	ssyncadd.s32 $0xFFFFC000  }
0xa0: {  	[tilespmem:s16], [sflag:$0x1] =	stream.indirect.gather [hbm4b:s0+s19], $0x80, s1, s19, $0xb8;
	[tilespmem:$0x1F000] =	vst v63  }
0xa1: {  	_ =	swait.ge [sflag:s23], $0x4000  }
.Ltmp2:
0xa2: {  	[sflag:s23] =	ssyncset.done $0x0;
	(pc) =	sbr.rel @p1 .LBB2_6-.Ltmp2, $4  }
0xa3: {  	s1 =	sadd.s32 $0x3380, s2;
	[sflag:s23] =	ssyncadd.s32 $0xFFFFC000  }
0xa4: {  	[spmem:s3] =	stream.indirect.scatter.add.f32 [tilespmem:s21], [sflag:$0x4], $0x80, s1, s19, $0xb8;
	[tilespmem:$0x1F000] =	vst v63  }
0xa5: {  	_ =	swait.ge [sflag:s17], $0x4000  }
0xa6: {  	s28 =	smov.u32 s30;
	s2 =	sshra.s32 s29, $0x2;
	[sflag:s17] =	ssyncset.done $0x0  }
0xa7: {  	s1 =	sadd.s32 $0x3300, s2;
	[sflag:s17] =	ssyncadd.s32 $0xFFFFC000  }
0xa8: {  	[tilespmem:s21], [sflag:$0x2] =	stream.indirect.gather [hbm4b:s0+s19], $0x80, s1, s19, $0xb8;
	[tilespmem:$0x1F000] =	vst v63  }
0xa9: {  	_ =	swait.ge [sflag:s22], $0x4000  }
0xaa: {  	[sflag:s22] =	ssyncset.done $0x0  }
0xab: {  	s29 =	sadd.s32 $0x3280, s2;
	[sflag:s22] =	ssyncadd.s32 $0xFFFFC000  }
0xac: {  	[spmem:s3] =	stream.indirect.scatter.add.f32 [tilespmem:s16], [sflag:$0x4], $0x80, s29, s19, $0xb8;
	[tilespmem:$0x1F000] =	vst v63  }
0xad: {  	_ =	swait.ge [sflag:s17], $0x4000  }
0xae: {  	[sflag:s17] =	ssyncset.done $0x0  }
0xaf: {  	s30 =	sadd.s32 $0x3400, s2;
	[sflag:s17] =	ssyncadd.s32 $0xFFFFC000  }
0xb0: {  	[tilespmem:s16], [sflag:$0x1] =	stream.indirect.gather [hbm4b:s0+s19], $0x80, s30, s19, $0xb8;
	[tilespmem:$0x1F000] =	vst v63  }
0xb1: {  	_ =	swait.ge [sflag:s23], $0x4000  }
0xb2: {  	[sflag:s23] =	ssyncset.done $0x0  }
0xb3: {  	s29 =	sadd.s32 $0x3380, s2;
	[sflag:s23] =	ssyncadd.s32 $0xFFFFC000  }
0xb4: {  	[spmem:s3] =	stream.indirect.scatter.add.f32 [tilespmem:s21], [sflag:$0x4], $0x80, s29, s19, $0xb8;
	[tilespmem:$0x1F000] =	vst v63  }
0xb5: {  	_ =	swait.ge [sflag:s17], $0x4000  }
0xb6: {  	[sflag:s17] =	ssyncset.done $0x0  }
0xb7: {  	s30 =	simm.s32 $0x3300;
	[sflag:s17] =	ssyncadd.s32 $0xFFFFC000  }
0xb8: {  	[tilespmem:s21], [sflag:$0x2] =	stream.indirect.gather [hbm4b:s0+s19], $0x80, s30, s19, $0xb8;
	[tilespmem:$0x1F000] =	vst v63  }
0xb9: {  	_ =	swait.ge [sflag:s22], $0x4000  }
0xba: {  	[sflag:s22] =	ssyncset.done $0x0  }
0xbb: {  	s2 =	simm.s32 $0x3280;
	[sflag:s22] =	ssyncadd.s32 $0xFFFFC000  }
0xbc: {  	[spmem:s3] =	stream.indirect.scatter.add.f32 [tilespmem:s16], [sflag:$0x4], $0x80, s2, s19, $0xb8;
	[tilespmem:$0x1F000] =	vst v63  }
0xbd: {  	_ =	swait.ge [sflag:s17], $0x4000  }
0xbe: {  	[sflag:s17] =	ssyncset.done $0x0  }
0xbf: {  	[sflag:s17] =	ssyncadd.s32 $0xFFFFC000  }
0xc0: {  	_ =	swait.ge [sflag:s18], $0x1A00  }
0xc1: {  	[sflag:s18] =	ssyncset.done $0x0  }
0xc2: {  	[sflag:s18] =	ssyncadd.s32 $0xFFFFE600  }
0xc3: {  	[tilespmem:s16], [sflag:$0x1] =	stream.indirect.gather [hbm4b:s0+s19], $0x80, s4, s19, $0xb8;
	[tilespmem:$0x1F000] =	vst v63  }
0xc4: {  	_ =	swait.ge [sflag:s23], $0x4000  }
0xc5: {  	[sflag:s23] =	ssyncset.done $0x0  }
0xc6: {  	s29 =	simm.s32 $0x3380;
	[sflag:s23] =	ssyncadd.s32 $0xFFFFC000  }
0xc7: {  	[spmem:s3] =	stream.indirect.scatter.add.f32 [tilespmem:s21], [sflag:$0x4], $0x80, s29, s19, $0xb8;
	[tilespmem:$0x1F000] =	vst v63  }
0xc8: {  	_ =	swait.ge [sflag:s17], $0x4000  }
0xc9: {  	[sflag:s17] =	ssyncset.done $0x0  }
0xca: {  	s30 =	simm.s32 $0x100;
	[sflag:s17] =	ssyncadd.s32 $0xFFFFC000  }
0xcb: {  	[tilespmem:s21], [sflag:$0x2] =	stream.indirect.gather [hbm4b:s0+s19], $0x80, s30, s19, $0xb8;
	[tilespmem:$0x1F000] =	vst v63  }
0xcc: {  	_ =	swait.ge [sflag:s22], $0x4000  }
0xcd: {  	[sflag:s22] =	ssyncset.done $0x0  }
0xce: {  	s2 =	simm.s32 $0x80;
	[sflag:s22] =	ssyncadd.s32 $0xFFFFC000  }
0xcf: {  	[spmem:s3] =	stream.indirect.scatter.add.f32 [tilespmem:s16], [sflag:$0x4], $0x80, s2, s19, $0xb8;
	[tilespmem:$0x1F000] =	vst v63  }
0xd0: {  	_ =	swait.ge [sflag:s17], $0x4000  }
0xd1: {  	[sflag:s17] =	ssyncset.done $0x0  }
0xd2: {  	s29 =	simm.s32 $0x200;
	[sflag:s17] =	ssyncadd.s32 $0xFFFFC000  }
0xd3: {  	[tilespmem:s16], [sflag:$0x1] =	stream.indirect.gather [hbm4b:s0+s19], $0x80, s29, s19, $0xb8;
	[tilespmem:$0x1F000] =	vst v63  }
0xd4: {  	_ =	swait.ge [sflag:s23], $0x4000  }
0xd5: {  	[sflag:s23] =	ssyncset.done $0x0  }
0xd6: {  	s30 =	simm.s32 $0x180;
	[sflag:s23] =	ssyncadd.s32 $0xFFFFC000  }
0xd7: {  	[spmem:s3] =	stream.indirect.scatter.add.f32 [tilespmem:s21], [sflag:$0x4], $0x80, s30, s19, $0xb8;
	[tilespmem:$0x1F000] =	vst v63  }
0xd8: {  	_ =	swait.ge [sflag:s17], $0x4000  }
0xd9: {  	s28 =	simm.s32 $0xFFFFB000;
	s2 =	simm.s32 $0xFFFFEA00;
	[sflag:s17] =	ssyncset.done $0x0  }
.LBB2_8:
0xda: {  	s1 =	sadd.s32 $0x1900, s2  }
0xdb: {  	[sflag:s17] =	ssyncadd.s32 $0xFFFFC000;
	s29 =	smov.u32 s28;
	s30 =	sadd.s32 $0x800, s28  }
0xdc: {  	[tilespmem:s21], [sflag:$0x2] =	stream.indirect.gather [hbm4b:s0+s19], $0x80, s1, s19, $0xb8;
	[tilespmem:$0x1F000] =	vst v63  }
0xdd: {  	p1 =	sne.s32 s28, $0xFFFFF800;
	_ =	swait.ge [sflag:s22], $0x4000  }
0xde: {  	[sflag:s22] =	ssyncset.done $0x0  }
0xdf: {  	s1 =	sadd.s32 $0x1880, s2;
	[sflag:s22] =	ssyncadd.s32 $0xFFFFC000  }
0xe0: {  	[spmem:s3] =	stream.indirect.scatter.add.f32 [tilespmem:s16], [sflag:$0x4], $0x80, s1, s19, $0xb8;
	[tilespmem:$0x1F000] =	vst v63  }
0xe1: {  	_ =	swait.ge [sflag:s17], $0x4000  }
0xe2: {  	[sflag:s17] =	ssyncset.done $0x0  }
0xe3: {  	s1 =	sadd.s32 $0x1A00, s2;
	[sflag:s17] =	ssyncadd.s32 $0xFFFFC000  }
0xe4: {  	[tilespmem:s16], [sflag:$0x1] =	stream.indirect.gather [hbm4b:s0+s19], $0x80, s1, s19, $0xb8;
	[tilespmem:$0x1F000] =	vst v63  }
0xe5: {  	_ =	swait.ge [sflag:s23], $0x4000  }
.Ltmp3:
0xe6: {  	[sflag:s23] =	ssyncset.done $0x0;
	(pc) =	sbr.rel @p1 .LBB2_8-.Ltmp3, $4  }
0xe7: {  	s1 =	sadd.s32 $0x1980, s2;
	[sflag:s23] =	ssyncadd.s32 $0xFFFFC000  }
0xe8: {  	[spmem:s3] =	stream.indirect.scatter.add.f32 [tilespmem:s21], [sflag:$0x4], $0x80, s1, s19, $0xb8;
	[tilespmem:$0x1F000] =	vst v63  }
0xe9: {  	_ =	swait.ge [sflag:s17], $0x4000  }
0xea: {  	s28 =	smov.u32 s30;
	s2 =	sshra.s32 s29, $0x2;
	[sflag:s17] =	ssyncset.done $0x0  }
0xeb: {  	s1 =	sadd.s32 $0x1900, s2;
	[sflag:s17] =	ssyncadd.s32 $0xFFFFC000  }
0xec: {  	[tilespmem:s21], [sflag:$0x2] =	stream.indirect.gather [hbm4b:s0+s19], $0x80, s1, s19, $0xb8;
	[tilespmem:$0x1F000] =	vst v63  }
0xed: {  	_ =	swait.ge [sflag:s22], $0x4000  }
0xee: {  	[sflag:s22] =	ssyncset.done $0x0  }
0xef: {  	s29 =	sadd.s32 $0x1880, s2;
	[sflag:s22] =	ssyncadd.s32 $0xFFFFC000  }
0xf0: {  	[spmem:s3] =	stream.indirect.scatter.add.f32 [tilespmem:s16], [sflag:$0x4], $0x80, s29, s19, $0xb8;
	[tilespmem:$0x1F000] =	vst v63  }
0xf1: {  	_ =	swait.ge [sflag:s17], $0x4000  }
0xf2: {  	[sflag:s17] =	ssyncset.done $0x0  }
0xf3: {  	s30 =	sadd.s32 $0x1A00, s2;
	[sflag:s17] =	ssyncadd.s32 $0xFFFFC000  }
0xf4: {  	[tilespmem:s16], [sflag:$0x1] =	stream.indirect.gather [hbm4b:s0+s19], $0x80, s30, s19, $0xb8;
	[tilespmem:$0x1F000] =	vst v63  }
0xf5: {  	_ =	swait.ge [sflag:s23], $0x4000  }
0xf6: {  	[sflag:s23] =	ssyncset.done $0x0  }
0xf7: {  	s28 =	sadd.s32 $0x1980, s2;
	[sflag:s23] =	ssyncadd.s32 $0xFFFFC000  }
0xf8: {  	[spmem:s3] =	stream.indirect.scatter.add.f32 [tilespmem:s21], [sflag:$0x4], $0x80, s28, s19, $0xb8;
	[tilespmem:$0x1F000] =	vst v63  }
0xf9: {  	_ =	swait.ge [sflag:s17], $0x4000  }
0xfa: {  	[sflag:s17] =	ssyncset.done $0x0  }
0xfb: {  	[sflag:s17] =	ssyncadd.s32 $0xFFFFC000  }
0xfc: {  	[tilespmem:s21], [sflag:$0x2] =	stream.indirect.gather [hbm4b:s0+s19], $0x80, s24, s19, $0xb8;
	[tilespmem:$0x1F000] =	vst v63  }
0xfd: {  	_ =	swait.ge [sflag:s22], $0x4000  }
0xfe: {  	[sflag:s22] =	ssyncset.done $0x0  }
0xff: {  	[sflag:s22] =	ssyncadd.s32 $0xFFFFC000  }
0x100: {  	[spmem:s3] =	stream.indirect.scatter.add.f32 [tilespmem:s16], [sflag:$0x4], $0x80, s25, s19, $0xb8;
	[tilespmem:$0x1F000] =	vst v63  }
0x101: {  	_ =	swait.ge [sflag:s17], $0x4000  }
0x102: {  	[sflag:s17] =	ssyncset.done $0x0  }
0x103: {  	[sflag:s17] =	ssyncadd.s32 $0xFFFFC000  }
0x104: {  	_ =	swait.ge [sflag:s23], $0x4000  }
0x105: {  	[sflag:s23] =	ssyncset.done $0x0  }
0x106: {  	[sflag:s23] =	ssyncadd.s32 $0xFFFFC000  }
0x107: {  	[spmem:s3] =	stream.indirect.scatter.add.f32 [tilespmem:s21], [sflag:$0x4], $0x80, s26, s19, $0xb8;
	[tilespmem:$0x1F000] =	vst v63  }
0x108: {  	_ =	swait.ge [sflag:s17], $0x4000  }
0x109: {  	[sflag:s17] =	ssyncset.done $0x0  }
0x10a: {  	s2 =	simm.s32 @!p0 $0x4;
	s1 =	simm.s32 @!p0 $0x0;
	[sflag:s17] =	ssyncadd.s32 $0xFFFFC000  }
0x10b: {  	[tilespmem:s1], [sflag:$0x4] =	stream.linear.gather @!p0 [hbm4b:s13+s1], $0x100, $0x38;
	[tilespmem:$0x1F000] =	vst v63  }
0x10c: {  	_ =	swait.ge @!p0 [sflag:s2], $0x100  }
0x10d: {  	[sflag:s2] =	ssyncset.done @!p0 $0x0  }
0x10e: {  	s29 =	simm.s32 @!p0 $0x3400;
	s28 =	simm.s32 @!p0 $0x80;
	[sflag:s2] =	ssyncadd.s32 @!p0 $0xFFFFFF00  }
0x10f: {  	[tilespmem:s29], [sflag:$0x1] =	stream.indirect.gather @!p0 [hbm4b:s0+s28], $0x80, s1, s28, $0xb8;
	[tilespmem:$0x1F000] =	vst v63  }
0x110: {  	s1 =	simm.s32 @!p0 $0x1  }
0x111: {  	_ =	swait.ge @!p0 [sflag:s1], $0x4000  }
0x112: {  	[sflag:s1] =	ssyncset.done @!p0 $0x0  }
0x113: {  	[sflag:s1] =	ssyncadd.s32 @!p0 $0xFFFFC000  }
0x114: {  	[spmem:s3] =	stream.indirect.scatter.add.f32 @!p0 [tilespmem:s29], [sflag:$0x4], $0x80, s28, s28, $0xb8;
	[tilespmem:$0x1F000] =	vst v63  }
0x115: {  	s31 =	sadd.s32 $0x1, s31;
	_ =	swait.ge @!p0 [sflag:s2], $0x4000  }
0x116: {  	p1 =	sne.s32 s31, s15;
	s29 =	stileid.u32;
	[sflag:s2] =	ssyncset.done @!p0 $0x0  }
0x117: {  	s30 =	sshrl.u32 s5, $0x3;
	s1 =	sshll.u32 s29, $0x6;
	[sflag:s2] =	ssyncadd.s32 @!p0 $0xFFFFC000  }
.Ltmp4:
0x118: {  	s1 =	sor.u32 $0x1C04, s1;
	[bflag:$0x0] =	sbarrier.arrive $0xFFFF;
	(pc) =	sbr.rel @p1 .LBB2_1-.Ltmp4, $4  }
0x119: {  	[hbm:s14], [sflag:s1] =	dma.local [spmem:s30], $0x2780  }
0x11a: {  	_ =	swait.ge [sflag:s17], $0x2780  }
0x11b: {  	[sflag:s17] =	ssyncset.done $0x0  }
0x11c: {  	[sflag:s17] =	ssyncadd.s32 $0xFFFFD880  }
0x11d: {  	_ =	sfence.sel $0x180000  }
0x11e: {  	[bflag:$0x0] =	sbarrier.arrive $0xFFFF  }
0x11f: {  	_ =	strace $0x90000047  }
0x120: {  	s0 =	stileid.u32;
	[bflag:$0x2] =	sbarrier.arrive $0xFFFF  }
0x121: {  	p0 =	sne.s32 s0, $0x0;
	s0 =	rddreg [dreg:$0x4]  }
0x122: {  	s0 =	sadd.s32 @!p0 $0x100000, s0  }
0x123: {  	[sflag:s0] =	ssyncadd.tile.s32 @!p0 $0x1;
	_ =	shalt  }
.Lfunc_end2:
_tile_overlayer_lowered:
.L_overlay_start_2:
0x124: {  	(tag) =	ssettag $0x2  }
0x125: {  	s0 =	rddreg [dreg:$0x0];
	s2 =	stileid.u32  }
0x126: {  	s1 =	rddreg [dreg:$0x1];
	p0 =	sne.s32 s2, $0x0  }
0x127: {  	s3 =	rddreg [dreg:$0x2];
	[bflag:$0x3] =	sbarrier.arrive $0xFFFF;
	s2 =	simm.s32 @!p0 $0x1C04  }
0x128: {  	[timem:s3], [sflag:s2] =	dma.local @!p0 [hbm:s0], s1  }
0x129: {  	s0 =	simm.s32 @!p0 $0x4  }
0x12a: {  	_ =	swait.ge @!p0 [sflag:s0], s1  }
0x12b: {  	s1 =	ssub.s32 @!p0 $0x0, s1;
	[sflag:s0] =	ssyncset.done @!p0 $0x0  }
0x12c: {  	[sflag:s0] =	ssyncadd.s32 @!p0 s1  }
0x12d: {  	[bflag:$0x3] =	sbarrier.arrive $0xFFFF  }
0x12e: {  	_ =	shalt  }

// kernel: sc_edge_messages.7.cloned.1.call-start
scs
__scs_entry_jumppad:
0x0: {  	(pc) =	sbr.rel $0x88, $3  }
0x1: {  	(tag) =	ssettag $0x0;
	lr =	simm.s32 $0x1  }
0x2: {  	[smem:$0x3F95] =	sst lr;
	_ =	strace $0xD0000000  }
0x3: {  	_ = 	snop  }
0x4: {  	_ = 	snop  }
0x5: {  	_ = 	snop  }
0x6: {  	_ = 	snop  }
0x7: {  	_ = 	snop  }
__scs_overlays_trampoline_lowered:
0x8: {  	[smem:$0x3FA4] =	sst s0  }
0x9: {  	[smem:$0x3FA5] =	sst s1  }
0xa: {  	[smem:$0x3FA6] =	sst s2  }
0xb: {  	[smem:$0x3FA7] =	sst s3  }
0xc: {  	[smem:$0x3FA8] =	sst s4  }
0xd: {  	[smem:$0x3FA9] =	sst s5  }
0xe: {  	[smem:$0x3FAA] =	sst s6  }
0xf: {  	[smem:$0x3FAB] =	sst s7  }
0x10: {  	[smem:$0x3FAC] =	sst s8  }
0x11: {  	[smem:$0x3FAD] =	sst s9;
	s0 =	simm.s32 @!p0 $0x0  }
0x12: {  	s1 =	sld [smem:$0x3F93];
	s0 =	simm.s32 @p0 $0x1  }
0x13: {  	[smem:$0x3FAE] =	sst s0;
	s0 =	simm.s32 @!p1 $0x0  }
0x14: {  	s2 =	sld [smem:$0x3F92];
	s0 =	simm.s32 @p1 $0x1  }
0x15: {  	[smem:$0x3FAF] =	sst s0;
	s0 =	simm.s32 @!p2 $0x0  }
0x16: {  	s3 =	sld [smem:$0x3FDB];
	s0 =	simm.s32 @p2 $0x1  }
0x17: {  	s4 =	simm.s32 $0x1BF5;
	[smem:$0x3FB1] =	sst s0  }
0x18: {  	s0 =	sld [smem:$0x3F94];
	_ =	swait.ge [sflag:s4], $0x0  }
0x19: {  	s7 =	sld [smem:$0x3F95]  }
0x1a: {  	s8 =	sadd.s32 $0xFFFFE003, lr  }
0x1b: {  	s9 =	sadd.s32 $0xFFFFFEF7, lr;
	s5 =	simm.s32 $0xFFFFFFFF;
	p2 =	slt.u32 s8, $0xFFFFF086  }
0x1c: {  	p1 =	slt.u32 s9, $0xF7A;
	s5 =	simm.s32 @!p2 $0x0  }
0x1d: {  	s5 =	simm.s32 @p1 $0x1;
	p0 =	seq.s32 s7, s2  }
0x1e: {  	s7 =	smul.u32 @!p0 $0xF7A, s2;
	p2 =	seq.s32 @!p0 s5, $0x0  }
0x1f: {  	s9 =	smul.u32 $0xF7A, s1;
	s8 =	simm.s32 @!p0 $0x1BF5;
	p2 =	por !p2, p0  }
0x20: {  	[sflag:s8] =	ssyncset.s32 @!p0 $0xFFFFF086;
	s6 =	sadd.s32 @!p0 s3, s7;
	s7 =	simm.s32 @!p0 $0x108  }
0x21: {  	s3 =	sadd.s32 s3, s9;
	s6 =	sadd.s32 @!p0 $0x88, s6;
	s7 =	simm.s32 @p2 $0x1082  }
0x22: {  	[simem:s7], [sflag:s8] =	dma.local @!p0 [hbm:s6], $0xF7A  }
0x23: {  	s9 =	sor.u32 $0xD0000000, s2;
	s6 =	simm.s32 $0x108;
	_ =	swait.ge @!p0 [sflag:s8], $0x0  }
0x24: {  	s3 =	sadd.s32 $0x88, s3;
	s6 =	simm.s32 @!p1 $0x1082;
	[sflag:s4] =	ssyncset.s32 $0xFFFFF086  }
0x25: {  	[simem:s6], [sflag:s4] =	dma.local [hbm:s3], $0xF7A  }
0x26: {  	[smem:$0x3F95] =	sst s1;
	(tag) =	ssettag s2;
	_ =	strace s9  }
0x27: {  	s1 =	sld [smem:$0x3FA5]  }
0x28: {  	s2 =	sld [smem:$0x3FA6]  }
0x29: {  	s4 =	sld [smem:$0x3FA8]  }
0x2a: {  	p0 =	seq.s32 s5, $0x0;
	s5 =	sld [smem:$0x3FA9]  }
0x2b: {  	s6 =	sld [smem:$0x3FAA]  }
0x2c: {  	s7 =	sld [smem:$0x3FAB]  }
0x2d: {  	s3 =	simm.s32 $0x108;
	s8 =	sld [smem:$0x3FAC]  }
0x2e: {  	s3 =	simm.s32 @!p0 $0x1082;
	s9 =	sld [smem:$0x3FAD]  }
0x2f: {  	lr =	sadd.s32 s0, s3;
	s0 =	sld [smem:$0x3FA4]  }
0x30: {  	s3 =	sld [smem:$0x3FA7]  }
0x31: {  	[smem:$0x3FB0] =	sst s10  }
0x32: {  	s10 =	sld [smem:$0x3FAE];
	_ =	sdelay $0x3  }
0x33: {  	p0 =	seq.s32 s10, $0x1;
	s10 =	sld [smem:$0x3FB0];
	_ =	sdelay $0x3  }
0x34: {  	[smem:$0x3FB0] =	sst s10  }
0x35: {  	s10 =	sld [smem:$0x3FAF];
	_ =	sdelay $0x3  }
0x36: {  	p1 =	seq.s32 s10, $0x1;
	s10 =	sld [smem:$0x3FB0];
	_ =	sdelay $0x3  }
0x37: {  	[smem:$0x3FB0] =	sst s10  }
0x38: {  	s10 =	sld [smem:$0x3FB1]  }
0x39: {  	_ = 	snop;
	(pc) =	sbr.ind lr, $3  }
0x3a: {  	_ = 	snop  }
0x3b: {  	_ = 	snop  }
0x3c: {  	p2 =	seq.s32 s10, $0x1;
	s10 =	sld [smem:$0x3FB0]  }
0x3d: {  	_ =	shalt  }
0x3e: {  	_ =	shalt  }
0x3f: {  	_ =	shalt  }
0x40: {  	_ =	shalt  }
0x41: {  	_ =	shalt  }
0x42: {  	_ =	shalt  }
0x43: {  	_ =	shalt  }
0x44: {  	_ =	shalt  }
0x45: {  	_ =	shalt  }
0x46: {  	_ =	shalt  }
0x47: {  	_ =	shalt  }
0x48: {  	_ =	shalt  }
0x49: {  	_ =	shalt  }
0x4a: {  	_ =	shalt  }
0x4b: {  	_ =	shalt  }
0x4c: {  	_ =	shalt  }
0x4d: {  	_ =	shalt  }
0x4e: {  	_ =	shalt  }
0x4f: {  	_ =	shalt  }
0x50: {  	_ =	shalt  }
0x51: {  	_ =	shalt  }
0x52: {  	_ =	shalt  }
0x53: {  	_ =	shalt  }
0x54: {  	_ =	shalt  }
0x55: {  	_ =	shalt  }
0x56: {  	_ =	shalt  }
0x57: {  	_ =	shalt  }
0x58: {  	_ =	shalt  }
0x59: {  	_ =	shalt  }
0x5a: {  	_ =	shalt  }
0x5b: {  	_ =	shalt  }
0x5c: {  	_ =	shalt  }
0x5d: {  	_ =	shalt  }
0x5e: {  	_ =	shalt  }
0x5f: {  	_ =	shalt  }
0x60: {  	_ =	shalt  }
0x61: {  	_ =	shalt  }
0x62: {  	_ =	shalt  }
0x63: {  	_ =	shalt  }
0x64: {  	_ =	shalt  }
0x65: {  	_ =	shalt  }
0x66: {  	_ =	shalt  }
0x67: {  	_ =	shalt  }
0x68: {  	_ =	shalt  }
0x69: {  	_ =	shalt  }
0x6a: {  	_ =	shalt  }
0x6b: {  	_ =	shalt  }
0x6c: {  	_ =	shalt  }
0x6d: {  	_ =	shalt  }
0x6e: {  	_ =	shalt  }
0x6f: {  	_ =	shalt  }
0x70: {  	_ =	shalt  }
0x71: {  	_ =	shalt  }
0x72: {  	_ =	shalt  }
0x73: {  	_ =	shalt  }
0x74: {  	_ =	shalt  }
0x75: {  	_ =	shalt  }
0x76: {  	_ =	shalt  }
0x77: {  	_ =	shalt  }
0x78: {  	_ =	shalt  }
0x79: {  	_ =	shalt  }
0x7a: {  	_ =	shalt  }
0x7b: {  	_ =	shalt  }
0x7c: {  	_ =	shalt  }
0x7d: {  	_ =	shalt  }
0x7e: {  	_ =	shalt  }
0x7f: {  	_ =	shalt  }
0x80: {  	_ =	shalt  }
0x81: {  	_ =	shalt  }
0x82: {  	_ =	shalt  }
0x83: {  	_ =	shalt  }
0x84: {  	_ =	shalt  }
0x85: {  	_ =	shalt  }
0x86: {  	_ =	shalt  }
0x87: {  	_ =	shalt  }
.Lfunc_end0:
.L_simem_size_0:
called_computation.1_lowered:
.L_overlay_start_0:
0x88: {  	s2 =	sld [smem:$0x3FD9]  }
0x89: {  	s3 =	sld [smem:$0x3FFE];
	_ =	sdelay $0x1  }
0x8a: {  	s1 =	srdreg.scid  }
0x8b: {  	s0 =	sand.u32 $0x1, s1  }
0x8c: {  	s14 =	sshll.u32 s0, $0xA;
	s2 =	sadd.s32 s3, s2  }
0x8d: {  	s2 =	sadd.s32 s2, s14  }
0x8e: {  	[smem:$0x3FBC] =	sst s2  }
0x8f: {  	_ = 	snop  }
0x90: {  	s2 =	sld [smem:$0x3FD0];
	_ =	sdelay $0x2  }
0x91: {  	s4 =	simm.s32 $0xA;
	s5 =	simm.s32 $0x10;
	s15 =	sld [smem:$0x3FC8]  }
0x92: {  	[smem:s5], [sflag:s4] =	dma.local [hbm:s2], $0x1  }
0x93: {  	_ =	swait.eq [sflag:s4], $0x1  }
0x94: {  	[sflag:s4] =	ssyncset.done $0x0  }
0x95: {  	[sflag:s4] =	ssyncadd.s32 $0xFFFFFFFF  }
0x96: {  	s16 =	sld [smem:$0x13];
	(tm) =	ssettm $0x1  }
0x97: {  	s17 =	sld [smem:$0x3FFB];
	_ =	sdelay $0x3  }
0x98: {  	_ =	strace s17  }
0x99: {  	s4 =	sld [smem:$0x3FFC];
	_ =	sdelay $0x3  }
0x9a: {  	_ =	strace s4  }
0x9b: {  	s4 =	sld [smem:$0x3FFD];
	_ =	sdelay $0x3  }
0x9c: {  	_ =	strace s4  }
0x9d: {  	_ =	strace $0x8FFFFFFF  }
0x9e: {  	s18 =	sld [smem:$0x3FDB];
	_ =	sdelay $0x1  }
0x9f: {  	s19 =	simm.s32 $_scs_section_size  }
0xa0: {  	s6 =	simm.s32 $_size__tile_overlayer_lowered;
	s7 =	simm.s32 $_tile_overlayer_lowered  }
0xa1: {  	s22 =	simm.s32 $0x1BFF;
	s21 =	sshll.u32 s7, $0x1;
	s4 =	sadd.s32 s19, s18  }
0xa2: {  	s8 =	simm.s32 $0x0;
	s20 =	sshll.u32 s6, $0x1;
	s6 =	sadd.s32 s21, s4  }
0xa3: {  	[timem:s8], [sflag:s22] =	dma.local [hbm:s6], s20  }
0xa4: {  	_ =	swait.ge [sflag:s22], s20  }
0xa5: {  	s5 =	ssub.s32 $0x0, s20;
	[sflag:s22] =	ssyncset.done $0x0  }
0xa6: {  	[sflag:s22] =	ssyncadd.s32 s5;
	_ =	sdelay $0x1  }
0xa7: {  	s23 =	simm.s32 $0x1B8B  }
0xa8: {  	_ =	swait.ge [sflag:s23], $0x1  }
0xa9: {  	[sflag:s23] =	ssyncset.done $0x0  }
0xaa: {  	s25 =	simm.s32 $0x1B8E;
	s24 =	sld [smem:$0x3FFE];
	[sflag:s23] =	ssyncadd.s32 $0xFFFFFFFF  }
0xab: {  	s26 =	simm.s32 $execute0_lowered;
	[smem:$0x3FD2] =	sst s25  }
0xac: {  	s6 =	sshll.u32 s26, $0x1;
	_ =	strace $0x80000049;
	[dreg:$0x1] =	wrdreg $0xFFFFFFFF  }
0xad: {  	s28 =	simm.s32 $_size_execute0_lowered;
	s4 =	sadd.s32 s4, s6;
	[dreg:$0x0] =	wrdreg $0x0  }
0xae: {  	s6 =	sshll.u32 s28, $0x1;
	[dreg:$0x2] =	wrdreg s4  }
0xaf: {  	[dreg:$0x3] =	wrdreg s6  }
0xb0: {  	[dreg:$0x4] =	wrdreg $0xC0  }
0xb1: {  	_ =	task [dreg:s8], $0x5FFFF  }
0xb2: {  	[dreg:$0x1] =	wrdreg $0xFFFFFFFF  }
0xb3: {  	[dreg:$0x0] =	wrdreg $0x60  }
0xb4: {  	[dreg:$0x2] =	wrdreg s16  }
0xb5: {  	[dreg:$0x3] =	wrdreg s15  }
0xb6: {  	[dreg:$0x4] =	wrdreg s24  }
0xb7: {  	[dreg:$0x5] =	wrdreg $0xB4000  }
0xb8: {  	[dreg:$0x6] =	wrdreg $0x9  }
0xb9: {  	_ =	task.clear_ibuf [dreg:s8], $0x7FFFF;
	_ =	strace $0x90000049  }
0xba: {  	s29 =	simm.s32 $0x9;
	_ =	strace $0x8000004B  }
0xbb: {  	_ =	swait.ge [sflag:s29], $0x1  }
0xbc: {  	[sflag:s29] =	ssyncadd.s32 $0xFFFFFFFF  }
0xbd: {  	_ =	strace $0x9000004B  }
0xbe: {  	_ =	sfence  }
0xbf: {  	s30 =	sld [smem:$0x0];
	_ =	sdelay $0x2  }
0xc0: {  	s31 =	sshll.u32 s1, $0xD;
	s1 =	sshrl.u32 s1, $0x2  }
0xc1: {  	s3 =	sand.u32 $0x4000, s31;
	s1 =	sadd.s32 s1, s30  }
0xc2: {  	s0 =	sor.u32 s3, s0;
	s1 =	sshll.u32 s1, $0x11  }
0xc3: {  	s0 =	sor.u32 s1, s0  }
0xc4: {  	s0 =	sadd.s32 $0x8F2B, s0  }
0xc5: {  	[sflag:s0] =	ssyncadd.remote.s32 $0x1  }
0xc6: {  	_ =	sfence.sel $0xFFFF  }
0xc7: {  	[dreg:$0x0] =	wrdreg $0xFFFFFFFF;
	(pc) =	sbr.abs _section_cstart, $3  }
0xc8: {  	[dreg:$0x1] =	wrdreg $0xFFFFFFFF  }
0xc9: {  	_ =	task.clear_ibuf [dreg:s8], $0x2FFFF;
	_ =	strace $0x9FFFFFFF  }
0xca: {  	(tm) =	ssettm $0x7FFFFFFF  }
0xcb: {  	_ =	shalt  }
tec
execute0_lowered:
.L_overlay_start_1:
0x0: {  	(tag) =	ssettag $0x1  }
0x1: {  	s0 =	rddreg [dreg:$0x0]  }
0x2: {  	s2 =	rddreg [dreg:$0x1];
	s1 =	srdreg.scid  }
0x3: {  	s5 =	rddreg [dreg:$0x2];
	s23 =	stileid.u32  }
0x4: {  	s3 =	rddreg [dreg:$0x3];
	s16 =	simm.s32 $0x3400;
	s17 =	simm.s32 $0x4  }
0x5: {  	s18 =	simm.s32 $0x3;
	s19 =	simm.s32 $0x80;
	s20 =	simm.s32 $0x1A00  }
0x6: {  	s21 =	simm.s32 $0x7400;
	s22 =	simm.s32 $0x1;
	s8 =	smul.u32 $0x13C00, s23  }
0x7: {  	s31 =	simm.s32 $0x0;
	s6 =	sand.u32 $0x1, s1;
	s9 =	smul.u32 $0x4F000, s23  }
0x8: {  	s7 =	smul.u32 $0x13C000, s6;
	s4 =	sshll.u32 s6, $0x4;
	s6 =	ssub.s32 $0x2, s6  }
0x9: {  	s25 =	sor.u32 s23, s4;
	s4 =	simm.s32 $0x0;
	s28 =	sshrl.u32 s9, $0x2  }
0xa: {  	s29 =	sshrl.u32 s6, $0x1;
	s23 =	simm.s32 $0x2;
	s7 =	sadd.s32 s8, s7  }
0xb: {  	s24 =	smul.u32 $0x4E, s25;
	[smem:$0x7FF] =	sst s4;
	s26 =	smin.u32 s25, $0x4  }
0xc: {  	s15 =	ssub.s32 s6, s29;
	p0 =	sgt.u32 s25, $0x3;
	s25 =	simm.s32 $0x1880  }
0xd: {  	s7 =	sshrl.u32 s7, $0x3;
	_ =	strace $0x8000004A;
	s15 =	smax.u32 s15, $0x1  }
0xe: {  	s14 =	sadd.s32 s7, s5;
	s5 =	sadd.s32 s26, s24;
	s24 =	simm.s32 $0x1900  }
0xf: {  	s26 =	simm.s32 $0x1980;
	s30 =	sshll.u32 s5, $0x5;
	s5 =	sadd.s32 s28, s3  }
0x10: {  	s14 =	sadd.s32 $0x2800, s14;
	s6 =	sadd.s32 s2, s30;
	s7 =	sadd.s32 $0x4000, s5  }
0x11: {  	s8 =	sadd.s32 $0x8000, s5;
	s9 =	sadd.s32 $0xC000, s5;
	s10 =	sadd.s32 $0x10000, s5  }
0x12: {  	v0 =	vimm.f32 $0.0e+00;
	s11 =	sadd.s32 $0x340, s6;
	s12 =	sadd.s32 $0x680, s6;
	s13 =	sadd.s32 $0x9C0, s6  }
.LBB2_1:
0x13: {  	[tilespmem:s4], [sflag:$0x3] =	stream.linear.gather [hbm4b:s6+s4], $0x1A00, $0x38;
	[tilespmem:$0x1F000] =	vst v63  }
0x14: {  	s2 =	simm.s32 $0x0;
	s28 =	simm.s32 $0x200  }
.LBB2_2:
0x15: {  	p1 =	sne.s32 s28, $0xFE00;
	[tilespmem:s2+$0x3470] =	vst v0  }
0x16: {  	[tilespmem:s2+$0x3400] =	vst v0  }
0x17: {  	[tilespmem:s2+$0x3410] =	vst v0  }
.Ltmp0:
0x18: {  	[tilespmem:s2+$0x3420] =	vst v0;
	(pc) =	sbr.rel @p1 .LBB2_2-.Ltmp0, $4  }
0x19: {  	[tilespmem:s2+$0x3430] =	vst v0  }
0x1a: {  	[tilespmem:s2+$0x3440] =	vst v0  }
0x1b: {  	[tilespmem:s2+$0x3450] =	vst v0  }
0x1c: {  	[tilespmem:s2+$0x3460] =	vst v0;
	s2 =	sshra.s32 s28, $0x2;
	s28 =	sadd.s32 $0x200, s28  }
0x1d: {  	[tilespmem:s2+$0x3470] =	vst v0  }
0x1e: {  	[tilespmem:s2+$0x3400] =	vst v0  }
0x1f: {  	[tilespmem:s2+$0x3410] =	vst v0  }
0x20: {  	[tilespmem:s2+$0x3420] =	vst v0  }
0x21: {  	[tilespmem:s2+$0x3430] =	vst v0  }
0x22: {  	[tilespmem:s2+$0x3440] =	vst v0  }
0x23: {  	[tilespmem:s2+$0x3450] =	vst v0  }
0x24: {  	[tilespmem:s2+$0x3460] =	vst v0  }
0x25: {  	[spmem:s5] =	stream.linear.scatter [tilespmem:s16], [sflag:$0x4], $0x4000, $0x38;
	[tilespmem:$0x1F000] =	vst v63  }
0x26: {  	_ =	swait.ge [sflag:s17], $0x4000  }
0x27: {  	[sflag:s17] =	ssyncset.done $0x0  }
0x28: {  	[sflag:s17] =	ssyncadd.s32 $0xFFFFC000  }
0x29: {  	[spmem:s7] =	stream.linear.scatter [tilespmem:s16], [sflag:$0x4], $0x4000, $0x38;
	[tilespmem:$0x1F000] =	vst v63  }
0x2a: {  	_ =	swait.ge [sflag:s17], $0x4000  }
0x2b: {  	[sflag:s17] =	ssyncset.done $0x0  }
0x2c: {  	[sflag:s17] =	ssyncadd.s32 $0xFFFFC000  }
0x2d: {  	[spmem:s8] =	stream.linear.scatter [tilespmem:s16], [sflag:$0x4], $0x4000, $0x38;
	[tilespmem:$0x1F000] =	vst v63  }
0x2e: {  	_ =	swait.ge [sflag:s17], $0x4000  }
0x2f: {  	[sflag:s17] =	ssyncset.done $0x0  }
0x30: {  	[sflag:s17] =	ssyncadd.s32 $0xFFFFC000  }
0x31: {  	[spmem:s9] =	stream.linear.scatter [tilespmem:s16], [sflag:$0x4], $0x4000, $0x38;
	[tilespmem:$0x1F000] =	vst v63  }
0x32: {  	_ =	swait.ge [sflag:s17], $0x4000  }
0x33: {  	[sflag:s17] =	ssyncset.done $0x0  }
0x34: {  	[sflag:s17] =	ssyncadd.s32 $0xFFFFC000  }
0x35: {  	[spmem:s10] =	stream.linear.scatter [tilespmem:s16], [sflag:$0x4], $0x3C00, $0x38;
	[tilespmem:$0x1F000] =	vst v63  }
0x36: {  	_ =	swait.ge [sflag:s17], $0x3C00  }
0x37: {  	[sflag:s17] =	ssyncset.done $0x0  }
0x38: {  	[sflag:s17] =	ssyncadd.s32 $0xFFFFC400  }
0x39: {  	_ =	swait.ge [sflag:s18], $0x1A00  }
0x3a: {  	[sflag:s18] =	ssyncset.done $0x0  }
0x3b: {  	[sflag:s18] =	ssyncadd.s32 $0xFFFFE600  }
0x3c: {  	[bflag:$0x0] =	sbarrier.arrive $0xFFFF  }
0x3d: {  	[tilespmem:s16], [sflag:$0x1] =	stream.indirect.gather [hbm4b:s0+s19], $0x80, s4, s19, $0xb8;
	[tilespmem:$0x1F000] =	vst v63  }
0x3e: {  	_ = 	snop  }
0x3f: {  	[tilespmem:s20], [sflag:$0x3] =	stream.linear.gather [hbm4b:s11+s4], $0x1A00, $0x38;
	[tilespmem:$0x1F000] =	vst v63  }
0x40: {  	s30 =	simm.s32 $0x100  }
0x41: {  	[tilespmem:s21], [sflag:$0x2] =	stream.indirect.gather [hbm4b:s0+s19], $0x80, s30, s19, $0xb8;
	[tilespmem:$0x1F000] =	vst v63  }
0x42: {  	_ =	swait.ge [sflag:s22], $0x4000  }
0x43: {  	[sflag:s22] =	ssyncset.done $0x0  }
0x44: {  	s1 =	simm.s32 $0x80;
	[sflag:s22] =	ssyncadd.s32 $0xFFFFC000  }
0x45: {  	[spmem:s3] =	stream.indirect.scatter.add.f32 [tilespmem:s16], [sflag:$0x4], $0x80, s1, s19, $0xb8;
	[tilespmem:$0x1F000] =	vst v63  }
0x46: {  	_ =	swait.ge [sflag:s17], $0x4000  }
0x47: {  	[sflag:s17] =	ssyncset.done $0x0  }
0x48: {  	s29 =	simm.s32 $0x200;
	[sflag:s17] =	ssyncadd.s32 $0xFFFFC000  }
0x49: {  	[tilespmem:s16], [sflag:$0x1] =	stream.indirect.gather [hbm4b:s0+s19], $0x80, s29, s19, $0xb8;
	[tilespmem:$0x1F000] =	vst v63  }
0x4a: {  	_ =	swait.ge [sflag:s23], $0x4000  }
0x4b: {  	[sflag:s23] =	ssyncset.done $0x0  }
0x4c: {  	s30 =	simm.s32 $0x180;
	[sflag:s23] =	ssyncadd.s32 $0xFFFFC000  }
0x4d: {  	[spmem:s3] =	stream.indirect.scatter.add.f32 [tilespmem:s21], [sflag:$0x4], $0x80, s30, s19, $0xb8;
	[tilespmem:$0x1F000] =	vst v63  }
0x4e: {  	_ =	swait.ge [sflag:s17], $0x4000  }
0x4f: {  	s28 =	simm.s32 $0xFFFFB000;
	s2 =	simm.s32 $0xFFFFEA00;
	[sflag:s17] =	ssyncset.done $0x0  }
.LBB2_4:
0x50: {  	s29 =	sadd.s32 $0x1900, s2  }
0x51: {  	[sflag:s17] =	ssyncadd.s32 $0xFFFFC000;
	s30 =	smov.u32 s28;
	s1 =	sadd.s32 $0x800, s28  }
0x52: {  	[tilespmem:s21], [sflag:$0x2] =	stream.indirect.gather [hbm4b:s0+s19], $0x80, s29, s19, $0xb8;
	[tilespmem:$0x1F000] =	vst v63  }
0x53: {  	p1 =	sne.s32 s28, $0xFFFFF800;
	_ =	swait.ge [sflag:s22], $0x4000  }
0x54: {  	[sflag:s22] =	ssyncset.done $0x0  }
0x55: {  	s28 =	sadd.s32 $0x1880, s2;
	[sflag:s22] =	ssyncadd.s32 $0xFFFFC000  }
0x56: {  	[spmem:s3] =	stream.indirect.scatter.add.f32 [tilespmem:s16], [sflag:$0x4], $0x80, s28, s19, $0xb8;
	[tilespmem:$0x1F000] =	vst v63  }
0x57: {  	_ =	swait.ge [sflag:s17], $0x4000  }
0x58: {  	[sflag:s17] =	ssyncset.done $0x0  }
0x59: {  	s28 =	sadd.s32 $0x1A00, s2;
	[sflag:s17] =	ssyncadd.s32 $0xFFFFC000  }
0x5a: {  	[tilespmem:s16], [sflag:$0x1] =	stream.indirect.gather [hbm4b:s0+s19], $0x80, s28, s19, $0xb8;
	[tilespmem:$0x1F000] =	vst v63  }
0x5b: {  	_ =	swait.ge [sflag:s23], $0x4000  }
.Ltmp1:
0x5c: {  	[sflag:s23] =	ssyncset.done $0x0;
	(pc) =	sbr.rel @p1 .LBB2_4-.Ltmp1, $4  }
0x5d: {  	s2 =	sadd.s32 $0x1980, s2;
	[sflag:s23] =	ssyncadd.s32 $0xFFFFC000  }
0x5e: {  	[spmem:s3] =	stream.indirect.scatter.add.f32 [tilespmem:s21], [sflag:$0x4], $0x80, s2, s19, $0xb8;
	[tilespmem:$0x1F000] =	vst v63  }
0x5f: {  	_ =	swait.ge [sflag:s17], $0x4000  }
0x60: {  	s28 =	smov.u32 s1;
	s2 =	sshra.s32 s30, $0x2;
	[sflag:s17] =	ssyncset.done $0x0  }
0x61: {  	s1 =	sadd.s32 $0x1900, s2;
	[sflag:s17] =	ssyncadd.s32 $0xFFFFC000  }
0x62: {  	[tilespmem:s21], [sflag:$0x2] =	stream.indirect.gather [hbm4b:s0+s19], $0x80, s1, s19, $0xb8;
	[tilespmem:$0x1F000] =	vst v63  }
0x63: {  	_ =	swait.ge [sflag:s22], $0x4000  }
0x64: {  	[sflag:s22] =	ssyncset.done $0x0  }
0x65: {  	s29 =	sadd.s32 $0x1880, s2;
	[sflag:s22] =	ssyncadd.s32 $0xFFFFC000  }
0x66: {  	[spmem:s3] =	stream.indirect.scatter.add.f32 [tilespmem:s16], [sflag:$0x4], $0x80, s29, s19, $0xb8;
	[tilespmem:$0x1F000] =	vst v63  }
0x67: {  	_ =	swait.ge [sflag:s17], $0x4000  }
0x68: {  	[sflag:s17] =	ssyncset.done $0x0  }
0x69: {  	s30 =	sadd.s32 $0x1A00, s2;
	[sflag:s17] =	ssyncadd.s32 $0xFFFFC000  }
0x6a: {  	[tilespmem:s16], [sflag:$0x1] =	stream.indirect.gather [hbm4b:s0+s19], $0x80, s30, s19, $0xb8;
	[tilespmem:$0x1F000] =	vst v63  }
0x6b: {  	_ =	swait.ge [sflag:s23], $0x4000  }
0x6c: {  	[sflag:s23] =	ssyncset.done $0x0  }
0x6d: {  	s29 =	sadd.s32 $0x1980, s2;
	[sflag:s23] =	ssyncadd.s32 $0xFFFFC000  }
0x6e: {  	[spmem:s3] =	stream.indirect.scatter.add.f32 [tilespmem:s21], [sflag:$0x4], $0x80, s29, s19, $0xb8;
	[tilespmem:$0x1F000] =	vst v63  }
0x6f: {  	_ =	swait.ge [sflag:s17], $0x4000  }
0x70: {  	[sflag:s17] =	ssyncset.done $0x0  }
0x71: {  	[sflag:s17] =	ssyncadd.s32 $0xFFFFC000  }
0x72: {  	[tilespmem:s21], [sflag:$0x2] =	stream.indirect.gather [hbm4b:s0+s19], $0x80, s24, s19, $0xb8;
	[tilespmem:$0x1F000] =	vst v63  }
0x73: {  	_ =	swait.ge [sflag:s22], $0x4000  }
0x74: {  	[sflag:s22] =	ssyncset.done $0x0  }
0x75: {  	[sflag:s22] =	ssyncadd.s32 $0xFFFFC000  }
0x76: {  	[spmem:s3] =	stream.indirect.scatter.add.f32 [tilespmem:s16], [sflag:$0x4], $0x80, s25, s19, $0xb8;
	[tilespmem:$0x1F000] =	vst v63  }
0x77: {  	_ =	swait.ge [sflag:s17], $0x4000  }
0x78: {  	[sflag:s17] =	ssyncset.done $0x0  }
0x79: {  	[sflag:s17] =	ssyncadd.s32 $0xFFFFC000  }
0x7a: {  	_ =	swait.ge [sflag:s18], $0x1A00  }
0x7b: {  	[sflag:s18] =	ssyncset.done $0x0  }
0x7c: {  	[sflag:s18] =	ssyncadd.s32 $0xFFFFE600  }
0x7d: {  	[tilespmem:s16], [sflag:$0x1] =	stream.indirect.gather [hbm4b:s0+s19], $0x80, s20, s19, $0xb8;
	[tilespmem:$0x1F000] =	vst v63  }
0x7e: {  	_ =	swait.ge [sflag:s23], $0x4000  }
0x7f: {  	[sflag:s23] =	ssyncset.done $0x0  }
0x80: {  	[sflag:s23] =	ssyncadd.s32 $0xFFFFC000  }
0x81: {  	[spmem:s3] =	stream.indirect.scatter.add.f32 [tilespmem:s21], [sflag:$0x4], $0x80, s26, s19, $0xb8;
	[tilespmem:$0x1F000] =	vst v63  }
0x82: {  	_ =	swait.ge [sflag:s17], $0x4000  }
0x83: {  	[sflag:s17] =	ssyncset.done $0x0  }
0x84: {  	[sflag:s17] =	ssyncadd.s32 $0xFFFFC000  }
0x85: {  	[tilespmem:s4], [sflag:$0x3] =	stream.linear.gather [hbm4b:s12+s4], $0x1A00, $0x38;
	[tilespmem:$0x1F000] =	vst v63  }
0x86: {  	s30 =	simm.s32 $0x1B00  }
0x87: {  	[tilespmem:s21], [sflag:$0x2] =	stream.indirect.gather [hbm4b:s0+s19], $0x80, s30, s19, $0xb8;
	[tilespmem:$0x1F000] =	vst v63  }
0x88: {  	_ =	swait.ge [sflag:s22], $0x4000  }
0x89: {  	[sflag:s22] =	ssyncset.done $0x0  }
0x8a: {  	s2 =	simm.s32 $0x1A80;
	[sflag:s22] =	ssyncadd.s32 $0xFFFFC000  }
0x8b: {  	[spmem:s3] =	stream.indirect.scatter.add.f32 [tilespmem:s16], [sflag:$0x4], $0x80, s2, s19, $0xb8;
	[tilespmem:$0x1F000] =	vst v63  }
0x8c: {  	_ =	swait.ge [sflag:s17], $0x4000  }
0x8d: {  	[sflag:s17] =	ssyncset.done $0x0  }
0x8e: {  	s29 =	simm.s32 $0x1C00;
	[sflag:s17] =	ssyncadd.s32 $0xFFFFC000  }
0x8f: {  	[tilespmem:s16], [sflag:$0x1] =	stream.indirect.gather [hbm4b:s0+s19], $0x80, s29, s19, $0xb8;
	[tilespmem:$0x1F000] =	vst v63  }
0x90: {  	_ =	swait.ge [sflag:s23], $0x4000  }
0x91: {  	[sflag:s23] =	ssyncset.done $0x0  }
0x92: {  	s30 =	simm.s32 $0x1B80;
	[sflag:s23] =	ssyncadd.s32 $0xFFFFC000  }
0x93: {  	[spmem:s3] =	stream.indirect.scatter.add.f32 [tilespmem:s21], [sflag:$0x4], $0x80, s30, s19, $0xb8;
	[tilespmem:$0x1F000] =	vst v63  }
0x94: {  	_ =	swait.ge [sflag:s17], $0x4000  }
0x95: {  	s28 =	simm.s32 $0xFFFFB000;
	s2 =	simm.s32 $0xFFFFEA00;
	[sflag:s17] =	ssyncset.done $0x0  }
.LBB2_6:
0x96: {  	s1 =	sadd.s32 $0x3300, s2  }
0x97: {  	[sflag:s17] =	ssyncadd.s32 $0xFFFFC000;
	s29 =	smov.u32 s28;
	s30 =	sadd.s32 $0x800, s28  }
0x98: {  	[tilespmem:s21], [sflag:$0x2] =	stream.indirect.gather [hbm4b:s0+s19], $0x80, s1, s19, $0xb8;
	[tilespmem:$0x1F000] =	vst v63  }
0x99: {  	p1 =	sne.s32 s28, $0xFFFFF800;
	_ =	swait.ge [sflag:s22], $0x4000  }
0x9a: {  	[sflag:s22] =	ssyncset.done $0x0  }
0x9b: {  	s1 =	sadd.s32 $0x3280, s2;
	[sflag:s22] =	ssyncadd.s32 $0xFFFFC000  }
0x9c: {  	[spmem:s3] =	stream.indirect.scatter.add.f32 [tilespmem:s16], [sflag:$0x4], $0x80, s1, s19, $0xb8;
	[tilespmem:$0x1F000] =	vst v63  }
0x9d: {  	_ =	swait.ge [sflag:s17], $0x4000  }
0x9e: {  	[sflag:s17] =	ssyncset.done $0x0  }
0x9f: {  	s1 =	sadd.s32 $0x3400, s2;
	[sflag:s17] =	ssyncadd.s32 $0xFFFFC000  }
0xa0: {  	[tilespmem:s16], [sflag:$0x1] =	stream.indirect.gather [hbm4b:s0+s19], $0x80, s1, s19, $0xb8;
	[tilespmem:$0x1F000] =	vst v63  }
0xa1: {  	_ =	swait.ge [sflag:s23], $0x4000  }
.Ltmp2:
0xa2: {  	[sflag:s23] =	ssyncset.done $0x0;
	(pc) =	sbr.rel @p1 .LBB2_6-.Ltmp2, $4  }
0xa3: {  	s1 =	sadd.s32 $0x3380, s2;
	[sflag:s23] =	ssyncadd.s32 $0xFFFFC000  }
0xa4: {  	[spmem:s3] =	stream.indirect.scatter.add.f32 [tilespmem:s21], [sflag:$0x4], $0x80, s1, s19, $0xb8;
	[tilespmem:$0x1F000] =	vst v63  }
0xa5: {  	_ =	swait.ge [sflag:s17], $0x4000  }
0xa6: {  	s28 =	smov.u32 s30;
	s2 =	sshra.s32 s29, $0x2;
	[sflag:s17] =	ssyncset.done $0x0  }
0xa7: {  	s1 =	sadd.s32 $0x3300, s2;
	[sflag:s17] =	ssyncadd.s32 $0xFFFFC000  }
0xa8: {  	[tilespmem:s21], [sflag:$0x2] =	stream.indirect.gather [hbm4b:s0+s19], $0x80, s1, s19, $0xb8;
	[tilespmem:$0x1F000] =	vst v63  }
0xa9: {  	_ =	swait.ge [sflag:s22], $0x4000  }
0xaa: {  	[sflag:s22] =	ssyncset.done $0x0  }
0xab: {  	s29 =	sadd.s32 $0x3280, s2;
	[sflag:s22] =	ssyncadd.s32 $0xFFFFC000  }
0xac: {  	[spmem:s3] =	stream.indirect.scatter.add.f32 [tilespmem:s16], [sflag:$0x4], $0x80, s29, s19, $0xb8;
	[tilespmem:$0x1F000] =	vst v63  }
0xad: {  	_ =	swait.ge [sflag:s17], $0x4000  }
0xae: {  	[sflag:s17] =	ssyncset.done $0x0  }
0xaf: {  	s30 =	sadd.s32 $0x3400, s2;
	[sflag:s17] =	ssyncadd.s32 $0xFFFFC000  }
0xb0: {  	[tilespmem:s16], [sflag:$0x1] =	stream.indirect.gather [hbm4b:s0+s19], $0x80, s30, s19, $0xb8;
	[tilespmem:$0x1F000] =	vst v63  }
0xb1: {  	_ =	swait.ge [sflag:s23], $0x4000  }
0xb2: {  	[sflag:s23] =	ssyncset.done $0x0  }
0xb3: {  	s29 =	sadd.s32 $0x3380, s2;
	[sflag:s23] =	ssyncadd.s32 $0xFFFFC000  }
0xb4: {  	[spmem:s3] =	stream.indirect.scatter.add.f32 [tilespmem:s21], [sflag:$0x4], $0x80, s29, s19, $0xb8;
	[tilespmem:$0x1F000] =	vst v63  }
0xb5: {  	_ =	swait.ge [sflag:s17], $0x4000  }
0xb6: {  	[sflag:s17] =	ssyncset.done $0x0  }
0xb7: {  	s30 =	simm.s32 $0x3300;
	[sflag:s17] =	ssyncadd.s32 $0xFFFFC000  }
0xb8: {  	[tilespmem:s21], [sflag:$0x2] =	stream.indirect.gather [hbm4b:s0+s19], $0x80, s30, s19, $0xb8;
	[tilespmem:$0x1F000] =	vst v63  }
0xb9: {  	_ =	swait.ge [sflag:s22], $0x4000  }
0xba: {  	[sflag:s22] =	ssyncset.done $0x0  }
0xbb: {  	s2 =	simm.s32 $0x3280;
	[sflag:s22] =	ssyncadd.s32 $0xFFFFC000  }
0xbc: {  	[spmem:s3] =	stream.indirect.scatter.add.f32 [tilespmem:s16], [sflag:$0x4], $0x80, s2, s19, $0xb8;
	[tilespmem:$0x1F000] =	vst v63  }
0xbd: {  	_ =	swait.ge [sflag:s17], $0x4000  }
0xbe: {  	[sflag:s17] =	ssyncset.done $0x0  }
0xbf: {  	[sflag:s17] =	ssyncadd.s32 $0xFFFFC000  }
0xc0: {  	_ =	swait.ge [sflag:s18], $0x1A00  }
0xc1: {  	[sflag:s18] =	ssyncset.done $0x0  }
0xc2: {  	[sflag:s18] =	ssyncadd.s32 $0xFFFFE600  }
0xc3: {  	[tilespmem:s16], [sflag:$0x1] =	stream.indirect.gather [hbm4b:s0+s19], $0x80, s4, s19, $0xb8;
	[tilespmem:$0x1F000] =	vst v63  }
0xc4: {  	_ =	swait.ge [sflag:s23], $0x4000  }
0xc5: {  	[sflag:s23] =	ssyncset.done $0x0  }
0xc6: {  	s29 =	simm.s32 $0x3380;
	[sflag:s23] =	ssyncadd.s32 $0xFFFFC000  }
0xc7: {  	[spmem:s3] =	stream.indirect.scatter.add.f32 [tilespmem:s21], [sflag:$0x4], $0x80, s29, s19, $0xb8;
	[tilespmem:$0x1F000] =	vst v63  }
0xc8: {  	_ =	swait.ge [sflag:s17], $0x4000  }
0xc9: {  	[sflag:s17] =	ssyncset.done $0x0  }
0xca: {  	s30 =	simm.s32 $0x100;
	[sflag:s17] =	ssyncadd.s32 $0xFFFFC000  }
0xcb: {  	[tilespmem:s21], [sflag:$0x2] =	stream.indirect.gather [hbm4b:s0+s19], $0x80, s30, s19, $0xb8;
	[tilespmem:$0x1F000] =	vst v63  }
0xcc: {  	_ =	swait.ge [sflag:s22], $0x4000  }
0xcd: {  	[sflag:s22] =	ssyncset.done $0x0  }
0xce: {  	s2 =	simm.s32 $0x80;
	[sflag:s22] =	ssyncadd.s32 $0xFFFFC000  }
0xcf: {  	[spmem:s3] =	stream.indirect.scatter.add.f32 [tilespmem:s16], [sflag:$0x4], $0x80, s2, s19, $0xb8;
	[tilespmem:$0x1F000] =	vst v63  }
0xd0: {  	_ =	swait.ge [sflag:s17], $0x4000  }
0xd1: {  	[sflag:s17] =	ssyncset.done $0x0  }
0xd2: {  	s29 =	simm.s32 $0x200;
	[sflag:s17] =	ssyncadd.s32 $0xFFFFC000  }
0xd3: {  	[tilespmem:s16], [sflag:$0x1] =	stream.indirect.gather [hbm4b:s0+s19], $0x80, s29, s19, $0xb8;
	[tilespmem:$0x1F000] =	vst v63  }
0xd4: {  	_ =	swait.ge [sflag:s23], $0x4000  }
0xd5: {  	[sflag:s23] =	ssyncset.done $0x0  }
0xd6: {  	s30 =	simm.s32 $0x180;
	[sflag:s23] =	ssyncadd.s32 $0xFFFFC000  }
0xd7: {  	[spmem:s3] =	stream.indirect.scatter.add.f32 [tilespmem:s21], [sflag:$0x4], $0x80, s30, s19, $0xb8;
	[tilespmem:$0x1F000] =	vst v63  }
0xd8: {  	_ =	swait.ge [sflag:s17], $0x4000  }
0xd9: {  	s28 =	simm.s32 $0xFFFFB000;
	s2 =	simm.s32 $0xFFFFEA00;
	[sflag:s17] =	ssyncset.done $0x0  }
.LBB2_8:
0xda: {  	s1 =	sadd.s32 $0x1900, s2  }
0xdb: {  	[sflag:s17] =	ssyncadd.s32 $0xFFFFC000;
	s29 =	smov.u32 s28;
	s30 =	sadd.s32 $0x800, s28  }
0xdc: {  	[tilespmem:s21], [sflag:$0x2] =	stream.indirect.gather [hbm4b:s0+s19], $0x80, s1, s19, $0xb8;
	[tilespmem:$0x1F000] =	vst v63  }
0xdd: {  	p1 =	sne.s32 s28, $0xFFFFF800;
	_ =	swait.ge [sflag:s22], $0x4000  }
0xde: {  	[sflag:s22] =	ssyncset.done $0x0  }
0xdf: {  	s1 =	sadd.s32 $0x1880, s2;
	[sflag:s22] =	ssyncadd.s32 $0xFFFFC000  }
0xe0: {  	[spmem:s3] =	stream.indirect.scatter.add.f32 [tilespmem:s16], [sflag:$0x4], $0x80, s1, s19, $0xb8;
	[tilespmem:$0x1F000] =	vst v63  }
0xe1: {  	_ =	swait.ge [sflag:s17], $0x4000  }
0xe2: {  	[sflag:s17] =	ssyncset.done $0x0  }
0xe3: {  	s1 =	sadd.s32 $0x1A00, s2;
	[sflag:s17] =	ssyncadd.s32 $0xFFFFC000  }
0xe4: {  	[tilespmem:s16], [sflag:$0x1] =	stream.indirect.gather [hbm4b:s0+s19], $0x80, s1, s19, $0xb8;
	[tilespmem:$0x1F000] =	vst v63  }
0xe5: {  	_ =	swait.ge [sflag:s23], $0x4000  }
.Ltmp3:
0xe6: {  	[sflag:s23] =	ssyncset.done $0x0;
	(pc) =	sbr.rel @p1 .LBB2_8-.Ltmp3, $4  }
0xe7: {  	s1 =	sadd.s32 $0x1980, s2;
	[sflag:s23] =	ssyncadd.s32 $0xFFFFC000  }
0xe8: {  	[spmem:s3] =	stream.indirect.scatter.add.f32 [tilespmem:s21], [sflag:$0x4], $0x80, s1, s19, $0xb8;
	[tilespmem:$0x1F000] =	vst v63  }
0xe9: {  	_ =	swait.ge [sflag:s17], $0x4000  }
0xea: {  	s28 =	smov.u32 s30;
	s2 =	sshra.s32 s29, $0x2;
	[sflag:s17] =	ssyncset.done $0x0  }
0xeb: {  	s1 =	sadd.s32 $0x1900, s2;
	[sflag:s17] =	ssyncadd.s32 $0xFFFFC000  }
0xec: {  	[tilespmem:s21], [sflag:$0x2] =	stream.indirect.gather [hbm4b:s0+s19], $0x80, s1, s19, $0xb8;
	[tilespmem:$0x1F000] =	vst v63  }
0xed: {  	_ =	swait.ge [sflag:s22], $0x4000  }
0xee: {  	[sflag:s22] =	ssyncset.done $0x0  }
0xef: {  	s29 =	sadd.s32 $0x1880, s2;
	[sflag:s22] =	ssyncadd.s32 $0xFFFFC000  }
0xf0: {  	[spmem:s3] =	stream.indirect.scatter.add.f32 [tilespmem:s16], [sflag:$0x4], $0x80, s29, s19, $0xb8;
	[tilespmem:$0x1F000] =	vst v63  }
0xf1: {  	_ =	swait.ge [sflag:s17], $0x4000  }
0xf2: {  	[sflag:s17] =	ssyncset.done $0x0  }
0xf3: {  	s30 =	sadd.s32 $0x1A00, s2;
	[sflag:s17] =	ssyncadd.s32 $0xFFFFC000  }
0xf4: {  	[tilespmem:s16], [sflag:$0x1] =	stream.indirect.gather [hbm4b:s0+s19], $0x80, s30, s19, $0xb8;
	[tilespmem:$0x1F000] =	vst v63  }
0xf5: {  	_ =	swait.ge [sflag:s23], $0x4000  }
0xf6: {  	[sflag:s23] =	ssyncset.done $0x0  }
0xf7: {  	s28 =	sadd.s32 $0x1980, s2;
	[sflag:s23] =	ssyncadd.s32 $0xFFFFC000  }
0xf8: {  	[spmem:s3] =	stream.indirect.scatter.add.f32 [tilespmem:s21], [sflag:$0x4], $0x80, s28, s19, $0xb8;
	[tilespmem:$0x1F000] =	vst v63  }
0xf9: {  	_ =	swait.ge [sflag:s17], $0x4000  }
0xfa: {  	[sflag:s17] =	ssyncset.done $0x0  }
0xfb: {  	[sflag:s17] =	ssyncadd.s32 $0xFFFFC000  }
0xfc: {  	[tilespmem:s21], [sflag:$0x2] =	stream.indirect.gather [hbm4b:s0+s19], $0x80, s24, s19, $0xb8;
	[tilespmem:$0x1F000] =	vst v63  }
0xfd: {  	_ =	swait.ge [sflag:s22], $0x4000  }
0xfe: {  	[sflag:s22] =	ssyncset.done $0x0  }
0xff: {  	[sflag:s22] =	ssyncadd.s32 $0xFFFFC000  }
0x100: {  	[spmem:s3] =	stream.indirect.scatter.add.f32 [tilespmem:s16], [sflag:$0x4], $0x80, s25, s19, $0xb8;
	[tilespmem:$0x1F000] =	vst v63  }
0x101: {  	_ =	swait.ge [sflag:s17], $0x4000  }
0x102: {  	[sflag:s17] =	ssyncset.done $0x0  }
0x103: {  	[sflag:s17] =	ssyncadd.s32 $0xFFFFC000  }
0x104: {  	_ =	swait.ge [sflag:s23], $0x4000  }
0x105: {  	[sflag:s23] =	ssyncset.done $0x0  }
0x106: {  	[sflag:s23] =	ssyncadd.s32 $0xFFFFC000  }
0x107: {  	[spmem:s3] =	stream.indirect.scatter.add.f32 [tilespmem:s21], [sflag:$0x4], $0x80, s26, s19, $0xb8;
	[tilespmem:$0x1F000] =	vst v63  }
0x108: {  	_ =	swait.ge [sflag:s17], $0x4000  }
0x109: {  	[sflag:s17] =	ssyncset.done $0x0  }
0x10a: {  	s2 =	simm.s32 @!p0 $0x4;
	s1 =	simm.s32 @!p0 $0x0;
	[sflag:s17] =	ssyncadd.s32 $0xFFFFC000  }
0x10b: {  	[tilespmem:s1], [sflag:$0x4] =	stream.linear.gather @!p0 [hbm4b:s13+s1], $0x100, $0x38;
	[tilespmem:$0x1F000] =	vst v63  }
0x10c: {  	_ =	swait.ge @!p0 [sflag:s2], $0x100  }
0x10d: {  	[sflag:s2] =	ssyncset.done @!p0 $0x0  }
0x10e: {  	s29 =	simm.s32 @!p0 $0x3400;
	s28 =	simm.s32 @!p0 $0x80;
	[sflag:s2] =	ssyncadd.s32 @!p0 $0xFFFFFF00  }
0x10f: {  	[tilespmem:s29], [sflag:$0x1] =	stream.indirect.gather @!p0 [hbm4b:s0+s28], $0x80, s1, s28, $0xb8;
	[tilespmem:$0x1F000] =	vst v63  }
0x110: {  	s1 =	simm.s32 @!p0 $0x1  }
0x111: {  	_ =	swait.ge @!p0 [sflag:s1], $0x4000  }
0x112: {  	[sflag:s1] =	ssyncset.done @!p0 $0x0  }
0x113: {  	[sflag:s1] =	ssyncadd.s32 @!p0 $0xFFFFC000  }
0x114: {  	[spmem:s3] =	stream.indirect.scatter.add.f32 @!p0 [tilespmem:s29], [sflag:$0x4], $0x80, s28, s28, $0xb8;
	[tilespmem:$0x1F000] =	vst v63  }
0x115: {  	s31 =	sadd.s32 $0x1, s31;
	_ =	swait.ge @!p0 [sflag:s2], $0x4000  }
0x116: {  	p1 =	sne.s32 s31, s15;
	s29 =	stileid.u32;
	[sflag:s2] =	ssyncset.done @!p0 $0x0  }
0x117: {  	s30 =	sshrl.u32 s5, $0x3;
	s1 =	sshll.u32 s29, $0x6;
	[sflag:s2] =	ssyncadd.s32 @!p0 $0xFFFFC000  }
.Ltmp4:
0x118: {  	s1 =	sor.u32 $0x1C04, s1;
	[bflag:$0x0] =	sbarrier.arrive $0xFFFF;
	(pc) =	sbr.rel @p1 .LBB2_1-.Ltmp4, $4  }
0x119: {  	[hbm:s14], [sflag:s1] =	dma.local [spmem:s30], $0x2780  }
0x11a: {  	_ =	swait.ge [sflag:s17], $0x2780  }
0x11b: {  	[sflag:s17] =	ssyncset.done $0x0  }
0x11c: {  	[sflag:s17] =	ssyncadd.s32 $0xFFFFD880  }
0x11d: {  	_ =	sfence.sel $0x180000  }
0x11e: {  	[bflag:$0x0] =	sbarrier.arrive $0xFFFF  }
0x11f: {  	_ =	strace $0x9000004A  }
0x120: {  	s0 =	stileid.u32;
	[bflag:$0x2] =	sbarrier.arrive $0xFFFF  }
0x121: {  	p0 =	sne.s32 s0, $0x0;
	s0 =	rddreg [dreg:$0x4]  }
0x122: {  	s0 =	sadd.s32 @!p0 $0x100000, s0  }
0x123: {  	[sflag:s0] =	ssyncadd.tile.s32 @!p0 $0x1;
	_ =	shalt  }
.Lfunc_end2:
_tile_overlayer_lowered:
.L_overlay_start_2:
0x124: {  	(tag) =	ssettag $0x2  }
0x125: {  	s0 =	rddreg [dreg:$0x0];
	s2 =	stileid.u32  }
0x126: {  	s1 =	rddreg [dreg:$0x1];
	p0 =	sne.s32 s2, $0x0  }
0x127: {  	s3 =	rddreg [dreg:$0x2];
	[bflag:$0x3] =	sbarrier.arrive $0xFFFF;
	s2 =	simm.s32 @!p0 $0x1C04  }
0x128: {  	[timem:s3], [sflag:s2] =	dma.local @!p0 [hbm:s0], s1  }
0x129: {  	s0 =	simm.s32 @!p0 $0x4  }
0x12a: {  	_ =	swait.ge @!p0 [sflag:s0], s1  }
0x12b: {  	s1 =	ssub.s32 @!p0 $0x0, s1;
	[sflag:s0] =	ssyncset.done @!p0 $0x0  }
0x12c: {  	[sflag:s0] =	ssyncadd.s32 @!p0 s1  }
0x12d: {  	[bflag:$0x3] =	sbarrier.arrive $0xFFFF  }
0x12e: {  	_ =	shalt  }

</sc_bundles>
